<compile_context>
chip_gen: v7x
topology: tpu7x:2x2x1
jax: 0.10.2.dev20260603
libtpu: 0.0.44.dev20260713+nightly
codegen_flags: <defaults>
</compile_context>

<pallas_src>
import functools

import jax
import jax.numpy as jnp
from jax import lax
from jax.experimental import pallas as pl
from jax.experimental.pallas import tpu as pltpu
from jax.experimental.pallas import tpu_sc as plsc

B, N, K = 4, 2048, 16
DP, DM = 128, 256
NSEL = 2 * K
TOT = B * N * K

RA = 512
RB = 128
RD = 128



def _proj_body(f_ref, xyz_ref, W1_ref, b1_ref, Wq_ref, Wk_ref, Wv_ref,
               Wd1_ref, q_ref, xk_ref, xv_ref, p_ref):
    x = jnp.dot(f_ref[...], W1_ref[...], preferred_element_type=jnp.float32)
    x = x + b1_ref[...]
    q_ref[...] = jnp.dot(x, Wq_ref[...], preferred_element_type=jnp.float32)
    xk = jnp.dot(x, Wk_ref[...],
                 preferred_element_type=jnp.float32).astype(jnp.bfloat16)
    xv = jnp.dot(x, Wv_ref[...],
                 preferred_element_type=jnp.float32).astype(jnp.bfloat16)
    xk_ref[...] = pltpu.bitcast(xk.reshape(RA * 2, DM // 2), jnp.float32)
    xv_ref[...] = pltpu.bitcast(xv.reshape(RA * 2, DM // 2), jnp.float32)
    pp = jnp.dot(xyz_ref[...], Wd1_ref[...],
                 preferred_element_type=jnp.float32).astype(jnp.bfloat16)
    p_ref[...] = pltpu.bitcast(pp.reshape(RA * 2, DM // 2), jnp.float32)


def _run_proj(ff, xyzf, W1, b1, Wq, Wk, Wv, Wd1):
    nb = (B * N) // RA

    def full(shape):
        return pl.BlockSpec(shape, lambda i: tuple(0 for _ in shape))

    return pl.pallas_call(
        _proj_body,
        grid=(nb,),
        in_specs=[
            pl.BlockSpec((RA, DP), lambda i: (i, 0)),
            pl.BlockSpec((RA, 3), lambda i: (i, 0)),
            full((DP, DM)), full((1, DM)), full((DM, DM)), full((DM, DM)),
            full((DM, DM)), full((3, DM)),
        ],
        out_specs=[
            pl.BlockSpec((RA, DM), lambda i: (i, 0)),
            pl.BlockSpec((RA, DM // 2), lambda i: (i, 0)),
            pl.BlockSpec((RA, DM // 2), lambda i: (i, 0)),
            pl.BlockSpec((RA, DM // 2), lambda i: (i, 0)),
        ],
        out_shape=[
            jax.ShapeDtypeStruct((B * N, DM), jnp.float32),
            jax.ShapeDtypeStruct((B * N, DM // 2), jnp.float32),
            jax.ShapeDtypeStruct((B * N, DM // 2), jnp.float32),
            jax.ShapeDtypeStruct((B * N, DM // 2), jnp.float32),
        ],
    )(ff, xyzf, W1, b1, Wq, Wk, Wv, Wd1)



def _topk_body(xyz_ref, xyzT_ref, idx_ref, b0):
    b = pl.program_id(0) + b0
    xi = xyz_ref[...]
    xT = xyzT_ref[0]
    dot = jnp.dot(xi, xT, preferred_element_type=jnp.float32)
    ni = jnp.sum(xi * xi, axis=1, keepdims=True)
    nj = jnp.sum(xT * xT, axis=0, keepdims=True)
    d = (-2.0 * dot + ni) + nj
    col = lax.broadcasted_iota(jnp.int32, (RB, N), 1)
    colk = lax.broadcasted_iota(jnp.int32, (RB, K), 1)

    def body(t, carry):
        d, acc = carry
        m = jnp.min(d, axis=1, keepdims=True)
        sel = jnp.where(d == m, col, N)
        j = jnp.min(sel, axis=1, keepdims=True)
        keep = jnp.logical_and(t % 2 == 0, colk == (t // 2))
        acc = jnp.where(keep, j, acc)
        d = jnp.where(col == j, jnp.inf, d)
        return d, acc

    _, acc = lax.fori_loop(
        0, NSEL, body, (d, jnp.zeros((RB, K), jnp.int32)))
    idx_ref[...] = acc + b * N


def _run_topk(xyzf, xyzT, h, bh):
    nb = N // RB

    def body(xyz_ref, xyzT_ref, idx_ref):
        _topk_body(xyz_ref, xyzT_ref, idx_ref, h * bh)

    return pl.pallas_call(
        body,
        grid=(bh, nb),
        in_specs=[
            pl.BlockSpec((RB, 3), lambda b, j: ((h * bh + b) * nb + j, 0)),
            pl.BlockSpec((1, 3, N), lambda b, j: (h * bh + b, 0, 0)),
        ],
        out_specs=pl.BlockSpec((RB, K), lambda b, j: (b * nb + j, 0)),
        out_shape=jax.ShapeDtypeStruct((bh * N, K), jnp.int32),
    )(xyzf, xyzT)



_NC, _NS = 2, 16
NW = _NC * _NS
BPW = TOT // NW
CH = 128


def _gather3(idx, kt, vt, pt):
    tot = idx.shape[0]
    bpw = tot // NW
    mesh = plsc.VectorSubcoreMesh(core_axis_name="c", subcore_axis_name="s")

    @functools.partial(
        pl.kernel, mesh=mesh,
        out_type=[jax.ShapeDtypeStruct((tot, DM // 2), jnp.float32)] * 3,
        scratch_types=[
            pltpu.VMEM((CH,), jnp.int32),
            pltpu.VMEM((CH, DM // 2), jnp.float32),
            pltpu.VMEM((CH, DM // 2), jnp.float32),
            pltpu.VMEM((CH, DM // 2), jnp.float32),
            pltpu.SemaphoreType.DMA,
        ],
    )
    def k(idx_hbm, kt_hbm, vt_hbm, pt_hbm, ko_hbm, vo_hbm, po_hbm,
          idx_v, kb, vb, pb, sem):
        wid = lax.axis_index("s") * _NC + lax.axis_index("c")
        base = wid * bpw

        def step(c, carry):
            off = base + c * CH
            pltpu.sync_copy(idx_hbm.at[pl.ds(off, CH)], idx_v)
            pltpu.async_copy(kt_hbm.at[idx_v], kb, sem).wait()
            pltpu.async_copy(vt_hbm.at[idx_v], vb, sem).wait()
            pltpu.async_copy(pt_hbm.at[idx_v], pb, sem).wait()
            pltpu.sync_copy(kb, ko_hbm.at[pl.ds(off, CH)])
            pltpu.sync_copy(vb, vo_hbm.at[pl.ds(off, CH)])
            pltpu.sync_copy(pb, po_hbm.at[pl.ds(off, CH)])
            return carry

        lax.fori_loop(0, bpw // CH, step, 0)

    return k(idx, kt, vt, pt)



def _attn_body(q_ref, p_ref, f_ref, kg_ref, vg_ref, pg_ref,
               bd1_ref, Wd2_ref, bd2_ref, Wg1_ref, bg1_ref,
               Wg2_ref, bg2_ref, W2_ref, b2_ref,
               res_ref, attn_ref):
    pi = (pltpu.bitcast(p_ref[...], jnp.bfloat16)
          .reshape(RD, DM).astype(jnp.float32))
    pg3 = (pltpu.bitcast(pg_ref[...], jnp.bfloat16)
           .reshape(RD, K, DM).astype(jnp.float32))
    t = jnp.maximum(pi[:, None, :] - pg3 + bd1_ref[...], 0.0)
    pos = jnp.dot(t.reshape(RD * K, DM), Wd2_ref[...],
                  preferred_element_type=jnp.float32) + bd2_ref[...]
    pos3 = pos.reshape(RD, K, DM)
    kg3 = (pltpu.bitcast(kg_ref[...], jnp.bfloat16)
           .reshape(RD, K, DM).astype(jnp.float32))
    g3 = q_ref[...][:, None, :] - kg3 + pos3
    h = jnp.maximum(
        jnp.dot(g3.reshape(RD * K, DM), Wg1_ref[...],
                preferred_element_type=jnp.float32) + bg1_ref[...], 0.0)
    h = jnp.dot(h, Wg2_ref[...],
                preferred_element_type=jnp.float32) + bg2_ref[...]
    h3 = h.reshape(RD, K, DM) * (1.0 / 16.0)
    m = jnp.max(h3, axis=1, keepdims=True)
    e = jnp.exp(h3 - m)
    s = jnp.sum(e, axis=1, keepdims=True)
    a3 = e / s
    attn_ref[...] = a3.reshape(RD * K, DM)
    vg3 = (pltpu.bitcast(vg_ref[...], jnp.bfloat16)
           .reshape(RD, K, DM).astype(jnp.float32))
    out = jnp.sum(a3 * (vg3 + pos3), axis=1)
    res_ref[...] = (jnp.dot(out, W2_ref[...],
                            preferred_element_type=jnp.float32)
                    + b2_ref[...] + f_ref[...])


def _run_attn(q, p, ff, kg, vg, pg,
              bd1, Wd2, bd2, Wg1, bg1, Wg2, bg2, W2, b2, h, bh,
              res_in, attn_in):
    rows = bh * N
    nb = rows // RD
    o = h * nb

    def full(shape):
        return pl.BlockSpec(shape, lambda i: tuple(0 for _ in shape))

    in_specs = [
        pl.BlockSpec((RD, DM), lambda i: (o + i, 0)),
        pl.BlockSpec((RD, DM // 2), lambda i: (o + i, 0)),
        pl.BlockSpec((RD, DP), lambda i: (o + i, 0)),
        pl.BlockSpec((RD * K, DM // 2), lambda i: (i, 0)),
        pl.BlockSpec((RD * K, DM // 2), lambda i: (i, 0)),
        pl.BlockSpec((RD * K, DM // 2), lambda i: (i, 0)),
        full((1, DM)), full((DM, DM)), full((1, DM)),
        full((DM, DM)), full((1, DM)), full((DM, DM)), full((1, DM)),
        full((DM, DP)), full((1, DP)),
    ]
    args = [q, p, ff, kg, vg, pg, bd1, Wd2, bd2, Wg1, bg1, Wg2, bg2, W2, b2]
    body = _attn_body
    aliases = {}
    if h > 0:
        in_specs = in_specs + [pl.BlockSpec(memory_space=pl.ANY)] * 2
        args = args + [res_in, attn_in]
        aliases = {15: 0, 16: 1}
        body = lambda *rs: _attn_body(*rs[:15], rs[17], rs[18])

    return pl.pallas_call(
        body,
        grid=(nb,),
        in_specs=in_specs,
        out_specs=[
            pl.BlockSpec((RD, DP), lambda i: (o + i, 0)),
            pl.BlockSpec((RD * K, DM), lambda i: (o + i, 0)),
        ],
        out_shape=[
            jax.ShapeDtypeStruct((B * N, DP), jnp.float32),
            jax.ShapeDtypeStruct((TOT, DM), jnp.float32),
        ],
        input_output_aliases=aliases,
    )(*args)



def kernel(xyz, features, W1, b1, W2, b2, Wd1, bd1, Wd2, bd2,
           Wg1, bg1, Wg2, bg2, Wq, Wk, Wv):
    xyzf = xyz.reshape(B * N, 3)
    ff = features.reshape(B * N, DP)
    xyzT = jnp.swapaxes(xyz, 1, 2)

    q, xk, xv, p = _run_proj(ff, xyzf, W1, b1.reshape(1, DM), Wq, Wk, Wv, Wd1)

    bh = 1
    biases = (bd1.reshape(1, DM), Wd2, bd2.reshape(1, DM),
              Wg1, bg1.reshape(1, DM), Wg2, bg2.reshape(1, DM),
              W2, b2.reshape(1, DP))
    idxs = [_run_topk(xyzf, xyzT, h, bh).reshape(bh * N * K)
            for h in range(B)]
    gs = [_gather3(i, xk, xv, p) for i in idxs]
    res, attn = None, None
    for h, g in enumerate(gs):
        res, attn = _run_attn(q, p, ff, *g, *biases, h, bh, res, attn)
    return res.reshape(B, N, DP), attn.reshape(B, N, K, DM)

# --- scband reference (transcript-rebuilt; emitter-appended) ---
"""Pipeline reference for scband-self-attention-block-88940182766146 (READ-ONLY COPY).

The authoritative reference and input builder live on the scoring server;
editing this copy changes nothing except your own understanding.
"""

import jax, jax.numpy as jnp
import numpy as np

D_POINTS = 128
D_MODEL = 256
K = 16

def square_distance(src, dst):
    d = -2.0 * jnp.einsum('bnc,bmc->bnm', src, dst)
    d = d + jnp.sum(src ** 2, -1)[:, :, None]
    d = d + jnp.sum(dst ** 2, -1)[:, None, :]
    return d

def index_points(points, idx):
    # points: [b, n, c], idx: [b, m, k] -> [b, m, k, c]
    return jax.vmap(lambda p, i: p[i])(points, idx)

def setup_inputs(seed: int = 0):
    key = jax.random.key(seed)
    ks = jax.random.split(key, 20)
    b, n = 4, 2048
    s_in = 1.0 / np.sqrt(D_POINTS)
    s_m = 1.0 / np.sqrt(D_MODEL)
    s3 = 1.0 / np.sqrt(3.0)
    inp = {
        'xyz': jax.random.normal(ks[0], (b, n, 3), jnp.float32),
        'features': jax.random.normal(ks[1], (b, n, D_POINTS), jnp.float32),
        'W1': jax.random.uniform(ks[2], (D_POINTS, D_MODEL), jnp.float32, -s_in, s_in),
        'b1': jax.random.uniform(ks[3], (D_MODEL,), jnp.float32, -s_in, s_in),
        'W2': jax.random.uniform(ks[4], (D_MODEL, D_POINTS), jnp.float32, -s_m, s_m),
        'b2': jax.random.uniform(ks[5], (D_POINTS,), jnp.float32, -s_m, s_m),
        'Wd1': jax.random.uniform(ks[6], (3, D_MODEL), jnp.float32, -s3, s3),
        'bd1': jax.random.uniform(ks[7], (D_MODEL,), jnp.float32, -s3, s3),
        'Wd2': jax.random.uniform(ks[8], (D_MODEL, D_MODEL), jnp.float32, -s_m, s_m),
        'bd2': jax.random.uniform(ks[9], (D_MODEL,), jnp.float32, -s_m, s_m),
        'Wg1': jax.random.uniform(ks[10], (D_MODEL, D_MODEL), jnp.float32, -s_m, s_m),
        'bg1': jax.random.uniform(ks[11], (D_MODEL,), jnp.float32, -s_m, s_m),
        'Wg2': jax.random.uniform(ks[12], (D_MODEL, D_MODEL), jnp.float32, -s_m, s_m),
        'bg2': jax.random.uniform(ks[13], (D_MODEL,), jnp.float32, -s_m, s_m),
        'Wq': jax.random.uniform(ks[14], (D_MODEL, D_MODEL), jnp.float32, -s_m, s_m),
        'Wk': jax.random.uniform(ks[15], (D_MODEL, D_MODEL), jnp.float32, -s_m, s_m),
        'Wv': jax.random.uniform(ks[16], (D_MODEL, D_MODEL), jnp.float32, -s_m, s_m),
    }
    return inp

def reference(xyz, features, W1, b1, W2, b2, Wd1, bd1, Wd2, bd2, Wg1, bg1, Wg2, bg2, Wq, Wk, Wv):
    # Dropout layers act as identity in eval mode.
    dists = square_distance(xyz, xyz)
    knn_idx = jnp.argsort(dists, axis=-1)[:, :, :K * 2:2]  # [b, n, K]
    knn_xyz = index_points(xyz, knn_idx)  # [b, n, K, 3]
    pre = features
    x = features @ W1 + b1  # fc1
    q = x @ Wq
    k = index_points(x @ Wk, knn_idx)  # [b, n, K, d_model]
    v = index_points(x @ Wv, knn_idx)
    delta = xyz[:, :, None, :] - knn_xyz
    pos_enc = jax.nn.relu(delta @ Wd1 + bd1) @ Wd2 + bd2  # fc_delta
    g = q[:, :, None, :] - k + pos_enc
    attn = jax.nn.relu(g @ Wg1 + bg1) @ Wg2 + bg2  # fc_gamma
    attn = jax.nn.softmax(attn / np.sqrt(D_MODEL), axis=-2)
    res = jnp.einsum('bmnf,bmnf->bmf', attn, v + pos_enc)
    res = res @ W2 + b2 + pre  # fc2 + residual
    return (res, attn)

if __name__ == "__main__":
    import jax
    _d = setup_inputs()
    print(jax.jit(kernel)(*tuple(_d.values())))

</pallas_src>

<mosaic_0001>
#map = affine_map<(d0, d1) -> (0)>
#map1 = affine_map<(d0, d1) -> (0, 0)>
module attributes {stable_mosaic.version = 14 : i64} {
  func.func @k(%arg0: i32, %arg1: i32, %arg2: memref<32768xi32, #tpu.memory_space<hbm>>, %arg3: memref<8192x128xf32, #tpu.memory_space<hbm>>, %arg4: memref<8192x128xf32, #tpu.memory_space<hbm>>, %arg5: memref<8192x128xf32, #tpu.memory_space<hbm>>, %arg6: memref<32768x128xf32, #tpu.memory_space<hbm>>, %arg7: memref<32768x128xf32, #tpu.memory_space<hbm>>, %arg8: memref<32768x128xf32, #tpu.memory_space<hbm>>, %arg9: memref<128xi32, #tpu.memory_space<vmem>>, %arg10: memref<128x128xf32, #tpu.memory_space<vmem>>, %arg11: memref<128x128xf32, #tpu.memory_space<vmem>>, %arg12: memref<128x128xf32, #tpu.memory_space<vmem>>, %arg13: memref<!tpu.dma_semaphore, #tpu.memory_space<semaphore_mem>>) attributes {dimension_semantics = [#tpu.dimension_semantics<core_parallel>, #tpu.dimension_semantics<subcore_parallel>], iteration_bounds = array<i64: 2, 16>, scalar_prefetch = 0 : i64, scratch_operands = 5 : i64, tpu.core_type = #tpu.core_type<sc_vector_subcore>, window_params = [{transform_indices = #map}, {transform_indices = #map1}, {transform_indices = #map1}, {transform_indices = #map1}, {transform_indices = #map1}, {transform_indices = #map1}, {transform_indices = #map1}]} {
    %mul3A = arith.constant 2 : i32
    %mul3A_0 = arith.muli %arg1, %mul3A : i32
    %add3A = arith.addi %mul3A_0, %arg0 : i32
    %mul3A_1 = arith.constant 1024 : i32
    %mul3A_2 = arith.muli %add3A, %mul3A_1 : i32
    %scan3A = arith.constant 0 : i32
    %scan3A_3 = arith.constant 0 : i32
    %scan3A_4 = arith.constant 8 : i32
    %scan3A_5 = arith.addi %scan3A_3, %scan3A_4 : i32
    %scan3A_6 = arith.constant 1 : i32
    scf.for %scan3A_8 = %scan3A_3 to %scan3A_5 step %scan3A_6  : i32 {
      %mul3A_9 = arith.constant 128 : i32
      %mul3A_10 = arith.muli %scan3A_8, %mul3A_9 : i32
      %add3A_11 = arith.addi %mul3A_2, %mul3A_10 : i32
      "tpu.region"() ({
        %run_scoped3A = tpu.sem_alloc : memref<!tpu.dma_semaphore, #tpu.memory_space<semaphore_mem>>
        %dma_start3A_28 = tpu.memref_slice %arg2[%add3A_11] : memref<32768xi32, #tpu.memory_space<hbm>> -> memref<128xi32, #tpu.memory_space<hbm>>
        %dma_start3A_29 = tpu.memref_slice %arg2[%add3A_11] : memref<32768xi32, #tpu.memory_space<hbm>> -> memref<128xi32, #tpu.memory_space<hbm>>
        tpu.enqueue_dma source(%dma_start3A_29 : memref<128xi32, #tpu.memory_space<hbm>>) target(%arg9 : memref<128xi32, #tpu.memory_space<vmem>>) target_semaphore(%run_scoped3A : memref<!tpu.dma_semaphore, #tpu.memory_space<semaphore_mem>>)
        %dma_wait3A_30 = tpu.memref_slice %arg2[%add3A_11] : memref<32768xi32, #tpu.memory_space<hbm>> -> memref<128xi32, #tpu.memory_space<hbm>>
        %dma_wait3A_31 = tpu.memref_slice %arg2[%add3A_11] : memref<32768xi32, #tpu.memory_space<hbm>> -> memref<128xi32, #tpu.memory_space<hbm>>
        tpu.wait_dma2 semaphore(%run_scoped3A : memref<!tpu.dma_semaphore, #tpu.memory_space<semaphore_mem>>) src(%dma_wait3A_31 : memref<128xi32, #tpu.memory_space<hbm>>) dst(%arg9 : memref<128xi32, #tpu.memory_space<vmem>>)
        tpu.yield
      }) : () -> ()
      %dma_start3A = arith.constant 0 : i32
      %dma_start3A_12 = arith.constant 0 : i32
      %dma_start3A_13 = tpu.memref_slice %arg3[%dma_start3A, %dma_start3A_12] : memref<8192x128xf32, #tpu.memory_space<hbm>> -> memref<8192x128xf32, #tpu.memory_space<hbm>>
      tpu.enqueue_indirect_dma source(%dma_start3A_13 : memref<8192x128xf32, #tpu.memory_space<hbm>>) target(%arg10 : memref<128x128xf32, #tpu.memory_space<vmem>>) offsets(%arg9 : memref<128xi32, #tpu.memory_space<vmem>>) semaphore(%arg13 : memref<!tpu.dma_semaphore, #tpu.memory_space<semaphore_mem>>)
      %dma_wait3A = arith.constant 0 : i32
      %dma_wait3A_14 = arith.constant 0 : i32
      %dma_wait3A_15 = tpu.memref_slice %arg3[%dma_wait3A, %dma_wait3A_14] : memref<8192x128xf32, #tpu.memory_space<hbm>> -> memref<8192x128xf32, #tpu.memory_space<hbm>>
      tpu.wait_indirect_dma semaphore(%arg13 : memref<!tpu.dma_semaphore, #tpu.memory_space<semaphore_mem>>) src(%dma_wait3A_15 : memref<8192x128xf32, #tpu.memory_space<hbm>>) dst(%arg10 : memref<128x128xf32, #tpu.memory_space<vmem>>)
      %dma_start3A_16 = arith.constant 0 : i32
      %dma_start3A_17 = arith.constant 0 : i32
      %dma_start3A_18 = tpu.memref_slice %arg4[%dma_start3A_16, %dma_start3A_17] : memref<8192x128xf32, #tpu.memory_space<hbm>> -> memref<8192x128xf32, #tpu.memory_space<hbm>>
      tpu.enqueue_indirect_dma source(%dma_start3A_18 : memref<8192x128xf32, #tpu.memory_space<hbm>>) target(%arg11 : memref<128x128xf32, #tpu.memory_space<vmem>>) offsets(%arg9 : memref<128xi32, #tpu.memory_space<vmem>>) semaphore(%arg13 : memref<!tpu.dma_semaphore, #tpu.memory_space<semaphore_mem>>)
      %dma_wait3A_19 = arith.constant 0 : i32
      %dma_wait3A_20 = arith.constant 0 : i32
      %dma_wait3A_21 = tpu.memref_slice %arg4[%dma_wait3A_19, %dma_wait3A_20] : memref<8192x128xf32, #tpu.memory_space<hbm>> -> memref<8192x128xf32, #tpu.memory_space<hbm>>
      tpu.wait_indirect_dma semaphore(%arg13 : memref<!tpu.dma_semaphore, #tpu.memory_space<semaphore_mem>>) src(%dma_wait3A_21 : memref<8192x128xf32, #tpu.memory_space<hbm>>) dst(%arg11 : memref<128x128xf32, #tpu.memory_space<vmem>>)
      %dma_start3A_22 = arith.constant 0 : i32
      %dma_start3A_23 = arith.constant 0 : i32
      %dma_start3A_24 = tpu.memref_slice %arg5[%dma_start3A_22, %dma_start3A_23] : memref<8192x128xf32, #tpu.memory_space<hbm>> -> memref<8192x128xf32, #tpu.memory_space<hbm>>
      tpu.enqueue_indirect_dma source(%dma_start3A_24 : memref<8192x128xf32, #tpu.memory_space<hbm>>) target(%arg12 : memref<128x128xf32, #tpu.memory_space<vmem>>) offsets(%arg9 : memref<128xi32, #tpu.memory_space<vmem>>) semaphore(%arg13 : memref<!tpu.dma_semaphore, #tpu.memory_space<semaphore_mem>>)
      %dma_wait3A_25 = arith.constant 0 : i32
      %dma_wait3A_26 = arith.constant 0 : i32
      %dma_wait3A_27 = tpu.memref_slice %arg5[%dma_wait3A_25, %dma_wait3A_26] : memref<8192x128xf32, #tpu.memory_space<hbm>> -> memref<8192x128xf32, #tpu.memory_space<hbm>>
      tpu.wait_indirect_dma semaphore(%arg13 : memref<!tpu.dma_semaphore, #tpu.memory_space<semaphore_mem>>) src(%dma_wait3A_27 : memref<8192x128xf32, #tpu.memory_space<hbm>>) dst(%arg12 : memref<128x128xf32, #tpu.memory_space<vmem>>)
      "tpu.region"() ({
        %run_scoped3A = tpu.sem_alloc : memref<!tpu.dma_semaphore, #tpu.memory_space<semaphore_mem>>
        %dma_start3A_28 = arith.constant 0 : i32
        %dma_start3A_29 = tpu.memref_slice %arg6[%add3A_11, %dma_start3A_28] : memref<32768x128xf32, #tpu.memory_space<hbm>> -> memref<128x128xf32, #tpu.memory_space<hbm>>
        %dma_start3A_30 = arith.constant 0 : i32
        %dma_start3A_31 = tpu.memref_slice %arg6[%add3A_11, %dma_start3A_30] : memref<32768x128xf32, #tpu.memory_space<hbm>> -> memref<128x128xf32, #tpu.memory_space<hbm>>
        tpu.enqueue_dma source(%arg10 : memref<128x128xf32, #tpu.memory_space<vmem>>) target(%dma_start3A_31 : memref<128x128xf32, #tpu.memory_space<hbm>>) target_semaphore(%run_scoped3A : memref<!tpu.dma_semaphore, #tpu.memory_space<semaphore_mem>>)
        %dma_wait3A_32 = arith.constant 0 : i32
        %dma_wait3A_33 = tpu.memref_slice %arg6[%add3A_11, %dma_wait3A_32] : memref<32768x128xf32, #tpu.memory_space<hbm>> -> memref<128x128xf32, #tpu.memory_space<hbm>>
        %dma_wait3A_34 = arith.constant 0 : i32
        %dma_wait3A_35 = tpu.memref_slice %arg6[%add3A_11, %dma_wait3A_34] : memref<32768x128xf32, #tpu.memory_space<hbm>> -> memref<128x128xf32, #tpu.memory_space<hbm>>
        tpu.wait_dma2 semaphore(%run_scoped3A : memref<!tpu.dma_semaphore, #tpu.memory_space<semaphore_mem>>) src(%arg10 : memref<128x128xf32, #tpu.memory_space<vmem>>) dst(%dma_wait3A_35 : memref<128x128xf32, #tpu.memory_space<hbm>>)
        tpu.yield
      }) : () -> ()
      "tpu.region"() ({
        %run_scoped3A = tpu.sem_alloc : memref<!tpu.dma_semaphore, #tpu.memory_space<semaphore_mem>>
        %dma_start3A_28 = arith.constant 0 : i32
        %dma_start3A_29 = tpu.memref_slice %arg7[%add3A_11, %dma_start3A_28] : memref<32768x128xf32, #tpu.memory_space<hbm>> -> memref<128x128xf32, #tpu.memory_space<hbm>>
        %dma_start3A_30 = arith.constant 0 : i32
        %dma_start3A_31 = tpu.memref_slice %arg7[%add3A_11, %dma_start3A_30] : memref<32768x128xf32, #tpu.memory_space<hbm>> -> memref<128x128xf32, #tpu.memory_space<hbm>>
        tpu.enqueue_dma source(%arg11 : memref<128x128xf32, #tpu.memory_space<vmem>>) target(%dma_start3A_31 : memref<128x128xf32, #tpu.memory_space<hbm>>) target_semaphore(%run_scoped3A : memref<!tpu.dma_semaphore, #tpu.memory_space<semaphore_mem>>)
        %dma_wait3A_32 = arith.constant 0 : i32
        %dma_wait3A_33 = tpu.memref_slice %arg7[%add3A_11, %dma_wait3A_32] : memref<32768x128xf32, #tpu.memory_space<hbm>> -> memref<128x128xf32, #tpu.memory_space<hbm>>
        %dma_wait3A_34 = arith.constant 0 : i32
        %dma_wait3A_35 = tpu.memref_slice %arg7[%add3A_11, %dma_wait3A_34] : memref<32768x128xf32, #tpu.memory_space<hbm>> -> memref<128x128xf32, #tpu.memory_space<hbm>>
        tpu.wait_dma2 semaphore(%run_scoped3A : memref<!tpu.dma_semaphore, #tpu.memory_space<semaphore_mem>>) src(%arg11 : memref<128x128xf32, #tpu.memory_space<vmem>>) dst(%dma_wait3A_35 : memref<128x128xf32, #tpu.memory_space<hbm>>)
        tpu.yield
      }) : () -> ()
      "tpu.region"() ({
        %run_scoped3A = tpu.sem_alloc : memref<!tpu.dma_semaphore, #tpu.memory_space<semaphore_mem>>
        %dma_start3A_28 = arith.constant 0 : i32
        %dma_start3A_29 = tpu.memref_slice %arg8[%add3A_11, %dma_start3A_28] : memref<32768x128xf32, #tpu.memory_space<hbm>> -> memref<128x128xf32, #tpu.memory_space<hbm>>
        %dma_start3A_30 = arith.constant 0 : i32
        %dma_start3A_31 = tpu.memref_slice %arg8[%add3A_11, %dma_start3A_30] : memref<32768x128xf32, #tpu.memory_space<hbm>> -> memref<128x128xf32, #tpu.memory_space<hbm>>
        tpu.enqueue_dma source(%arg12 : memref<128x128xf32, #tpu.memory_space<vmem>>) target(%dma_start3A_31 : memref<128x128xf32, #tpu.memory_space<hbm>>) target_semaphore(%run_scoped3A : memref<!tpu.dma_semaphore, #tpu.memory_space<semaphore_mem>>)
        %dma_wait3A_32 = arith.constant 0 : i32
        %dma_wait3A_33 = tpu.memref_slice %arg8[%add3A_11, %dma_wait3A_32] : memref<32768x128xf32, #tpu.memory_space<hbm>> -> memref<128x128xf32, #tpu.memory_space<hbm>>
        %dma_wait3A_34 = arith.constant 0 : i32
        %dma_wait3A_35 = tpu.memref_slice %arg8[%add3A_11, %dma_wait3A_34] : memref<32768x128xf32, #tpu.memory_space<hbm>> -> memref<128x128xf32, #tpu.memory_space<hbm>>
        tpu.wait_dma2 semaphore(%run_scoped3A : memref<!tpu.dma_semaphore, #tpu.memory_space<semaphore_mem>>) src(%arg12 : memref<128x128xf32, #tpu.memory_space<vmem>>) dst(%dma_wait3A_35 : memref<128x128xf32, #tpu.memory_space<hbm>>)
        tpu.yield
      }) : () -> ()
    }
    %scan3A_7 = arith.constant 8 : i32
    return
  }
}

#map = affine_map<(d0, d1) -> (0)>
#map1 = affine_map<(d0, d1) -> (0, 0)>
module attributes {stable_mosaic.version = 14 : i64} {
  func.func @k(%arg0: i32, %arg1: i32, %arg2: memref<32768xi32, #tpu.memory_space<hbm>>, %arg3: memref<8192x128xf32, #tpu.memory_space<hbm>>, %arg4: memref<8192x128xf32, #tpu.memory_space<hbm>>, %arg5: memref<8192x128xf32, #tpu.memory_space<hbm>>, %arg6: memref<32768x128xf32, #tpu.memory_space<hbm>>, %arg7: memref<32768x128xf32, #tpu.memory_space<hbm>>, %arg8: memref<32768x128xf32, #tpu.memory_space<hbm>>, %arg9: memref<128xi32, #tpu.memory_space<vmem>>, %arg10: memref<128x128xf32, #tpu.memory_space<vmem>>, %arg11: memref<128x128xf32, #tpu.memory_space<vmem>>, %arg12: memref<128x128xf32, #tpu.memory_space<vmem>>, %arg13: memref<!tpu.dma_semaphore, #tpu.memory_space<semaphore_mem>>) attributes {dimension_semantics = [#tpu.dimension_semantics<core_parallel>, #tpu.dimension_semantics<subcore_parallel>], iteration_bounds = array<i64: 2, 16>, scalar_prefetch = 0 : i64, scratch_operands = 5 : i64, tpu.core_type = #tpu.core_type<sc_vector_subcore>, window_params = [{transform_indices = #map}, {transform_indices = #map1}, {transform_indices = #map1}, {transform_indices = #map1}, {transform_indices = #map1}, {transform_indices = #map1}, {transform_indices = #map1}]} {
    %mul3A = arith.constant 2 : i32
    %mul3A_0 = arith.muli %arg1, %mul3A : i32
    %add3A = arith.addi %mul3A_0, %arg0 : i32
    %mul3A_1 = arith.constant 1024 : i32
    %mul3A_2 = arith.muli %add3A, %mul3A_1 : i32
    %scan3A = arith.constant 0 : i32
    %scan3A_3 = arith.constant 0 : i32
    %scan3A_4 = arith.constant 8 : i32
    %scan3A_5 = arith.addi %scan3A_3, %scan3A_4 : i32
    %scan3A_6 = arith.constant 1 : i32
    scf.for %scan3A_8 = %scan3A_3 to %scan3A_5 step %scan3A_6  : i32 {
      %mul3A_9 = arith.constant 128 : i32
      %mul3A_10 = arith.muli %scan3A_8, %mul3A_9 : i32
      %add3A_11 = arith.addi %mul3A_2, %mul3A_10 : i32
      "tpu.region"() ({
        %run_scoped3A = tpu.sem_alloc : memref<!tpu.dma_semaphore, #tpu.memory_space<semaphore_mem>>
        %dma_start3A_28 = tpu.memref_slice %arg2[%add3A_11] : memref<32768xi32, #tpu.memory_space<hbm>> -> memref<128xi32, #tpu.memory_space<hbm>>
        %dma_start3A_29 = tpu.memref_slice %arg2[%add3A_11] : memref<32768xi32, #tpu.memory_space<hbm>> -> memref<128xi32, #tpu.memory_space<hbm>>
        tpu.enqueue_dma source(%dma_start3A_29 : memref<128xi32, #tpu.memory_space<hbm>>) target(%arg9 : memref<128xi32, #tpu.memory_space<vmem>>) target_semaphore(%run_scoped3A : memref<!tpu.dma_semaphore, #tpu.memory_space<semaphore_mem>>)
        %dma_wait3A_30 = tpu.memref_slice %arg2[%add3A_11] : memref<32768xi32, #tpu.memory_space<hbm>> -> memref<128xi32, #tpu.memory_space<hbm>>
        %dma_wait3A_31 = tpu.memref_slice %arg2[%add3A_11] : memref<32768xi32, #tpu.memory_space<hbm>> -> memref<128xi32, #tpu.memory_space<hbm>>
        tpu.wait_dma2 semaphore(%run_scoped3A : memref<!tpu.dma_semaphore, #tpu.memory_space<semaphore_mem>>) src(%dma_wait3A_31 : memref<128xi32, #tpu.memory_space<hbm>>) dst(%arg9 : memref<128xi32, #tpu.memory_space<vmem>>)
        tpu.yield
      }) : () -> ()
      %dma_start3A = arith.constant 0 : i32
      %dma_start3A_12 = arith.constant 0 : i32
      %dma_start3A_13 = tpu.memref_slice %arg3[%dma_start3A, %dma_start3A_12] : memref<8192x128xf32, #tpu.memory_space<hbm>> -> memref<8192x128xf32, #tpu.memory_space<hbm>>
      tpu.enqueue_indirect_dma source(%dma_start3A_13 : memref<8192x128xf32, #tpu.memory_space<hbm>>) target(%arg10 : memref<128x128xf32, #tpu.memory_space<vmem>>) offsets(%arg9 : memref<128xi32, #tpu.memory_space<vmem>>) semaphore(%arg13 : memref<!tpu.dma_semaphore, #tpu.memory_space<semaphore_mem>>)
      %dma_wait3A = arith.constant 0 : i32
      %dma_wait3A_14 = arith.constant 0 : i32
      %dma_wait3A_15 = tpu.memref_slice %arg3[%dma_wait3A, %dma_wait3A_14] : memref<8192x128xf32, #tpu.memory_space<hbm>> -> memref<8192x128xf32, #tpu.memory_space<hbm>>
      tpu.wait_indirect_dma semaphore(%arg13 : memref<!tpu.dma_semaphore, #tpu.memory_space<semaphore_mem>>) src(%dma_wait3A_15 : memref<8192x128xf32, #tpu.memory_space<hbm>>) dst(%arg10 : memref<128x128xf32, #tpu.memory_space<vmem>>)
      %dma_start3A_16 = arith.constant 0 : i32
      %dma_start3A_17 = arith.constant 0 : i32
      %dma_start3A_18 = tpu.memref_slice %arg4[%dma_start3A_16, %dma_start3A_17] : memref<8192x128xf32, #tpu.memory_space<hbm>> -> memref<8192x128xf32, #tpu.memory_space<hbm>>
      tpu.enqueue_indirect_dma source(%dma_start3A_18 : memref<8192x128xf32, #tpu.memory_space<hbm>>) target(%arg11 : memref<128x128xf32, #tpu.memory_space<vmem>>) offsets(%arg9 : memref<128xi32, #tpu.memory_space<vmem>>) semaphore(%arg13 : memref<!tpu.dma_semaphore, #tpu.memory_space<semaphore_mem>>)
      %dma_wait3A_19 = arith.constant 0 : i32
      %dma_wait3A_20 = arith.constant 0 : i32
      %dma_wait3A_21 = tpu.memref_slice %arg4[%dma_wait3A_19, %dma_wait3A_20] : memref<8192x128xf32, #tpu.memory_space<hbm>> -> memref<8192x128xf32, #tpu.memory_space<hbm>>
      tpu.wait_indirect_dma semaphore(%arg13 : memref<!tpu.dma_semaphore, #tpu.memory_space<semaphore_mem>>) src(%dma_wait3A_21 : memref<8192x128xf32, #tpu.memory_space<hbm>>) dst(%arg11 : memref<128x128xf32, #tpu.memory_space<vmem>>)
      %dma_start3A_22 = arith.constant 0 : i32
      %dma_start3A_23 = arith.constant 0 : i32
      %dma_start3A_24 = tpu.memref_slice %arg5[%dma_start3A_22, %dma_start3A_23] : memref<8192x128xf32, #tpu.memory_space<hbm>> -> memref<8192x128xf32, #tpu.memory_space<hbm>>
      tpu.enqueue_indirect_dma source(%dma_start3A_24 : memref<8192x128xf32, #tpu.memory_space<hbm>>) target(%arg12 : memref<128x128xf32, #tpu.memory_space<vmem>>) offsets(%arg9 : memref<128xi32, #tpu.memory_space<vmem>>) semaphore(%arg13 : memref<!tpu.dma_semaphore, #tpu.memory_space<semaphore_mem>>)
      %dma_wait3A_25 = arith.constant 0 : i32
      %dma_wait3A_26 = arith.constant 0 : i32
      %dma_wait3A_27 = tpu.memref_slice %arg5[%dma_wait3A_25, %dma_wait3A_26] : memref<8192x128xf32, #tpu.memory_space<hbm>> -> memref<8192x128xf32, #tpu.memory_space<hbm>>
      tpu.wait_indirect_dma semaphore(%arg13 : memref<!tpu.dma_semaphore, #tpu.memory_space<semaphore_mem>>) src(%dma_wait3A_27 : memref<8192x128xf32, #tpu.memory_space<hbm>>) dst(%arg12 : memref<128x128xf32, #tpu.memory_space<vmem>>)
      "tpu.region"() ({
        %run_scoped3A = tpu.sem_alloc : memref<!tpu.dma_semaphore, #tpu.memory_space<semaphore_mem>>
        %dma_start3A_28 = arith.constant 0 : i32
        %dma_start3A_29 = tpu.memref_slice %arg6[%add3A_11, %dma_start3A_28] : memref<32768x128xf32, #tpu.memory_space<hbm>> -> memref<128x128xf32, #tpu.memory_space<hbm>>
        %dma_start3A_30 = arith.constant 0 : i32
        %dma_start3A_31 = tpu.memref_slice %arg6[%add3A_11, %dma_start3A_30] : memref<32768x128xf32, #tpu.memory_space<hbm>> -> memref<128x128xf32, #tpu.memory_space<hbm>>
        tpu.enqueue_dma source(%arg10 : memref<128x128xf32, #tpu.memory_space<vmem>>) target(%dma_start3A_31 : memref<128x128xf32, #tpu.memory_space<hbm>>) target_semaphore(%run_scoped3A : memref<!tpu.dma_semaphore, #tpu.memory_space<semaphore_mem>>)
        %dma_wait3A_32 = arith.constant 0 : i32
        %dma_wait3A_33 = tpu.memref_slice %arg6[%add3A_11, %dma_wait3A_32] : memref<32768x128xf32, #tpu.memory_space<hbm>> -> memref<128x128xf32, #tpu.memory_space<hbm>>
        %dma_wait3A_34 = arith.constant 0 : i32
        %dma_wait3A_35 = tpu.memref_slice %arg6[%add3A_11, %dma_wait3A_34] : memref<32768x128xf32, #tpu.memory_space<hbm>> -> memref<128x128xf32, #tpu.memory_space<hbm>>
        tpu.wait_dma2 semaphore(%run_scoped3A : memref<!tpu.dma_semaphore, #tpu.memory_space<semaphore_mem>>) src(%arg10 : memref<128x128xf32, #tpu.memory_space<vmem>>) dst(%dma_wait3A_35 : memref<128x128xf32, #tpu.memory_space<hbm>>)
        tpu.yield
      }) : () -> ()
      "tpu.region"() ({
        %run_scoped3A = tpu.sem_alloc : memref<!tpu.dma_semaphore, #tpu.memory_space<semaphore_mem>>
        %dma_start3A_28 = arith.constant 0 : i32
        %dma_start3A_29 = tpu.memref_slice %arg7[%add3A_11, %dma_start3A_28] : memref<32768x128xf32, #tpu.memory_space<hbm>> -> memref<128x128xf32, #tpu.memory_space<hbm>>
        %dma_start3A_30 = arith.constant 0 : i32
        %dma_start3A_31 = tpu.memref_slice %arg7[%add3A_11, %dma_start3A_30] : memref<32768x128xf32, #tpu.memory_space<hbm>> -> memref<128x128xf32, #tpu.memory_space<hbm>>
        tpu.enqueue_dma source(%arg11 : memref<128x128xf32, #tpu.memory_space<vmem>>) target(%dma_start3A_31 : memref<128x128xf32, #tpu.memory_space<hbm>>) target_semaphore(%run_scoped3A : memref<!tpu.dma_semaphore, #tpu.memory_space<semaphore_mem>>)
        %dma_wait3A_32 = arith.constant 0 : i32
        %dma_wait3A_33 = tpu.memref_slice %arg7[%add3A_11, %dma_wait3A_32] : memref<32768x128xf32, #tpu.memory_space<hbm>> -> memref<128x128xf32, #tpu.memory_space<hbm>>
        %dma_wait3A_34 = arith.constant 0 : i32
        %dma_wait3A_35 = tpu.memref_slice %arg7[%add3A_11, %dma_wait3A_34] : memref<32768x128xf32, #tpu.memory_space<hbm>> -> memref<128x128xf32, #tpu.memory_space<hbm>>
        tpu.wait_dma2 semaphore(%run_scoped3A : memref<!tpu.dma_semaphore, #tpu.memory_space<semaphore_mem>>) src(%arg11 : memref<128x128xf32, #tpu.memory_space<vmem>>) dst(%dma_wait3A_35 : memref<128x128xf32, #tpu.memory_space<hbm>>)
        tpu.yield
      }) : () -> ()
      "tpu.region"() ({
        %run_scoped3A = tpu.sem_alloc : memref<!tpu.dma_semaphore, #tpu.memory_space<semaphore_mem>>
        %dma_start3A_28 = arith.constant 0 : i32
        %dma_start3A_29 = tpu.memref_slice %arg8[%add3A_11, %dma_start3A_28] : memref<32768x128xf32, #tpu.memory_space<hbm>> -> memref<128x128xf32, #tpu.memory_space<hbm>>
        %dma_start3A_30 = arith.constant 0 : i32
        %dma_start3A_31 = tpu.memref_slice %arg8[%add3A_11, %dma_start3A_30] : memref<32768x128xf32, #tpu.memory_space<hbm>> -> memref<128x128xf32, #tpu.memory_space<hbm>>
        tpu.enqueue_dma source(%arg12 : memref<128x128xf32, #tpu.memory_space<vmem>>) target(%dma_start3A_31 : memref<128x128xf32, #tpu.memory_space<hbm>>) target_semaphore(%run_scoped3A : memref<!tpu.dma_semaphore, #tpu.memory_space<semaphore_mem>>)
        %dma_wait3A_32 = arith.constant 0 : i32
        %dma_wait3A_33 = tpu.memref_slice %arg8[%add3A_11, %dma_wait3A_32] : memref<32768x128xf32, #tpu.memory_space<hbm>> -> memref<128x128xf32, #tpu.memory_space<hbm>>
        %dma_wait3A_34 = arith.constant 0 : i32
        %dma_wait3A_35 = tpu.memref_slice %arg8[%add3A_11, %dma_wait3A_34] : memref<32768x128xf32, #tpu.memory_space<hbm>> -> memref<128x128xf32, #tpu.memory_space<hbm>>
        tpu.wait_dma2 semaphore(%run_scoped3A : memref<!tpu.dma_semaphore, #tpu.memory_space<semaphore_mem>>) src(%arg12 : memref<128x128xf32, #tpu.memory_space<vmem>>) dst(%dma_wait3A_35 : memref<128x128xf32, #tpu.memory_space<hbm>>)
        tpu.yield
      }) : () -> ()
    }
    %scan3A_7 = arith.constant 8 : i32
    return
  }
}

#map = affine_map<(d0, d1) -> (0)>
#map1 = affine_map<(d0, d1) -> (0, 0)>
module attributes {stable_mosaic.version = 14 : i64} {
  func.func @k(%arg0: i32, %arg1: i32, %arg2: memref<32768xi32, #tpu.memory_space<hbm>>, %arg3: memref<8192x128xf32, #tpu.memory_space<hbm>>, %arg4: memref<8192x128xf32, #tpu.memory_space<hbm>>, %arg5: memref<8192x128xf32, #tpu.memory_space<hbm>>, %arg6: memref<32768x128xf32, #tpu.memory_space<hbm>>, %arg7: memref<32768x128xf32, #tpu.memory_space<hbm>>, %arg8: memref<32768x128xf32, #tpu.memory_space<hbm>>, %arg9: memref<128xi32, #tpu.memory_space<vmem>>, %arg10: memref<128x128xf32, #tpu.memory_space<vmem>>, %arg11: memref<128x128xf32, #tpu.memory_space<vmem>>, %arg12: memref<128x128xf32, #tpu.memory_space<vmem>>, %arg13: memref<!tpu.dma_semaphore, #tpu.memory_space<semaphore_mem>>) attributes {dimension_semantics = [#tpu.dimension_semantics<core_parallel>, #tpu.dimension_semantics<subcore_parallel>], iteration_bounds = array<i64: 2, 16>, scalar_prefetch = 0 : i64, scratch_operands = 5 : i64, tpu.core_type = #tpu.core_type<sc_vector_subcore>, window_params = [{transform_indices = #map}, {transform_indices = #map1}, {transform_indices = #map1}, {transform_indices = #map1}, {transform_indices = #map1}, {transform_indices = #map1}, {transform_indices = #map1}]} {
    %mul3A = arith.constant 2 : i32
    %mul3A_0 = arith.muli %arg1, %mul3A : i32
    %add3A = arith.addi %mul3A_0, %arg0 : i32
    %mul3A_1 = arith.constant 1024 : i32
    %mul3A_2 = arith.muli %add3A, %mul3A_1 : i32
    %scan3A = arith.constant 0 : i32
    %scan3A_3 = arith.constant 0 : i32
    %scan3A_4 = arith.constant 8 : i32
    %scan3A_5 = arith.addi %scan3A_3, %scan3A_4 : i32
    %scan3A_6 = arith.constant 1 : i32
    scf.for %scan3A_8 = %scan3A_3 to %scan3A_5 step %scan3A_6  : i32 {
      %mul3A_9 = arith.constant 128 : i32
      %mul3A_10 = arith.muli %scan3A_8, %mul3A_9 : i32
      %add3A_11 = arith.addi %mul3A_2, %mul3A_10 : i32
      "tpu.region"() ({
        %run_scoped3A = tpu.sem_alloc : memref<!tpu.dma_semaphore, #tpu.memory_space<semaphore_mem>>
        %dma_start3A_28 = tpu.memref_slice %arg2[%add3A_11] : memref<32768xi32, #tpu.memory_space<hbm>> -> memref<128xi32, #tpu.memory_space<hbm>>
        %dma_start3A_29 = tpu.memref_slice %arg2[%add3A_11] : memref<32768xi32, #tpu.memory_space<hbm>> -> memref<128xi32, #tpu.memory_space<hbm>>
        tpu.enqueue_dma source(%dma_start3A_29 : memref<128xi32, #tpu.memory_space<hbm>>) target(%arg9 : memref<128xi32, #tpu.memory_space<vmem>>) target_semaphore(%run_scoped3A : memref<!tpu.dma_semaphore, #tpu.memory_space<semaphore_mem>>)
        %dma_wait3A_30 = tpu.memref_slice %arg2[%add3A_11] : memref<32768xi32, #tpu.memory_space<hbm>> -> memref<128xi32, #tpu.memory_space<hbm>>
        %dma_wait3A_31 = tpu.memref_slice %arg2[%add3A_11] : memref<32768xi32, #tpu.memory_space<hbm>> -> memref<128xi32, #tpu.memory_space<hbm>>
        tpu.wait_dma2 semaphore(%run_scoped3A : memref<!tpu.dma_semaphore, #tpu.memory_space<semaphore_mem>>) src(%dma_wait3A_31 : memref<128xi32, #tpu.memory_space<hbm>>) dst(%arg9 : memref<128xi32, #tpu.memory_space<vmem>>)
        tpu.yield
      }) : () -> ()
      %dma_start3A = arith.constant 0 : i32
      %dma_start3A_12 = arith.constant 0 : i32
      %dma_start3A_13 = tpu.memref_slice %arg3[%dma_start3A, %dma_start3A_12] : memref<8192x128xf32, #tpu.memory_space<hbm>> -> memref<8192x128xf32, #tpu.memory_space<hbm>>
      tpu.enqueue_indirect_dma source(%dma_start3A_13 : memref<8192x128xf32, #tpu.memory_space<hbm>>) target(%arg10 : memref<128x128xf32, #tpu.memory_space<vmem>>) offsets(%arg9 : memref<128xi32, #tpu.memory_space<vmem>>) semaphore(%arg13 : memref<!tpu.dma_semaphore, #tpu.memory_space<semaphore_mem>>)
      %dma_wait3A = arith.constant 0 : i32
      %dma_wait3A_14 = arith.constant 0 : i32
      %dma_wait3A_15 = tpu.memref_slice %arg3[%dma_wait3A, %dma_wait3A_14] : memref<8192x128xf32, #tpu.memory_space<hbm>> -> memref<8192x128xf32, #tpu.memory_space<hbm>>
      tpu.wait_indirect_dma semaphore(%arg13 : memref<!tpu.dma_semaphore, #tpu.memory_space<semaphore_mem>>) src(%dma_wait3A_15 : memref<8192x128xf32, #tpu.memory_space<hbm>>) dst(%arg10 : memref<128x128xf32, #tpu.memory_space<vmem>>)
      %dma_start3A_16 = arith.constant 0 : i32
      %dma_start3A_17 = arith.constant 0 : i32
      %dma_start3A_18 = tpu.memref_slice %arg4[%dma_start3A_16, %dma_start3A_17] : memref<8192x128xf32, #tpu.memory_space<hbm>> -> memref<8192x128xf32, #tpu.memory_space<hbm>>
      tpu.enqueue_indirect_dma source(%dma_start3A_18 : memref<8192x128xf32, #tpu.memory_space<hbm>>) target(%arg11 : memref<128x128xf32, #tpu.memory_space<vmem>>) offsets(%arg9 : memref<128xi32, #tpu.memory_space<vmem>>) semaphore(%arg13 : memref<!tpu.dma_semaphore, #tpu.memory_space<semaphore_mem>>)
      %dma_wait3A_19 = arith.constant 0 : i32
      %dma_wait3A_20 = arith.constant 0 : i32
      %dma_wait3A_21 = tpu.memref_slice %arg4[%dma_wait3A_19, %dma_wait3A_20] : memref<8192x128xf32, #tpu.memory_space<hbm>> -> memref<8192x128xf32, #tpu.memory_space<hbm>>
      tpu.wait_indirect_dma semaphore(%arg13 : memref<!tpu.dma_semaphore, #tpu.memory_space<semaphore_mem>>) src(%dma_wait3A_21 : memref<8192x128xf32, #tpu.memory_space<hbm>>) dst(%arg11 : memref<128x128xf32, #tpu.memory_space<vmem>>)
      %dma_start3A_22 = arith.constant 0 : i32
      %dma_start3A_23 = arith.constant 0 : i32
      %dma_start3A_24 = tpu.memref_slice %arg5[%dma_start3A_22, %dma_start3A_23] : memref<8192x128xf32, #tpu.memory_space<hbm>> -> memref<8192x128xf32, #tpu.memory_space<hbm>>
      tpu.enqueue_indirect_dma source(%dma_start3A_24 : memref<8192x128xf32, #tpu.memory_space<hbm>>) target(%arg12 : memref<128x128xf32, #tpu.memory_space<vmem>>) offsets(%arg9 : memref<128xi32, #tpu.memory_space<vmem>>) semaphore(%arg13 : memref<!tpu.dma_semaphore, #tpu.memory_space<semaphore_mem>>)
      %dma_wait3A_25 = arith.constant 0 : i32
      %dma_wait3A_26 = arith.constant 0 : i32
      %dma_wait3A_27 = tpu.memref_slice %arg5[%dma_wait3A_25, %dma_wait3A_26] : memref<8192x128xf32, #tpu.memory_space<hbm>> -> memref<8192x128xf32, #tpu.memory_space<hbm>>
      tpu.wait_indirect_dma semaphore(%arg13 : memref<!tpu.dma_semaphore, #tpu.memory_space<semaphore_mem>>) src(%dma_wait3A_27 : memref<8192x128xf32, #tpu.memory_space<hbm>>) dst(%arg12 : memref<128x128xf32, #tpu.memory_space<vmem>>)
      "tpu.region"() ({
        %run_scoped3A = tpu.sem_alloc : memref<!tpu.dma_semaphore, #tpu.memory_space<semaphore_mem>>
        %dma_start3A_28 = arith.constant 0 : i32
        %dma_start3A_29 = tpu.memref_slice %arg6[%add3A_11, %dma_start3A_28] : memref<32768x128xf32, #tpu.memory_space<hbm>> -> memref<128x128xf32, #tpu.memory_space<hbm>>
        %dma_start3A_30 = arith.constant 0 : i32
        %dma_start3A_31 = tpu.memref_slice %arg6[%add3A_11, %dma_start3A_30] : memref<32768x128xf32, #tpu.memory_space<hbm>> -> memref<128x128xf32, #tpu.memory_space<hbm>>
        tpu.enqueue_dma source(%arg10 : memref<128x128xf32, #tpu.memory_space<vmem>>) target(%dma_start3A_31 : memref<128x128xf32, #tpu.memory_space<hbm>>) target_semaphore(%run_scoped3A : memref<!tpu.dma_semaphore, #tpu.memory_space<semaphore_mem>>)
        %dma_wait3A_32 = arith.constant 0 : i32
        %dma_wait3A_33 = tpu.memref_slice %arg6[%add3A_11, %dma_wait3A_32] : memref<32768x128xf32, #tpu.memory_space<hbm>> -> memref<128x128xf32, #tpu.memory_space<hbm>>
        %dma_wait3A_34 = arith.constant 0 : i32
        %dma_wait3A_35 = tpu.memref_slice %arg6[%add3A_11, %dma_wait3A_34] : memref<32768x128xf32, #tpu.memory_space<hbm>> -> memref<128x128xf32, #tpu.memory_space<hbm>>
        tpu.wait_dma2 semaphore(%run_scoped3A : memref<!tpu.dma_semaphore, #tpu.memory_space<semaphore_mem>>) src(%arg10 : memref<128x128xf32, #tpu.memory_space<vmem>>) dst(%dma_wait3A_35 : memref<128x128xf32, #tpu.memory_space<hbm>>)
        tpu.yield
      }) : () -> ()
      "tpu.region"() ({
        %run_scoped3A = tpu.sem_alloc : memref<!tpu.dma_semaphore, #tpu.memory_space<semaphore_mem>>
        %dma_start3A_28 = arith.constant 0 : i32
        %dma_start3A_29 = tpu.memref_slice %arg7[%add3A_11, %dma_start3A_28] : memref<32768x128xf32, #tpu.memory_space<hbm>> -> memref<128x128xf32, #tpu.memory_space<hbm>>
        %dma_start3A_30 = arith.constant 0 : i32
        %dma_start3A_31 = tpu.memref_slice %arg7[%add3A_11, %dma_start3A_30] : memref<32768x128xf32, #tpu.memory_space<hbm>> -> memref<128x128xf32, #tpu.memory_space<hbm>>
        tpu.enqueue_dma source(%arg11 : memref<128x128xf32, #tpu.memory_space<vmem>>) target(%dma_start3A_31 : memref<128x128xf32, #tpu.memory_space<hbm>>) target_semaphore(%run_scoped3A : memref<!tpu.dma_semaphore, #tpu.memory_space<semaphore_mem>>)
        %dma_wait3A_32 = arith.constant 0 : i32
        %dma_wait3A_33 = tpu.memref_slice %arg7[%add3A_11, %dma_wait3A_32] : memref<32768x128xf32, #tpu.memory_space<hbm>> -> memref<128x128xf32, #tpu.memory_space<hbm>>
        %dma_wait3A_34 = arith.constant 0 : i32
        %dma_wait3A_35 = tpu.memref_slice %arg7[%add3A_11, %dma_wait3A_34] : memref<32768x128xf32, #tpu.memory_space<hbm>> -> memref<128x128xf32, #tpu.memory_space<hbm>>
        tpu.wait_dma2 semaphore(%run_scoped3A : memref<!tpu.dma_semaphore, #tpu.memory_space<semaphore_mem>>) src(%arg11 : memref<128x128xf32, #tpu.memory_space<vmem>>) dst(%dma_wait3A_35 : memref<128x128xf32, #tpu.memory_space<hbm>>)
        tpu.yield
      }) : () -> ()
      "tpu.region"() ({
        %run_scoped3A = tpu.sem_alloc : memref<!tpu.dma_semaphore, #tpu.memory_space<semaphore_mem>>
        %dma_start3A_28 = arith.constant 0 : i32
        %dma_start3A_29 = tpu.memref_slice %arg8[%add3A_11, %dma_start3A_28] : memref<32768x128xf32, #tpu.memory_space<hbm>> -> memref<128x128xf32, #tpu.memory_space<hbm>>
        %dma_start3A_30 = arith.constant 0 : i32
        %dma_start3A_31 = tpu.memref_slice %arg8[%add3A_11, %dma_start3A_30] : memref<32768x128xf32, #tpu.memory_space<hbm>> -> memref<128x128xf32, #tpu.memory_space<hbm>>
        tpu.enqueue_dma source(%arg12 : memref<128x128xf32, #tpu.memory_space<vmem>>) target(%dma_start3A_31 : memref<128x128xf32, #tpu.memory_space<hbm>>) target_semaphore(%run_scoped3A : memref<!tpu.dma_semaphore, #tpu.memory_space<semaphore_mem>>)
        %dma_wait3A_32 = arith.constant 0 : i32
        %dma_wait3A_33 = tpu.memref_slice %arg8[%add3A_11, %dma_wait3A_32] : memref<32768x128xf32, #tpu.memory_space<hbm>> -> memref<128x128xf32, #tpu.memory_space<hbm>>
        %dma_wait3A_34 = arith.constant 0 : i32
        %dma_wait3A_35 = tpu.memref_slice %arg8[%add3A_11, %dma_wait3A_34] : memref<32768x128xf32, #tpu.memory_space<hbm>> -> memref<128x128xf32, #tpu.memory_space<hbm>>
        tpu.wait_dma2 semaphore(%run_scoped3A : memref<!tpu.dma_semaphore, #tpu.memory_space<semaphore_mem>>) src(%arg12 : memref<128x128xf32, #tpu.memory_space<vmem>>) dst(%dma_wait3A_35 : memref<128x128xf32, #tpu.memory_space<hbm>>)
        tpu.yield
      }) : () -> ()
    }
    %scan3A_7 = arith.constant 8 : i32
    return
  }
}

#map = affine_map<(d0, d1) -> (0)>
#map1 = affine_map<(d0, d1) -> (0, 0)>
module attributes {stable_mosaic.version = 14 : i64} {
  func.func @k(%arg0: i32, %arg1: i32, %arg2: memref<32768xi32, #tpu.memory_space<hbm>>, %arg3: memref<8192x128xf32, #tpu.memory_space<hbm>>, %arg4: memref<8192x128xf32, #tpu.memory_space<hbm>>, %arg5: memref<8192x128xf32, #tpu.memory_space<hbm>>, %arg6: memref<32768x128xf32, #tpu.memory_space<hbm>>, %arg7: memref<32768x128xf32, #tpu.memory_space<hbm>>, %arg8: memref<32768x128xf32, #tpu.memory_space<hbm>>, %arg9: memref<128xi32, #tpu.memory_space<vmem>>, %arg10: memref<128x128xf32, #tpu.memory_space<vmem>>, %arg11: memref<128x128xf32, #tpu.memory_space<vmem>>, %arg12: memref<128x128xf32, #tpu.memory_space<vmem>>, %arg13: memref<!tpu.dma_semaphore, #tpu.memory_space<semaphore_mem>>) attributes {dimension_semantics = [#tpu.dimension_semantics<core_parallel>, #tpu.dimension_semantics<subcore_parallel>], iteration_bounds = array<i64: 2, 16>, scalar_prefetch = 0 : i64, scratch_operands = 5 : i64, tpu.core_type = #tpu.core_type<sc_vector_subcore>, window_params = [{transform_indices = #map}, {transform_indices = #map1}, {transform_indices = #map1}, {transform_indices = #map1}, {transform_indices = #map1}, {transform_indices = #map1}, {transform_indices = #map1}]} {
    %mul3A = arith.constant 2 : i32
    %mul3A_0 = arith.muli %arg1, %mul3A : i32
    %add3A = arith.addi %mul3A_0, %arg0 : i32
    %mul3A_1 = arith.constant 1024 : i32
    %mul3A_2 = arith.muli %add3A, %mul3A_1 : i32
    %scan3A = arith.constant 0 : i32
    %scan3A_3 = arith.constant 0 : i32
    %scan3A_4 = arith.constant 8 : i32
    %scan3A_5 = arith.addi %scan3A_3, %scan3A_4 : i32
    %scan3A_6 = arith.constant 1 : i32
    scf.for %scan3A_8 = %scan3A_3 to %scan3A_5 step %scan3A_6  : i32 {
      %mul3A_9 = arith.constant 128 : i32
      %mul3A_10 = arith.muli %scan3A_8, %mul3A_9 : i32
      %add3A_11 = arith.addi %mul3A_2, %mul3A_10 : i32
      "tpu.region"() ({
        %run_scoped3A = tpu.sem_alloc : memref<!tpu.dma_semaphore, #tpu.memory_space<semaphore_mem>>
        %dma_start3A_28 = tpu.memref_slice %arg2[%add3A_11] : memref<32768xi32, #tpu.memory_space<hbm>> -> memref<128xi32, #tpu.memory_space<hbm>>
        %dma_start3A_29 = tpu.memref_slice %arg2[%add3A_11] : memref<32768xi32, #tpu.memory_space<hbm>> -> memref<128xi32, #tpu.memory_space<hbm>>
        tpu.enqueue_dma source(%dma_start3A_29 : memref<128xi32, #tpu.memory_space<hbm>>) target(%arg9 : memref<128xi32, #tpu.memory_space<vmem>>) target_semaphore(%run_scoped3A : memref<!tpu.dma_semaphore, #tpu.memory_space<semaphore_mem>>)
        %dma_wait3A_30 = tpu.memref_slice %arg2[%add3A_11] : memref<32768xi32, #tpu.memory_space<hbm>> -> memref<128xi32, #tpu.memory_space<hbm>>
        %dma_wait3A_31 = tpu.memref_slice %arg2[%add3A_11] : memref<32768xi32, #tpu.memory_space<hbm>> -> memref<128xi32, #tpu.memory_space<hbm>>
        tpu.wait_dma2 semaphore(%run_scoped3A : memref<!tpu.dma_semaphore, #tpu.memory_space<semaphore_mem>>) src(%dma_wait3A_31 : memref<128xi32, #tpu.memory_space<hbm>>) dst(%arg9 : memref<128xi32, #tpu.memory_space<vmem>>)
        tpu.yield
      }) : () -> ()
      %dma_start3A = arith.constant 0 : i32
      %dma_start3A_12 = arith.constant 0 : i32
      %dma_start3A_13 = tpu.memref_slice %arg3[%dma_start3A, %dma_start3A_12] : memref<8192x128xf32, #tpu.memory_space<hbm>> -> memref<8192x128xf32, #tpu.memory_space<hbm>>
      tpu.enqueue_indirect_dma source(%dma_start3A_13 : memref<8192x128xf32, #tpu.memory_space<hbm>>) target(%arg10 : memref<128x128xf32, #tpu.memory_space<vmem>>) offsets(%arg9 : memref<128xi32, #tpu.memory_space<vmem>>) semaphore(%arg13 : memref<!tpu.dma_semaphore, #tpu.memory_space<semaphore_mem>>)
      %dma_wait3A = arith.constant 0 : i32
      %dma_wait3A_14 = arith.constant 0 : i32
      %dma_wait3A_15 = tpu.memref_slice %arg3[%dma_wait3A, %dma_wait3A_14] : memref<8192x128xf32, #tpu.memory_space<hbm>> -> memref<8192x128xf32, #tpu.memory_space<hbm>>
      tpu.wait_indirect_dma semaphore(%arg13 : memref<!tpu.dma_semaphore, #tpu.memory_space<semaphore_mem>>) src(%dma_wait3A_15 : memref<8192x128xf32, #tpu.memory_space<hbm>>) dst(%arg10 : memref<128x128xf32, #tpu.memory_space<vmem>>)
      %dma_start3A_16 = arith.constant 0 : i32
      %dma_start3A_17 = arith.constant 0 : i32
      %dma_start3A_18 = tpu.memref_slice %arg4[%dma_start3A_16, %dma_start3A_17] : memref<8192x128xf32, #tpu.memory_space<hbm>> -> memref<8192x128xf32, #tpu.memory_space<hbm>>
      tpu.enqueue_indirect_dma source(%dma_start3A_18 : memref<8192x128xf32, #tpu.memory_space<hbm>>) target(%arg11 : memref<128x128xf32, #tpu.memory_space<vmem>>) offsets(%arg9 : memref<128xi32, #tpu.memory_space<vmem>>) semaphore(%arg13 : memref<!tpu.dma_semaphore, #tpu.memory_space<semaphore_mem>>)
      %dma_wait3A_19 = arith.constant 0 : i32
      %dma_wait3A_20 = arith.constant 0 : i32
      %dma_wait3A_21 = tpu.memref_slice %arg4[%dma_wait3A_19, %dma_wait3A_20] : memref<8192x128xf32, #tpu.memory_space<hbm>> -> memref<8192x128xf32, #tpu.memory_space<hbm>>
      tpu.wait_indirect_dma semaphore(%arg13 : memref<!tpu.dma_semaphore, #tpu.memory_space<semaphore_mem>>) src(%dma_wait3A_21 : memref<8192x128xf32, #tpu.memory_space<hbm>>) dst(%arg11 : memref<128x128xf32, #tpu.memory_space<vmem>>)
      %dma_start3A_22 = arith.constant 0 : i32
      %dma_start3A_23 = arith.constant 0 : i32
      %dma_start3A_24 = tpu.memref_slice %arg5[%dma_start3A_22, %dma_start3A_23] : memref<8192x128xf32, #tpu.memory_space<hbm>> -> memref<8192x128xf32, #tpu.memory_space<hbm>>
      tpu.enqueue_indirect_dma source(%dma_start3A_24 : memref<8192x128xf32, #tpu.memory_space<hbm>>) target(%arg12 : memref<128x128xf32, #tpu.memory_space<vmem>>) offsets(%arg9 : memref<128xi32, #tpu.memory_space<vmem>>) semaphore(%arg13 : memref<!tpu.dma_semaphore, #tpu.memory_space<semaphore_mem>>)
      %dma_wait3A_25 = arith.constant 0 : i32
      %dma_wait3A_26 = arith.constant 0 : i32
      %dma_wait3A_27 = tpu.memref_slice %arg5[%dma_wait3A_25, %dma_wait3A_26] : memref<8192x128xf32, #tpu.memory_space<hbm>> -> memref<8192x128xf32, #tpu.memory_space<hbm>>
      tpu.wait_indirect_dma semaphore(%arg13 : memref<!tpu.dma_semaphore, #tpu.memory_space<semaphore_mem>>) src(%dma_wait3A_27 : memref<8192x128xf32, #tpu.memory_space<hbm>>) dst(%arg12 : memref<128x128xf32, #tpu.memory_space<vmem>>)
      "tpu.region"() ({
        %run_scoped3A = tpu.sem_alloc : memref<!tpu.dma_semaphore, #tpu.memory_space<semaphore_mem>>
        %dma_start3A_28 = arith.constant 0 : i32
        %dma_start3A_29 = tpu.memref_slice %arg6[%add3A_11, %dma_start3A_28] : memref<32768x128xf32, #tpu.memory_space<hbm>> -> memref<128x128xf32, #tpu.memory_space<hbm>>
        %dma_start3A_30 = arith.constant 0 : i32
        %dma_start3A_31 = tpu.memref_slice %arg6[%add3A_11, %dma_start3A_30] : memref<32768x128xf32, #tpu.memory_space<hbm>> -> memref<128x128xf32, #tpu.memory_space<hbm>>
        tpu.enqueue_dma source(%arg10 : memref<128x128xf32, #tpu.memory_space<vmem>>) target(%dma_start3A_31 : memref<128x128xf32, #tpu.memory_space<hbm>>) target_semaphore(%run_scoped3A : memref<!tpu.dma_semaphore, #tpu.memory_space<semaphore_mem>>)
        %dma_wait3A_32 = arith.constant 0 : i32
        %dma_wait3A_33 = tpu.memref_slice %arg6[%add3A_11, %dma_wait3A_32] : memref<32768x128xf32, #tpu.memory_space<hbm>> -> memref<128x128xf32, #tpu.memory_space<hbm>>
        %dma_wait3A_34 = arith.constant 0 : i32
        %dma_wait3A_35 = tpu.memref_slice %arg6[%add3A_11, %dma_wait3A_34] : memref<32768x128xf32, #tpu.memory_space<hbm>> -> memref<128x128xf32, #tpu.memory_space<hbm>>
        tpu.wait_dma2 semaphore(%run_scoped3A : memref<!tpu.dma_semaphore, #tpu.memory_space<semaphore_mem>>) src(%arg10 : memref<128x128xf32, #tpu.memory_space<vmem>>) dst(%dma_wait3A_35 : memref<128x128xf32, #tpu.memory_space<hbm>>)
        tpu.yield
      }) : () -> ()
      "tpu.region"() ({
        %run_scoped3A = tpu.sem_alloc : memref<!tpu.dma_semaphore, #tpu.memory_space<semaphore_mem>>
        %dma_start3A_28 = arith.constant 0 : i32
        %dma_start3A_29 = tpu.memref_slice %arg7[%add3A_11, %dma_start3A_28] : memref<32768x128xf32, #tpu.memory_space<hbm>> -> memref<128x128xf32, #tpu.memory_space<hbm>>
        %dma_start3A_30 = arith.constant 0 : i32
        %dma_start3A_31 = tpu.memref_slice %arg7[%add3A_11, %dma_start3A_30] : memref<32768x128xf32, #tpu.memory_space<hbm>> -> memref<128x128xf32, #tpu.memory_space<hbm>>
        tpu.enqueue_dma source(%arg11 : memref<128x128xf32, #tpu.memory_space<vmem>>) target(%dma_start3A_31 : memref<128x128xf32, #tpu.memory_space<hbm>>) target_semaphore(%run_scoped3A : memref<!tpu.dma_semaphore, #tpu.memory_space<semaphore_mem>>)
        %dma_wait3A_32 = arith.constant 0 : i32
        %dma_wait3A_33 = tpu.memref_slice %arg7[%add3A_11, %dma_wait3A_32] : memref<32768x128xf32, #tpu.memory_space<hbm>> -> memref<128x128xf32, #tpu.memory_space<hbm>>
        %dma_wait3A_34 = arith.constant 0 : i32
        %dma_wait3A_35 = tpu.memref_slice %arg7[%add3A_11, %dma_wait3A_34] : memref<32768x128xf32, #tpu.memory_space<hbm>> -> memref<128x128xf32, #tpu.memory_space<hbm>>
        tpu.wait_dma2 semaphore(%run_scoped3A : memref<!tpu.dma_semaphore, #tpu.memory_space<semaphore_mem>>) src(%arg11 : memref<128x128xf32, #tpu.memory_space<vmem>>) dst(%dma_wait3A_35 : memref<128x128xf32, #tpu.memory_space<hbm>>)
        tpu.yield
      }) : () -> ()
      "tpu.region"() ({
        %run_scoped3A = tpu.sem_alloc : memref<!tpu.dma_semaphore, #tpu.memory_space<semaphore_mem>>
        %dma_start3A_28 = arith.constant 0 : i32
        %dma_start3A_29 = tpu.memref_slice %arg8[%add3A_11, %dma_start3A_28] : memref<32768x128xf32, #tpu.memory_space<hbm>> -> memref<128x128xf32, #tpu.memory_space<hbm>>
        %dma_start3A_30 = arith.constant 0 : i32
        %dma_start3A_31 = tpu.memref_slice %arg8[%add3A_11, %dma_start3A_30] : memref<32768x128xf32, #tpu.memory_space<hbm>> -> memref<128x128xf32, #tpu.memory_space<hbm>>
        tpu.enqueue_dma source(%arg12 : memref<128x128xf32, #tpu.memory_space<vmem>>) target(%dma_start3A_31 : memref<128x128xf32, #tpu.memory_space<hbm>>) target_semaphore(%run_scoped3A : memref<!tpu.dma_semaphore, #tpu.memory_space<semaphore_mem>>)
        %dma_wait3A_32 = arith.constant 0 : i32
        %dma_wait3A_33 = tpu.memref_slice %arg8[%add3A_11, %dma_wait3A_32] : memref<32768x128xf32, #tpu.memory_space<hbm>> -> memref<128x128xf32, #tpu.memory_space<hbm>>
        %dma_wait3A_34 = arith.constant 0 : i32
        %dma_wait3A_35 = tpu.memref_slice %arg8[%add3A_11, %dma_wait3A_34] : memref<32768x128xf32, #tpu.memory_space<hbm>> -> memref<128x128xf32, #tpu.memory_space<hbm>>
        tpu.wait_dma2 semaphore(%run_scoped3A : memref<!tpu.dma_semaphore, #tpu.memory_space<semaphore_mem>>) src(%arg12 : memref<128x128xf32, #tpu.memory_space<vmem>>) dst(%dma_wait3A_35 : memref<128x128xf32, #tpu.memory_space<hbm>>)
        tpu.yield
      }) : () -> ()
    }
    %scan3A_7 = arith.constant 8 : i32
    return
  }
}

module attributes {stable_mosaic.version = 14 : i64} {
  func.func @body(%arg0: i32, %arg1: i32, %arg2: memref<128x3xf32, #tpu.memory_space<vmem>>, %arg3: memref<1x3x2048xf32, #tpu.memory_space<vmem>>, %arg4: memref<128x16xi32, #tpu.memory_space<vmem>>) attributes {dimension_semantics = [#tpu.dimension_semantics<arbitrary>, #tpu.dimension_semantics<arbitrary>], iteration_bounds = array<i64: 1, 16>, scalar_prefetch = 0 : i64, scratch_operands = 0 : i64, tpu.core_type = #tpu.core_type<tc>, window_params = [{transform_indices = @transform_0, window_bounds = array<i64: 128, 3>}, {transform_indices = @transform_1, window_bounds = array<i64: 1, 3, 2048>}, {transform_indices = @transform_2, window_bounds = array<i64: 128, 16>}]} {
    %add3A = arith.constant 0 : i32
    %add3A_0 = arith.addi %arg0, %add3A : i32
    %get3A = arith.constant 0 : index
    %get3A_1 = arith.constant 0 : index
    %get3A_2 = vector.load %arg2[%get3A, %get3A_1] : memref<128x3xf32, #tpu.memory_space<vmem>>, vector<128x3xf32>
    %get3A_3 = arith.constant 0 : index
    %get3A_4 = arith.constant 0 : index
    %get3A_5 = arith.constant 0 : index
    %get3A_6 = vector.load %arg3[%get3A_3, %get3A_4, %get3A_5] : memref<1x3x2048xf32, #tpu.memory_space<vmem>>, vector<1x3x2048xf32>
    %get3A_7 = vector.shape_cast %get3A_6 : vector<1x3x2048xf32> to vector<3x2048xf32>
    %dot_general3A = arith.constant dense<0.000000e+00> : vector<128x2048xf32>
    %dot_general3A_8 = tpu.matmul %get3A_2, %get3A_7, %dot_general3A {dimension_numbers = #tpu.dot_dimension_numbers<[1], [0], [0], [1], [0, 0, 1, 1], [], []>, transpose_lhs_hint = false} : vector<128x3xf32>, vector<3x2048xf32>, vector<128x2048xf32> -> vector<128x2048xf32>
    %mul3A = arith.mulf %get3A_2, %get3A_2 : vector<128x3xf32>
    %reduce_sum3A = arith.constant dense<0.000000e+00> : vector<128xf32>
    %reduce_sum3A_9 = vector.multi_reduction <add>, %mul3A, %reduce_sum3A [1] : vector<128x3xf32> to vector<128xf32>
    %broadcast_in_dim3A = vector.shape_cast %reduce_sum3A_9 : vector<128xf32> to vector<128x1xf32>
    %mul3A_10 = arith.mulf %get3A_7, %get3A_7 : vector<3x2048xf32>
    %reduce_sum3A_11 = arith.constant dense<0.000000e+00> : vector<2048xf32>
    %reduce_sum3A_12 = vector.multi_reduction <add>, %mul3A_10, %reduce_sum3A_11 [0] : vector<3x2048xf32> to vector<2048xf32>
    %broadcast_in_dim3A_13 = vector.shape_cast %reduce_sum3A_12 : vector<2048xf32> to vector<1x2048xf32>
    %mul3A_14 = arith.constant -2.000000e+00 : f32
    %mul3A_15 = vector.broadcast %mul3A_14 : f32 to vector<128x2048xf32>
    %mul3A_16 = arith.mulf %mul3A_15, %dot_general3A_8 : vector<128x2048xf32>
    %add3A_17 = vector.broadcast %broadcast_in_dim3A : vector<128x1xf32> to vector<128x2048xf32>
    %add3A_18 = arith.addf %mul3A_16, %add3A_17 : vector<128x2048xf32>
    %add3A_19 = vector.broadcast %broadcast_in_dim3A_13 : vector<1x2048xf32> to vector<128x2048xf32>
    %add3A_20 = arith.addf %add3A_18, %add3A_19 : vector<128x2048xf32>
    %iota3A = tpu.iota {dimensions = array<i32: 1>} : vector<128x2048xi32>
    %iota3A_21 = tpu.iota {dimensions = array<i32: 1>} : vector<128x16xi32>
    %broadcast_in_dim3A_22 = arith.constant 0 : i32
    %broadcast_in_dim3A_23 = vector.broadcast %broadcast_in_dim3A_22 : i32 to vector<128x16xi32>
    %scan3A = arith.constant 0 : i32
    %scan3A_24 = arith.constant 32 : i32
    %scan3A_25 = arith.addi %scan3A, %scan3A_24 : i32
    %scan3A_26 = arith.constant 1 : i32
    %scan3A_27:2 = scf.for %scan3A_35 = %scan3A to %scan3A_25 step %scan3A_26 iter_args(%scan3A_36 = %add3A_20, %scan3A_37 = %broadcast_in_dim3A_23) -> (vector<128x2048xf32>, vector<128x16xi32>)  : i32 {
      %reduce_min3A = arith.constant dense<0x7F800000> : vector<128xf32>
      %reduce_min3A_38 = vector.multi_reduction <minimumf>, %scan3A_36, %reduce_min3A [1] : vector<128x2048xf32> to vector<128xf32>
      %broadcast_in_dim3A_39 = vector.shape_cast %reduce_min3A_38 : vector<128xf32> to vector<128x1xf32>
      %eq3A = vector.broadcast %broadcast_in_dim3A_39 : vector<128x1xf32> to vector<128x2048xf32>
      %eq3A_40 = arith.cmpf oeq, %scan3A_36, %eq3A : vector<128x2048xf32>
      %jit3A = arith.constant 2048 : i32
      %broadcast_in_dim3A_41 = vector.broadcast %jit3A : i32 to vector<128x2048xi32>
      %select_n3A = arith.select %eq3A_40, %iota3A, %broadcast_in_dim3A_41 : vector<128x2048xi1>, vector<128x2048xi32>
      %reduce_min3A_42 = arith.constant dense<2147483647> : vector<128xi32>
      %reduce_min3A_43 = vector.multi_reduction <minsi>, %select_n3A, %reduce_min3A_42 [1] : vector<128x2048xi32> to vector<128xi32>
      %broadcast_in_dim3A_44 = vector.shape_cast %reduce_min3A_43 : vector<128xi32> to vector<128x1xi32>
      %jit3A_45 = arith.constant 2 : i32
      %eq3A_46 = arith.constant 0 : i32
      %eq3A_47 = arith.cmpi eq, %jit3A_45, %eq3A_46 : i32
      %jit3A_48 = arith.constant 1 : i32
      %select_n3A_49 = arith.select %eq3A_47, %jit3A_48, %jit3A_45 : i32
      %rem3A = arith.remsi %scan3A_35, %select_n3A_49 : i32
      %ne3A = arith.constant 0 : i32
      %ne3A_50 = arith.cmpi ne, %rem3A, %ne3A : i32
      %lt3A = arith.constant 0 : i32
      %lt3A_51 = arith.cmpi slt, %rem3A, %lt3A : i32
      %lt3A_52 = arith.constant 0 : i32
      %lt3A_53 = arith.cmpi slt, %select_n3A_49, %lt3A_52 : i32
      %ne3A_54 = arith.xori %lt3A_51, %lt3A_53 : i1
      %and3A = arith.andi %ne3A_54, %ne3A_50 : i1
      %add3A_55 = arith.addi %rem3A, %select_n3A_49 : i32
      %select_n3A_56 = arith.select %and3A, %add3A_55, %rem3A : i32
      %eq3A_57 = arith.constant 0 : i32
      %eq3A_58 = arith.cmpi eq, %select_n3A_56, %eq3A_57 : i32
      %jit3A_59 = arith.constant 2 : i32
      %div3A = arith.divsi %scan3A_35, %jit3A_59 : i32
      %sign3A = arith.constant 0 : i32
      %sign3A_60 = arith.cmpi sgt, %scan3A_35, %sign3A : i32
      %sign3A_61 = arith.extui %sign3A_60 : i1 to i32
      %sign3A_62 = arith.constant 0 : i32
      %sign3A_63 = arith.cmpi slt, %scan3A_35, %sign3A_62 : i32
      %sign3A_64 = arith.extui %sign3A_63 : i1 to i32
      %sign3A_65 = arith.subi %sign3A_61, %sign3A_64 : i32
      %sign3A_66 = arith.constant 0 : i32
      %sign3A_67 = arith.cmpi sgt, %jit3A_59, %sign3A_66 : i32
      %sign3A_68 = arith.extui %sign3A_67 : i1 to i32
      %sign3A_69 = arith.constant 0 : i32
      %sign3A_70 = arith.cmpi slt, %jit3A_59, %sign3A_69 : i32
      %sign3A_71 = arith.extui %sign3A_70 : i1 to i32
      %sign3A_72 = arith.subi %sign3A_68, %sign3A_71 : i32
      %ne3A_73 = arith.cmpi ne, %sign3A_65, %sign3A_72 : i32
      %rem3A_74 = arith.remsi %scan3A_35, %jit3A_59 : i32
      %ne3A_75 = arith.constant 0 : i32
      %ne3A_76 = arith.cmpi ne, %rem3A_74, %ne3A_75 : i32
      %and3A_77 = arith.andi %ne3A_73, %ne3A_76 : i1
      %sub3A = arith.constant 1 : i32
      %sub3A_78 = arith.subi %div3A, %sub3A : i32
      %select_n3A_79 = arith.select %and3A_77, %sub3A_78, %div3A : i32
      %eq3A_80 = vector.broadcast %select_n3A_79 : i32 to vector<128x16xi32>
      %eq3A_81 = arith.cmpi eq, %iota3A_21, %eq3A_80 : vector<128x16xi32>
      %and3A_82 = vector.broadcast %eq3A_58 : i1 to vector<128x16xi1>
      %and3A_83 = arith.andi %and3A_82, %eq3A_81 : vector<128x16xi1>
      %broadcast_in_dim3A_84 = vector.shape_cast %broadcast_in_dim3A_44 : vector<128x1xi32> to vector<128x1xi32>
      %broadcast_in_dim3A_85 = vector.broadcast %broadcast_in_dim3A_84 : vector<128x1xi32> to vector<128x16xi32>
      %select_n3A_86 = arith.select %and3A_83, %broadcast_in_dim3A_85, %scan3A_37 : vector<128x16xi1>, vector<128x16xi32>
      %eq3A_87 = vector.broadcast %broadcast_in_dim3A_44 : vector<128x1xi32> to vector<128x2048xi32>
      %eq3A_88 = arith.cmpi eq, %iota3A, %eq3A_87 : vector<128x2048xi32>
      %jit3A_89 = arith.constant 0x7F800000 : f32
      %broadcast_in_dim3A_90 = vector.broadcast %jit3A_89 : f32 to vector<128x2048xf32>
      %select_n3A_91 = arith.select %eq3A_88, %broadcast_in_dim3A_90, %scan3A_36 : vector<128x2048xi1>, vector<128x2048xf32>
      scf.yield %select_n3A_91, %select_n3A_86 : vector<128x2048xf32>, vector<128x16xi32>
    }
    %scan3A_28 = arith.constant 32 : i32
    %mul3A_29 = arith.constant 2048 : i32
    %mul3A_30 = arith.muli %add3A_0, %mul3A_29 : i32
    %add3A_31 = vector.broadcast %mul3A_30 : i32 to vector<128x16xi32>
    %add3A_32 = arith.addi %scan3A_27#1, %add3A_31 : vector<128x16xi32>
    %swap3A = arith.constant 0 : index
    %swap3A_33 = arith.constant 0 : index
    %swap3A_34 = vector.load %arg4[%swap3A, %swap3A_33] : memref<128x16xi32, #tpu.memory_space<vmem>>, vector<128x16xi32>
    tpu.vector_store %arg4[%swap3A, %swap3A_33], %add3A_32 {strides = array<i32>} : memref<128x16xi32, #tpu.memory_space<vmem>>, vector<128x16xi32>,
    return
  }
  func.func @transform_0(%arg0: i32, %arg1: i32) -> (i32, i32) {
    %add3A = arith.constant 0 : i32
    %add3A_0 = arith.addi %add3A, %arg0 : i32
    %mul3A = arith.constant 16 : i32
    %mul3A_1 = arith.muli %add3A_0, %mul3A : i32
    %add3A_2 = arith.addi %mul3A_1, %arg1 : i32
    %c0_i32 = arith.constant 0 : i32
    %c0_i32_3 = arith.constant 0 : i32
    return %add3A_2, %c0_i32 : i32, i32
  }
  func.func @transform_1(%arg0: i32, %arg1: i32) -> (i32, i32, i32) {
    %add3A = arith.constant 0 : i32
    %add3A_0 = arith.addi %add3A, %arg0 : i32
    %c0_i32 = arith.constant 0 : i32
    %c0_i32_1 = arith.constant 0 : i32
    %c0_i32_2 = arith.constant 0 : i32
    return %add3A_0, %c0_i32, %c0_i32_1 : i32, i32, i32
  }
  func.func @transform_2(%arg0: i32, %arg1: i32) -> (i32, i32) {
    %mul3A = arith.constant 16 : i32
    %mul3A_0 = arith.muli %arg0, %mul3A : i32
    %add3A = arith.addi %mul3A_0, %arg1 : i32
    %c0_i32 = arith.constant 0 : i32
    %c0_i32_1 = arith.constant 0 : i32
    return %add3A, %c0_i32 : i32, i32
  }
}

module attributes {stable_mosaic.version = 14 : i64} {
  func.func @body(%arg0: i32, %arg1: i32, %arg2: memref<128x3xf32, #tpu.memory_space<vmem>>, %arg3: memref<1x3x2048xf32, #tpu.memory_space<vmem>>, %arg4: memref<128x16xi32, #tpu.memory_space<vmem>>) attributes {dimension_semantics = [#tpu.dimension_semantics<arbitrary>, #tpu.dimension_semantics<arbitrary>], iteration_bounds = array<i64: 1, 16>, scalar_prefetch = 0 : i64, scratch_operands = 0 : i64, tpu.core_type = #tpu.core_type<tc>, window_params = [{transform_indices = @transform_0, window_bounds = array<i64: 128, 3>}, {transform_indices = @transform_1, window_bounds = array<i64: 1, 3, 2048>}, {transform_indices = @transform_2, window_bounds = array<i64: 128, 16>}]} {
    %add3A = arith.constant 1 : i32
    %add3A_0 = arith.addi %arg0, %add3A : i32
    %get3A = arith.constant 0 : index
    %get3A_1 = arith.constant 0 : index
    %get3A_2 = vector.load %arg2[%get3A, %get3A_1] : memref<128x3xf32, #tpu.memory_space<vmem>>, vector<128x3xf32>
    %get3A_3 = arith.constant 0 : index
    %get3A_4 = arith.constant 0 : index
    %get3A_5 = arith.constant 0 : index
    %get3A_6 = vector.load %arg3[%get3A_3, %get3A_4, %get3A_5] : memref<1x3x2048xf32, #tpu.memory_space<vmem>>, vector<1x3x2048xf32>
    %get3A_7 = vector.shape_cast %get3A_6 : vector<1x3x2048xf32> to vector<3x2048xf32>
    %dot_general3A = arith.constant dense<0.000000e+00> : vector<128x2048xf32>
    %dot_general3A_8 = tpu.matmul %get3A_2, %get3A_7, %dot_general3A {dimension_numbers = #tpu.dot_dimension_numbers<[1], [0], [0], [1], [0, 0, 1, 1], [], []>, transpose_lhs_hint = false} : vector<128x3xf32>, vector<3x2048xf32>, vector<128x2048xf32> -> vector<128x2048xf32>
    %mul3A = arith.mulf %get3A_2, %get3A_2 : vector<128x3xf32>
    %reduce_sum3A = arith.constant dense<0.000000e+00> : vector<128xf32>
    %reduce_sum3A_9 = vector.multi_reduction <add>, %mul3A, %reduce_sum3A [1] : vector<128x3xf32> to vector<128xf32>
    %broadcast_in_dim3A = vector.shape_cast %reduce_sum3A_9 : vector<128xf32> to vector<128x1xf32>
    %mul3A_10 = arith.mulf %get3A_7, %get3A_7 : vector<3x2048xf32>
    %reduce_sum3A_11 = arith.constant dense<0.000000e+00> : vector<2048xf32>
    %reduce_sum3A_12 = vector.multi_reduction <add>, %mul3A_10, %reduce_sum3A_11 [0] : vector<3x2048xf32> to vector<2048xf32>
    %broadcast_in_dim3A_13 = vector.shape_cast %reduce_sum3A_12 : vector<2048xf32> to vector<1x2048xf32>
    %mul3A_14 = arith.constant -2.000000e+00 : f32
    %mul3A_15 = vector.broadcast %mul3A_14 : f32 to vector<128x2048xf32>
    %mul3A_16 = arith.mulf %mul3A_15, %dot_general3A_8 : vector<128x2048xf32>
    %add3A_17 = vector.broadcast %broadcast_in_dim3A : vector<128x1xf32> to vector<128x2048xf32>
    %add3A_18 = arith.addf %mul3A_16, %add3A_17 : vector<128x2048xf32>
    %add3A_19 = vector.broadcast %broadcast_in_dim3A_13 : vector<1x2048xf32> to vector<128x2048xf32>
    %add3A_20 = arith.addf %add3A_18, %add3A_19 : vector<128x2048xf32>
    %iota3A = tpu.iota {dimensions = array<i32: 1>} : vector<128x2048xi32>
    %iota3A_21 = tpu.iota {dimensions = array<i32: 1>} : vector<128x16xi32>
    %broadcast_in_dim3A_22 = arith.constant 0 : i32
    %broadcast_in_dim3A_23 = vector.broadcast %broadcast_in_dim3A_22 : i32 to vector<128x16xi32>
    %scan3A = arith.constant 0 : i32
    %scan3A_24 = arith.constant 32 : i32
    %scan3A_25 = arith.addi %scan3A, %scan3A_24 : i32
    %scan3A_26 = arith.constant 1 : i32
    %scan3A_27:2 = scf.for %scan3A_35 = %scan3A to %scan3A_25 step %scan3A_26 iter_args(%scan3A_36 = %add3A_20, %scan3A_37 = %broadcast_in_dim3A_23) -> (vector<128x2048xf32>, vector<128x16xi32>)  : i32 {
      %reduce_min3A = arith.constant dense<0x7F800000> : vector<128xf32>
      %reduce_min3A_38 = vector.multi_reduction <minimumf>, %scan3A_36, %reduce_min3A [1] : vector<128x2048xf32> to vector<128xf32>
      %broadcast_in_dim3A_39 = vector.shape_cast %reduce_min3A_38 : vector<128xf32> to vector<128x1xf32>
      %eq3A = vector.broadcast %broadcast_in_dim3A_39 : vector<128x1xf32> to vector<128x2048xf32>
      %eq3A_40 = arith.cmpf oeq, %scan3A_36, %eq3A : vector<128x2048xf32>
      %jit3A = arith.constant 2048 : i32
      %broadcast_in_dim3A_41 = vector.broadcast %jit3A : i32 to vector<128x2048xi32>
      %select_n3A = arith.select %eq3A_40, %iota3A, %broadcast_in_dim3A_41 : vector<128x2048xi1>, vector<128x2048xi32>
      %reduce_min3A_42 = arith.constant dense<2147483647> : vector<128xi32>
      %reduce_min3A_43 = vector.multi_reduction <minsi>, %select_n3A, %reduce_min3A_42 [1] : vector<128x2048xi32> to vector<128xi32>
      %broadcast_in_dim3A_44 = vector.shape_cast %reduce_min3A_43 : vector<128xi32> to vector<128x1xi32>
      %jit3A_45 = arith.constant 2 : i32
      %eq3A_46 = arith.constant 0 : i32
      %eq3A_47 = arith.cmpi eq, %jit3A_45, %eq3A_46 : i32
      %jit3A_48 = arith.constant 1 : i32
      %select_n3A_49 = arith.select %eq3A_47, %jit3A_48, %jit3A_45 : i32
      %rem3A = arith.remsi %scan3A_35, %select_n3A_49 : i32
      %ne3A = arith.constant 0 : i32
      %ne3A_50 = arith.cmpi ne, %rem3A, %ne3A : i32
      %lt3A = arith.constant 0 : i32
      %lt3A_51 = arith.cmpi slt, %rem3A, %lt3A : i32
      %lt3A_52 = arith.constant 0 : i32
      %lt3A_53 = arith.cmpi slt, %select_n3A_49, %lt3A_52 : i32
      %ne3A_54 = arith.xori %lt3A_51, %lt3A_53 : i1
      %and3A = arith.andi %ne3A_54, %ne3A_50 : i1
      %add3A_55 = arith.addi %rem3A, %select_n3A_49 : i32
      %select_n3A_56 = arith.select %and3A, %add3A_55, %rem3A : i32
      %eq3A_57 = arith.constant 0 : i32
      %eq3A_58 = arith.cmpi eq, %select_n3A_56, %eq3A_57 : i32
      %jit3A_59 = arith.constant 2 : i32
      %div3A = arith.divsi %scan3A_35, %jit3A_59 : i32
      %sign3A = arith.constant 0 : i32
      %sign3A_60 = arith.cmpi sgt, %scan3A_35, %sign3A : i32
      %sign3A_61 = arith.extui %sign3A_60 : i1 to i32
      %sign3A_62 = arith.constant 0 : i32
      %sign3A_63 = arith.cmpi slt, %scan3A_35, %sign3A_62 : i32
      %sign3A_64 = arith.extui %sign3A_63 : i1 to i32
      %sign3A_65 = arith.subi %sign3A_61, %sign3A_64 : i32
      %sign3A_66 = arith.constant 0 : i32
      %sign3A_67 = arith.cmpi sgt, %jit3A_59, %sign3A_66 : i32
      %sign3A_68 = arith.extui %sign3A_67 : i1 to i32
      %sign3A_69 = arith.constant 0 : i32
      %sign3A_70 = arith.cmpi slt, %jit3A_59, %sign3A_69 : i32
      %sign3A_71 = arith.extui %sign3A_70 : i1 to i32
      %sign3A_72 = arith.subi %sign3A_68, %sign3A_71 : i32
      %ne3A_73 = arith.cmpi ne, %sign3A_65, %sign3A_72 : i32
      %rem3A_74 = arith.remsi %scan3A_35, %jit3A_59 : i32
      %ne3A_75 = arith.constant 0 : i32
      %ne3A_76 = arith.cmpi ne, %rem3A_74, %ne3A_75 : i32
      %and3A_77 = arith.andi %ne3A_73, %ne3A_76 : i1
      %sub3A = arith.constant 1 : i32
      %sub3A_78 = arith.subi %div3A, %sub3A : i32
      %select_n3A_79 = arith.select %and3A_77, %sub3A_78, %div3A : i32
      %eq3A_80 = vector.broadcast %select_n3A_79 : i32 to vector<128x16xi32>
      %eq3A_81 = arith.cmpi eq, %iota3A_21, %eq3A_80 : vector<128x16xi32>
      %and3A_82 = vector.broadcast %eq3A_58 : i1 to vector<128x16xi1>
      %and3A_83 = arith.andi %and3A_82, %eq3A_81 : vector<128x16xi1>
      %broadcast_in_dim3A_84 = vector.shape_cast %broadcast_in_dim3A_44 : vector<128x1xi32> to vector<128x1xi32>
      %broadcast_in_dim3A_85 = vector.broadcast %broadcast_in_dim3A_84 : vector<128x1xi32> to vector<128x16xi32>
      %select_n3A_86 = arith.select %and3A_83, %broadcast_in_dim3A_85, %scan3A_37 : vector<128x16xi1>, vector<128x16xi32>
      %eq3A_87 = vector.broadcast %broadcast_in_dim3A_44 : vector<128x1xi32> to vector<128x2048xi32>
      %eq3A_88 = arith.cmpi eq, %iota3A, %eq3A_87 : vector<128x2048xi32>
      %jit3A_89 = arith.constant 0x7F800000 : f32
      %broadcast_in_dim3A_90 = vector.broadcast %jit3A_89 : f32 to vector<128x2048xf32>
      %select_n3A_91 = arith.select %eq3A_88, %broadcast_in_dim3A_90, %scan3A_36 : vector<128x2048xi1>, vector<128x2048xf32>
      scf.yield %select_n3A_91, %select_n3A_86 : vector<128x2048xf32>, vector<128x16xi32>
    }
    %scan3A_28 = arith.constant 32 : i32
    %mul3A_29 = arith.constant 2048 : i32
    %mul3A_30 = arith.muli %add3A_0, %mul3A_29 : i32
    %add3A_31 = vector.broadcast %mul3A_30 : i32 to vector<128x16xi32>
    %add3A_32 = arith.addi %scan3A_27#1, %add3A_31 : vector<128x16xi32>
    %swap3A = arith.constant 0 : index
    %swap3A_33 = arith.constant 0 : index
    %swap3A_34 = vector.load %arg4[%swap3A, %swap3A_33] : memref<128x16xi32, #tpu.memory_space<vmem>>, vector<128x16xi32>
    tpu.vector_store %arg4[%swap3A, %swap3A_33], %add3A_32 {strides = array<i32>} : memref<128x16xi32, #tpu.memory_space<vmem>>, vector<128x16xi32>,
    return
  }
  func.func @transform_0(%arg0: i32, %arg1: i32) -> (i32, i32) {
    %add3A = arith.constant 1 : i32
    %add3A_0 = arith.addi %add3A, %arg0 : i32
    %mul3A = arith.constant 16 : i32
    %mul3A_1 = arith.muli %add3A_0, %mul3A : i32
    %add3A_2 = arith.addi %mul3A_1, %arg1 : i32
    %c0_i32 = arith.constant 0 : i32
    %c0_i32_3 = arith.constant 0 : i32
    return %add3A_2, %c0_i32 : i32, i32
  }
  func.func @transform_1(%arg0: i32, %arg1: i32) -> (i32, i32, i32) {
    %add3A = arith.constant 1 : i32
    %add3A_0 = arith.addi %add3A, %arg0 : i32
    %c0_i32 = arith.constant 0 : i32
    %c0_i32_1 = arith.constant 0 : i32
    %c0_i32_2 = arith.constant 0 : i32
    return %add3A_0, %c0_i32, %c0_i32_1 : i32, i32, i32
  }
  func.func @transform_2(%arg0: i32, %arg1: i32) -> (i32, i32) {
    %mul3A = arith.constant 16 : i32
    %mul3A_0 = arith.muli %arg0, %mul3A : i32
    %add3A = arith.addi %mul3A_0, %arg1 : i32
    %c0_i32 = arith.constant 0 : i32
    %c0_i32_1 = arith.constant 0 : i32
    return %add3A, %c0_i32 : i32, i32
  }
}

module attributes {stable_mosaic.version = 14 : i64} {
  func.func @_proj_body(%arg0: i32, %arg1: memref<512x128xf32, #tpu.memory_space<vmem>>, %arg2: memref<512x3xf32, #tpu.memory_space<vmem>>, %arg3: memref<128x256xf32, #tpu.memory_space<vmem>>, %arg4: memref<1x256xf32, #tpu.memory_space<vmem>>, %arg5: memref<256x256xf32, #tpu.memory_space<vmem>>, %arg6: memref<256x256xf32, #tpu.memory_space<vmem>>, %arg7: memref<256x256xf32, #tpu.memory_space<vmem>>, %arg8: memref<3x256xf32, #tpu.memory_space<vmem>>, %arg9: memref<512x256xf32, #tpu.memory_space<vmem>>, %arg10: memref<512x128xf32, #tpu.memory_space<vmem>>, %arg11: memref<512x128xf32, #tpu.memory_space<vmem>>, %arg12: memref<512x128xf32, #tpu.memory_space<vmem>>) attributes {dimension_semantics = [#tpu.dimension_semantics<arbitrary>], iteration_bounds = array<i64: 16>, scalar_prefetch = 0 : i64, scratch_operands = 0 : i64, tpu.core_type = #tpu.core_type<tc>, window_params = [{transform_indices = @transform_0, window_bounds = array<i64: 512, 128>}, {transform_indices = @transform_1, window_bounds = array<i64: 512, 3>}, {pipeline_mode = #tpu.pipeline_mode<synchronous>, transform_indices = @transform_2, window_bounds = array<i64: 128, 256>}, {pipeline_mode = #tpu.pipeline_mode<synchronous>, transform_indices = @transform_3, window_bounds = array<i64: 1, 256>}, {pipeline_mode = #tpu.pipeline_mode<synchronous>, transform_indices = @transform_4, window_bounds = array<i64: 256, 256>}, {pipeline_mode = #tpu.pipeline_mode<synchronous>, transform_indices = @transform_5, window_bounds = array<i64: 256, 256>}, {pipeline_mode = #tpu.pipeline_mode<synchronous>, transform_indices = @transform_6, window_bounds = array<i64: 256, 256>}, {pipeline_mode = #tpu.pipeline_mode<synchronous>, transform_indices = @transform_7, window_bounds = array<i64: 3, 256>}, {transform_indices = @transform_8, window_bounds = array<i64: 512, 256>}, {transform_indices = @transform_9, window_bounds = array<i64: 512, 128>}, {transform_indices = @transform_10, window_bounds = array<i64: 512, 128>}, {transform_indices = @transform_11, window_bounds = array<i64: 512, 128>}]} {
    %get3A = arith.constant 0 : index
    %get3A_0 = arith.constant 0 : index
    %get3A_1 = vector.load %arg1[%get3A, %get3A_0] : memref<512x128xf32, #tpu.memory_space<vmem>>, vector<512x128xf32>
    %get3A_2 = arith.constant 0 : index
    %get3A_3 = arith.constant 0 : index
    %get3A_4 = vector.load %arg3[%get3A_2, %get3A_3] : memref<128x256xf32, #tpu.memory_space<vmem>>, vector<128x256xf32>
    %dot_general3A = arith.constant dense<0.000000e+00> : vector<512x256xf32>
    %dot_general3A_5 = tpu.matmul %get3A_1, %get3A_4, %dot_general3A {dimension_numbers = #tpu.dot_dimension_numbers<[1], [0], [0], [1], [0, 0, 1, 1], [], []>, transpose_lhs_hint = false} : vector<512x128xf32>, vector<128x256xf32>, vector<512x256xf32> -> vector<512x256xf32>
    %get3A_6 = arith.constant 0 : index
    %get3A_7 = arith.constant 0 : index
    %get3A_8 = vector.load %arg4[%get3A_6, %get3A_7] : memref<1x256xf32, #tpu.memory_space<vmem>>, vector<1x256xf32>
    %add3A = vector.broadcast %get3A_8 : vector<1x256xf32> to vector<512x256xf32>
    %add3A_9 = arith.addf %dot_general3A_5, %add3A : vector<512x256xf32>
    %get3A_10 = arith.constant 0 : index
    %get3A_11 = arith.constant 0 : index
    %get3A_12 = vector.load %arg5[%get3A_10, %get3A_11] : memref<256x256xf32, #tpu.memory_space<vmem>>, vector<256x256xf32>
    %dot_general3A_13 = arith.constant dense<0.000000e+00> : vector<512x256xf32>
    %dot_general3A_14 = tpu.matmul %add3A_9, %get3A_12, %dot_general3A_13 {dimension_numbers = #tpu.dot_dimension_numbers<[1], [0], [0], [1], [0, 0, 1, 1], [], []>, transpose_lhs_hint = false} : vector<512x256xf32>, vector<256x256xf32>, vector<512x256xf32> -> vector<512x256xf32>
    %swap3A = arith.constant 0 : index
    %swap3A_15 = arith.constant 0 : index
    %swap3A_16 = vector.load %arg9[%swap3A, %swap3A_15] : memref<512x256xf32, #tpu.memory_space<vmem>>, vector<512x256xf32>
    tpu.vector_store %arg9[%swap3A, %swap3A_15], %dot_general3A_14 {strides = array<i32>} : memref<512x256xf32, #tpu.memory_space<vmem>>, vector<512x256xf32>,
    %get3A_17 = arith.constant 0 : index
    %get3A_18 = arith.constant 0 : index
    %get3A_19 = vector.load %arg6[%get3A_17, %get3A_18] : memref<256x256xf32, #tpu.memory_space<vmem>>, vector<256x256xf32>
    %dot_general3A_20 = arith.constant dense<0.000000e+00> : vector<512x256xf32>
    %dot_general3A_21 = tpu.matmul %add3A_9, %get3A_19, %dot_general3A_20 {dimension_numbers = #tpu.dot_dimension_numbers<[1], [0], [0], [1], [0, 0, 1, 1], [], []>, transpose_lhs_hint = false} : vector<512x256xf32>, vector<256x256xf32>, vector<512x256xf32> -> vector<512x256xf32>
    %convert_element_type3A = arith.truncf %dot_general3A_21 : vector<512x256xf32> to vector<512x256xbf16>
    %get3A_22 = arith.constant 0 : index
    %get3A_23 = arith.constant 0 : index
    %get3A_24 = vector.load %arg7[%get3A_22, %get3A_23] : memref<256x256xf32, #tpu.memory_space<vmem>>, vector<256x256xf32>
    %dot_general3A_25 = arith.constant dense<0.000000e+00> : vector<512x256xf32>
    %dot_general3A_26 = tpu.matmul %add3A_9, %get3A_24, %dot_general3A_25 {dimension_numbers = #tpu.dot_dimension_numbers<[1], [0], [0], [1], [0, 0, 1, 1], [], []>, transpose_lhs_hint = false} : vector<512x256xf32>, vector<256x256xf32>, vector<512x256xf32> -> vector<512x256xf32>
    %convert_element_type3A_27 = arith.truncf %dot_general3A_26 : vector<512x256xf32> to vector<512x256xbf16>
    %reshape3A = vector.shape_cast %convert_element_type3A : vector<512x256xbf16> to vector<1024x128xbf16>
    %bitcast3A = tpu.bitcast %reshape3A : vector<1024x128xbf16> -> vector<512x128xf32>
    %swap3A_28 = arith.constant 0 : index
    %swap3A_29 = arith.constant 0 : index
    %swap3A_30 = vector.load %arg10[%swap3A_28, %swap3A_29] : memref<512x128xf32, #tpu.memory_space<vmem>>, vector<512x128xf32>
    tpu.vector_store %arg10[%swap3A_28, %swap3A_29], %bitcast3A {strides = array<i32>} : memref<512x128xf32, #tpu.memory_space<vmem>>, vector<512x128xf32>,
    %reshape3A_31 = vector.shape_cast %convert_element_type3A_27 : vector<512x256xbf16> to vector<1024x128xbf16>
    %bitcast3A_32 = tpu.bitcast %reshape3A_31 : vector<1024x128xbf16> -> vector<512x128xf32>
    %swap3A_33 = arith.constant 0 : index
    %swap3A_34 = arith.constant 0 : index
    %swap3A_35 = vector.load %arg11[%swap3A_33, %swap3A_34] : memref<512x128xf32, #tpu.memory_space<vmem>>, vector<512x128xf32>
    tpu.vector_store %arg11[%swap3A_33, %swap3A_34], %bitcast3A_32 {strides = array<i32>} : memref<512x128xf32, #tpu.memory_space<vmem>>, vector<512x128xf32>,
    %get3A_36 = arith.constant 0 : index
    %get3A_37 = arith.constant 0 : index
    %get3A_38 = vector.load %arg2[%get3A_36, %get3A_37] : memref<512x3xf32, #tpu.memory_space<vmem>>, vector<512x3xf32>
    %get3A_39 = arith.constant 0 : index
    %get3A_40 = arith.constant 0 : index
    %get3A_41 = vector.load %arg8[%get3A_39, %get3A_40] : memref<3x256xf32, #tpu.memory_space<vmem>>, vector<3x256xf32>
    %dot_general3A_42 = arith.constant dense<0.000000e+00> : vector<512x256xf32>
    %dot_general3A_43 = tpu.matmul %get3A_38, %get3A_41, %dot_general3A_42 {dimension_numbers = #tpu.dot_dimension_numbers<[1], [0], [0], [1], [0, 0, 1, 1], [], []>, transpose_lhs_hint = false} : vector<512x3xf32>, vector<3x256xf32>, vector<512x256xf32> -> vector<512x256xf32>
    %convert_element_type3A_44 = arith.truncf %dot_general3A_43 : vector<512x256xf32> to vector<512x256xbf16>
    %reshape3A_45 = vector.shape_cast %convert_element_type3A_44 : vector<512x256xbf16> to vector<1024x128xbf16>
    %bitcast3A_46 = tpu.bitcast %reshape3A_45 : vector<1024x128xbf16> -> vector<512x128xf32>
    %swap3A_47 = arith.constant 0 : index
    %swap3A_48 = arith.constant 0 : index
    %swap3A_49 = vector.load %arg12[%swap3A_47, %swap3A_48] : memref<512x128xf32, #tpu.memory_space<vmem>>, vector<512x128xf32>
    tpu.vector_store %arg12[%swap3A_47, %swap3A_48], %bitcast3A_46 {strides = array<i32>} : memref<512x128xf32, #tpu.memory_space<vmem>>, vector<512x128xf32>,
    return
  }
  func.func @transform_0(%arg0: i32) -> (i32, i32) {
    %c0_i32 = arith.constant 0 : i32
    %c0_i32_0 = arith.constant 0 : i32
    return %arg0, %c0_i32 : i32, i32
  }
  func.func @transform_1(%arg0: i32) -> (i32, i32) {
    %c0_i32 = arith.constant 0 : i32
    %c0_i32_0 = arith.constant 0 : i32
    return %arg0, %c0_i32 : i32, i32
  }
  func.func @transform_2(%arg0: i32) -> (i32, i32) {
    %c0_i32 = arith.constant 0 : i32
    %c0_i32_0 = arith.constant 0 : i32
    %c0_i32_1 = arith.constant 0 : i32
    return %c0_i32, %c0_i32_0 : i32, i32
  }
  func.func @transform_3(%arg0: i32) -> (i32, i32) {
    %c0_i32 = arith.constant 0 : i32
    %c0_i32_0 = arith.constant 0 : i32
    %c0_i32_1 = arith.constant 0 : i32
    return %c0_i32, %c0_i32_0 : i32, i32
  }
  func.func @transform_4(%arg0: i32) -> (i32, i32) {
    %c0_i32 = arith.constant 0 : i32
    %c0_i32_0 = arith.constant 0 : i32
    %c0_i32_1 = arith.constant 0 : i32
    return %c0_i32, %c0_i32_0 : i32, i32
  }
  func.func @transform_5(%arg0: i32) -> (i32, i32) {
    %c0_i32 = arith.constant 0 : i32
    %c0_i32_0 = arith.constant 0 : i32
    %c0_i32_1 = arith.constant 0 : i32
    return %c0_i32, %c0_i32_0 : i32, i32
  }
  func.func @transform_6(%arg0: i32) -> (i32, i32) {
    %c0_i32 = arith.constant 0 : i32
    %c0_i32_0 = arith.constant 0 : i32
    %c0_i32_1 = arith.constant 0 : i32
    return %c0_i32, %c0_i32_0 : i32, i32
  }
  func.func @transform_7(%arg0: i32) -> (i32, i32) {
    %c0_i32 = arith.constant 0 : i32
    %c0_i32_0 = arith.constant 0 : i32
    %c0_i32_1 = arith.constant 0 : i32
    return %c0_i32, %c0_i32_0 : i32, i32
  }
  func.func @transform_8(%arg0: i32) -> (i32, i32) {
    %c0_i32 = arith.constant 0 : i32
    %c0_i32_0 = arith.constant 0 : i32
    return %arg0, %c0_i32 : i32, i32
  }
  func.func @transform_9(%arg0: i32) -> (i32, i32) {
    %c0_i32 = arith.constant 0 : i32
    %c0_i32_0 = arith.constant 0 : i32
    return %arg0, %c0_i32 : i32, i32
  }
  func.func @transform_10(%arg0: i32) -> (i32, i32) {
    %c0_i32 = arith.constant 0 : i32
    %c0_i32_0 = arith.constant 0 : i32
    return %arg0, %c0_i32 : i32, i32
  }
  func.func @transform_11(%arg0: i32) -> (i32, i32) {
    %c0_i32 = arith.constant 0 : i32
    %c0_i32_0 = arith.constant 0 : i32
    return %arg0, %c0_i32 : i32, i32
  }
}

module attributes {stable_mosaic.version = 14 : i64} {
  func.func @body(%arg0: i32, %arg1: i32, %arg2: memref<128x3xf32, #tpu.memory_space<vmem>>, %arg3: memref<1x3x2048xf32, #tpu.memory_space<vmem>>, %arg4: memref<128x16xi32, #tpu.memory_space<vmem>>) attributes {dimension_semantics = [#tpu.dimension_semantics<arbitrary>, #tpu.dimension_semantics<arbitrary>], iteration_bounds = array<i64: 1, 16>, scalar_prefetch = 0 : i64, scratch_operands = 0 : i64, tpu.core_type = #tpu.core_type<tc>, window_params = [{transform_indices = @transform_0, window_bounds = array<i64: 128, 3>}, {transform_indices = @transform_1, window_bounds = array<i64: 1, 3, 2048>}, {transform_indices = @transform_2, window_bounds = array<i64: 128, 16>}]} {
    %add3A = arith.constant 2 : i32
    %add3A_0 = arith.addi %arg0, %add3A : i32
    %get3A = arith.constant 0 : index
    %get3A_1 = arith.constant 0 : index
    %get3A_2 = vector.load %arg2[%get3A, %get3A_1] : memref<128x3xf32, #tpu.memory_space<vmem>>, vector<128x3xf32>
    %get3A_3 = arith.constant 0 : index
    %get3A_4 = arith.constant 0 : index
    %get3A_5 = arith.constant 0 : index
    %get3A_6 = vector.load %arg3[%get3A_3, %get3A_4, %get3A_5] : memref<1x3x2048xf32, #tpu.memory_space<vmem>>, vector<1x3x2048xf32>
    %get3A_7 = vector.shape_cast %get3A_6 : vector<1x3x2048xf32> to vector<3x2048xf32>
    %dot_general3A = arith.constant dense<0.000000e+00> : vector<128x2048xf32>
    %dot_general3A_8 = tpu.matmul %get3A_2, %get3A_7, %dot_general3A {dimension_numbers = #tpu.dot_dimension_numbers<[1], [0], [0], [1], [0, 0, 1, 1], [], []>, transpose_lhs_hint = false} : vector<128x3xf32>, vector<3x2048xf32>, vector<128x2048xf32> -> vector<128x2048xf32>
    %mul3A = arith.mulf %get3A_2, %get3A_2 : vector<128x3xf32>
    %reduce_sum3A = arith.constant dense<0.000000e+00> : vector<128xf32>
    %reduce_sum3A_9 = vector.multi_reduction <add>, %mul3A, %reduce_sum3A [1] : vector<128x3xf32> to vector<128xf32>
    %broadcast_in_dim3A = vector.shape_cast %reduce_sum3A_9 : vector<128xf32> to vector<128x1xf32>
    %mul3A_10 = arith.mulf %get3A_7, %get3A_7 : vector<3x2048xf32>
    %reduce_sum3A_11 = arith.constant dense<0.000000e+00> : vector<2048xf32>
    %reduce_sum3A_12 = vector.multi_reduction <add>, %mul3A_10, %reduce_sum3A_11 [0] : vector<3x2048xf32> to vector<2048xf32>
    %broadcast_in_dim3A_13 = vector.shape_cast %reduce_sum3A_12 : vector<2048xf32> to vector<1x2048xf32>
    %mul3A_14 = arith.constant -2.000000e+00 : f32
    %mul3A_15 = vector.broadcast %mul3A_14 : f32 to vector<128x2048xf32>
    %mul3A_16 = arith.mulf %mul3A_15, %dot_general3A_8 : vector<128x2048xf32>
    %add3A_17 = vector.broadcast %broadcast_in_dim3A : vector<128x1xf32> to vector<128x2048xf32>
    %add3A_18 = arith.addf %mul3A_16, %add3A_17 : vector<128x2048xf32>
    %add3A_19 = vector.broadcast %broadcast_in_dim3A_13 : vector<1x2048xf32> to vector<128x2048xf32>
    %add3A_20 = arith.addf %add3A_18, %add3A_19 : vector<128x2048xf32>
    %iota3A = tpu.iota {dimensions = array<i32: 1>} : vector<128x2048xi32>
    %iota3A_21 = tpu.iota {dimensions = array<i32: 1>} : vector<128x16xi32>
    %broadcast_in_dim3A_22 = arith.constant 0 : i32
    %broadcast_in_dim3A_23 = vector.broadcast %broadcast_in_dim3A_22 : i32 to vector<128x16xi32>
    %scan3A = arith.constant 0 : i32
    %scan3A_24 = arith.constant 32 : i32
    %scan3A_25 = arith.addi %scan3A, %scan3A_24 : i32
    %scan3A_26 = arith.constant 1 : i32
    %scan3A_27:2 = scf.for %scan3A_35 = %scan3A to %scan3A_25 step %scan3A_26 iter_args(%scan3A_36 = %add3A_20, %scan3A_37 = %broadcast_in_dim3A_23) -> (vector<128x2048xf32>, vector<128x16xi32>)  : i32 {
      %reduce_min3A = arith.constant dense<0x7F800000> : vector<128xf32>
      %reduce_min3A_38 = vector.multi_reduction <minimumf>, %scan3A_36, %reduce_min3A [1] : vector<128x2048xf32> to vector<128xf32>
      %broadcast_in_dim3A_39 = vector.shape_cast %reduce_min3A_38 : vector<128xf32> to vector<128x1xf32>
      %eq3A = vector.broadcast %broadcast_in_dim3A_39 : vector<128x1xf32> to vector<128x2048xf32>
      %eq3A_40 = arith.cmpf oeq, %scan3A_36, %eq3A : vector<128x2048xf32>
      %jit3A = arith.constant 2048 : i32
      %broadcast_in_dim3A_41 = vector.broadcast %jit3A : i32 to vector<128x2048xi32>
      %select_n3A = arith.select %eq3A_40, %iota3A, %broadcast_in_dim3A_41 : vector<128x2048xi1>, vector<128x2048xi32>
      %reduce_min3A_42 = arith.constant dense<2147483647> : vector<128xi32>
      %reduce_min3A_43 = vector.multi_reduction <minsi>, %select_n3A, %reduce_min3A_42 [1] : vector<128x2048xi32> to vector<128xi32>
      %broadcast_in_dim3A_44 = vector.shape_cast %reduce_min3A_43 : vector<128xi32> to vector<128x1xi32>
      %jit3A_45 = arith.constant 2 : i32
      %eq3A_46 = arith.constant 0 : i32
      %eq3A_47 = arith.cmpi eq, %jit3A_45, %eq3A_46 : i32
      %jit3A_48 = arith.constant 1 : i32
      %select_n3A_49 = arith.select %eq3A_47, %jit3A_48, %jit3A_45 : i32
      %rem3A = arith.remsi %scan3A_35, %select_n3A_49 : i32
      %ne3A = arith.constant 0 : i32
      %ne3A_50 = arith.cmpi ne, %rem3A, %ne3A : i32
      %lt3A = arith.constant 0 : i32
      %lt3A_51 = arith.cmpi slt, %rem3A, %lt3A : i32
      %lt3A_52 = arith.constant 0 : i32
      %lt3A_53 = arith.cmpi slt, %select_n3A_49, %lt3A_52 : i32
      %ne3A_54 = arith.xori %lt3A_51, %lt3A_53 : i1
      %and3A = arith.andi %ne3A_54, %ne3A_50 : i1
      %add3A_55 = arith.addi %rem3A, %select_n3A_49 : i32
      %select_n3A_56 = arith.select %and3A, %add3A_55, %rem3A : i32
      %eq3A_57 = arith.constant 0 : i32
      %eq3A_58 = arith.cmpi eq, %select_n3A_56, %eq3A_57 : i32
      %jit3A_59 = arith.constant 2 : i32
      %div3A = arith.divsi %scan3A_35, %jit3A_59 : i32
      %sign3A = arith.constant 0 : i32
      %sign3A_60 = arith.cmpi sgt, %scan3A_35, %sign3A : i32
      %sign3A_61 = arith.extui %sign3A_60 : i1 to i32
      %sign3A_62 = arith.constant 0 : i32
      %sign3A_63 = arith.cmpi slt, %scan3A_35, %sign3A_62 : i32
      %sign3A_64 = arith.extui %sign3A_63 : i1 to i32
      %sign3A_65 = arith.subi %sign3A_61, %sign3A_64 : i32
      %sign3A_66 = arith.constant 0 : i32
      %sign3A_67 = arith.cmpi sgt, %jit3A_59, %sign3A_66 : i32
      %sign3A_68 = arith.extui %sign3A_67 : i1 to i32
      %sign3A_69 = arith.constant 0 : i32
      %sign3A_70 = arith.cmpi slt, %jit3A_59, %sign3A_69 : i32
      %sign3A_71 = arith.extui %sign3A_70 : i1 to i32
      %sign3A_72 = arith.subi %sign3A_68, %sign3A_71 : i32
      %ne3A_73 = arith.cmpi ne, %sign3A_65, %sign3A_72 : i32
      %rem3A_74 = arith.remsi %scan3A_35, %jit3A_59 : i32
      %ne3A_75 = arith.constant 0 : i32
      %ne3A_76 = arith.cmpi ne, %rem3A_74, %ne3A_75 : i32
      %and3A_77 = arith.andi %ne3A_73, %ne3A_76 : i1
      %sub3A = arith.constant 1 : i32
      %sub3A_78 = arith.subi %div3A, %sub3A : i32
      %select_n3A_79 = arith.select %and3A_77, %sub3A_78, %div3A : i32
      %eq3A_80 = vector.broadcast %select_n3A_79 : i32 to vector<128x16xi32>
      %eq3A_81 = arith.cmpi eq, %iota3A_21, %eq3A_80 : vector<128x16xi32>
      %and3A_82 = vector.broadcast %eq3A_58 : i1 to vector<128x16xi1>
      %and3A_83 = arith.andi %and3A_82, %eq3A_81 : vector<128x16xi1>
      %broadcast_in_dim3A_84 = vector.shape_cast %broadcast_in_dim3A_44 : vector<128x1xi32> to vector<128x1xi32>
      %broadcast_in_dim3A_85 = vector.broadcast %broadcast_in_dim3A_84 : vector<128x1xi32> to vector<128x16xi32>
      %select_n3A_86 = arith.select %and3A_83, %broadcast_in_dim3A_85, %scan3A_37 : vector<128x16xi1>, vector<128x16xi32>
      %eq3A_87 = vector.broadcast %broadcast_in_dim3A_44 : vector<128x1xi32> to vector<128x2048xi32>
      %eq3A_88 = arith.cmpi eq, %iota3A, %eq3A_87 : vector<128x2048xi32>
      %jit3A_89 = arith.constant 0x7F800000 : f32
      %broadcast_in_dim3A_90 = vector.broadcast %jit3A_89 : f32 to vector<128x2048xf32>
      %select_n3A_91 = arith.select %eq3A_88, %broadcast_in_dim3A_90, %scan3A_36 : vector<128x2048xi1>, vector<128x2048xf32>
      scf.yield %select_n3A_91, %select_n3A_86 : vector<128x2048xf32>, vector<128x16xi32>
    }
    %scan3A_28 = arith.constant 32 : i32
    %mul3A_29 = arith.constant 2048 : i32
    %mul3A_30 = arith.muli %add3A_0, %mul3A_29 : i32
    %add3A_31 = vector.broadcast %mul3A_30 : i32 to vector<128x16xi32>
    %add3A_32 = arith.addi %scan3A_27#1, %add3A_31 : vector<128x16xi32>
    %swap3A = arith.constant 0 : index
    %swap3A_33 = arith.constant 0 : index
    %swap3A_34 = vector.load %arg4[%swap3A, %swap3A_33] : memref<128x16xi32, #tpu.memory_space<vmem>>, vector<128x16xi32>
    tpu.vector_store %arg4[%swap3A, %swap3A_33], %add3A_32 {strides = array<i32>} : memref<128x16xi32, #tpu.memory_space<vmem>>, vector<128x16xi32>,
    return
  }
  func.func @transform_0(%arg0: i32, %arg1: i32) -> (i32, i32) {
    %add3A = arith.constant 2 : i32
    %add3A_0 = arith.addi %add3A, %arg0 : i32
    %mul3A = arith.constant 16 : i32
    %mul3A_1 = arith.muli %add3A_0, %mul3A : i32
    %add3A_2 = arith.addi %mul3A_1, %arg1 : i32
    %c0_i32 = arith.constant 0 : i32
    %c0_i32_3 = arith.constant 0 : i32
    return %add3A_2, %c0_i32 : i32, i32
  }
  func.func @transform_1(%arg0: i32, %arg1: i32) -> (i32, i32, i32) {
    %add3A = arith.constant 2 : i32
    %add3A_0 = arith.addi %add3A, %arg0 : i32
    %c0_i32 = arith.constant 0 : i32
    %c0_i32_1 = arith.constant 0 : i32
    %c0_i32_2 = arith.constant 0 : i32
    return %add3A_0, %c0_i32, %c0_i32_1 : i32, i32, i32
  }
  func.func @transform_2(%arg0: i32, %arg1: i32) -> (i32, i32) {
    %mul3A = arith.constant 16 : i32
    %mul3A_0 = arith.muli %arg0, %mul3A : i32
    %add3A = arith.addi %mul3A_0, %arg1 : i32
    %c0_i32 = arith.constant 0 : i32
    %c0_i32_1 = arith.constant 0 : i32
    return %add3A, %c0_i32 : i32, i32
  }
}

module attributes {stable_mosaic.version = 14 : i64} {
  func.func @body(%arg0: i32, %arg1: i32, %arg2: memref<128x3xf32, #tpu.memory_space<vmem>>, %arg3: memref<1x3x2048xf32, #tpu.memory_space<vmem>>, %arg4: memref<128x16xi32, #tpu.memory_space<vmem>>) attributes {dimension_semantics = [#tpu.dimension_semantics<arbitrary>, #tpu.dimension_semantics<arbitrary>], iteration_bounds = array<i64: 1, 16>, scalar_prefetch = 0 : i64, scratch_operands = 0 : i64, tpu.core_type = #tpu.core_type<tc>, window_params = [{transform_indices = @transform_0, window_bounds = array<i64: 128, 3>}, {transform_indices = @transform_1, window_bounds = array<i64: 1, 3, 2048>}, {transform_indices = @transform_2, window_bounds = array<i64: 128, 16>}]} {
    %add3A = arith.constant 3 : i32
    %add3A_0 = arith.addi %arg0, %add3A : i32
    %get3A = arith.constant 0 : index
    %get3A_1 = arith.constant 0 : index
    %get3A_2 = vector.load %arg2[%get3A, %get3A_1] : memref<128x3xf32, #tpu.memory_space<vmem>>, vector<128x3xf32>
    %get3A_3 = arith.constant 0 : index
    %get3A_4 = arith.constant 0 : index
    %get3A_5 = arith.constant 0 : index
    %get3A_6 = vector.load %arg3[%get3A_3, %get3A_4, %get3A_5] : memref<1x3x2048xf32, #tpu.memory_space<vmem>>, vector<1x3x2048xf32>
    %get3A_7 = vector.shape_cast %get3A_6 : vector<1x3x2048xf32> to vector<3x2048xf32>
    %dot_general3A = arith.constant dense<0.000000e+00> : vector<128x2048xf32>
    %dot_general3A_8 = tpu.matmul %get3A_2, %get3A_7, %dot_general3A {dimension_numbers = #tpu.dot_dimension_numbers<[1], [0], [0], [1], [0, 0, 1, 1], [], []>, transpose_lhs_hint = false} : vector<128x3xf32>, vector<3x2048xf32>, vector<128x2048xf32> -> vector<128x2048xf32>
    %mul3A = arith.mulf %get3A_2, %get3A_2 : vector<128x3xf32>
    %reduce_sum3A = arith.constant dense<0.000000e+00> : vector<128xf32>
    %reduce_sum3A_9 = vector.multi_reduction <add>, %mul3A, %reduce_sum3A [1] : vector<128x3xf32> to vector<128xf32>
    %broadcast_in_dim3A = vector.shape_cast %reduce_sum3A_9 : vector<128xf32> to vector<128x1xf32>
    %mul3A_10 = arith.mulf %get3A_7, %get3A_7 : vector<3x2048xf32>
    %reduce_sum3A_11 = arith.constant dense<0.000000e+00> : vector<2048xf32>
    %reduce_sum3A_12 = vector.multi_reduction <add>, %mul3A_10, %reduce_sum3A_11 [0] : vector<3x2048xf32> to vector<2048xf32>
    %broadcast_in_dim3A_13 = vector.shape_cast %reduce_sum3A_12 : vector<2048xf32> to vector<1x2048xf32>
    %mul3A_14 = arith.constant -2.000000e+00 : f32
    %mul3A_15 = vector.broadcast %mul3A_14 : f32 to vector<128x2048xf32>
    %mul3A_16 = arith.mulf %mul3A_15, %dot_general3A_8 : vector<128x2048xf32>
    %add3A_17 = vector.broadcast %broadcast_in_dim3A : vector<128x1xf32> to vector<128x2048xf32>
    %add3A_18 = arith.addf %mul3A_16, %add3A_17 : vector<128x2048xf32>
    %add3A_19 = vector.broadcast %broadcast_in_dim3A_13 : vector<1x2048xf32> to vector<128x2048xf32>
    %add3A_20 = arith.addf %add3A_18, %add3A_19 : vector<128x2048xf32>
    %iota3A = tpu.iota {dimensions = array<i32: 1>} : vector<128x2048xi32>
    %iota3A_21 = tpu.iota {dimensions = array<i32: 1>} : vector<128x16xi32>
    %broadcast_in_dim3A_22 = arith.constant 0 : i32
    %broadcast_in_dim3A_23 = vector.broadcast %broadcast_in_dim3A_22 : i32 to vector<128x16xi32>
    %scan3A = arith.constant 0 : i32
    %scan3A_24 = arith.constant 32 : i32
    %scan3A_25 = arith.addi %scan3A, %scan3A_24 : i32
    %scan3A_26 = arith.constant 1 : i32
    %scan3A_27:2 = scf.for %scan3A_35 = %scan3A to %scan3A_25 step %scan3A_26 iter_args(%scan3A_36 = %add3A_20, %scan3A_37 = %broadcast_in_dim3A_23) -> (vector<128x2048xf32>, vector<128x16xi32>)  : i32 {
      %reduce_min3A = arith.constant dense<0x7F800000> : vector<128xf32>
      %reduce_min3A_38 = vector.multi_reduction <minimumf>, %scan3A_36, %reduce_min3A [1] : vector<128x2048xf32> to vector<128xf32>
      %broadcast_in_dim3A_39 = vector.shape_cast %reduce_min3A_38 : vector<128xf32> to vector<128x1xf32>
      %eq3A = vector.broadcast %broadcast_in_dim3A_39 : vector<128x1xf32> to vector<128x2048xf32>
      %eq3A_40 = arith.cmpf oeq, %scan3A_36, %eq3A : vector<128x2048xf32>
      %jit3A = arith.constant 2048 : i32
      %broadcast_in_dim3A_41 = vector.broadcast %jit3A : i32 to vector<128x2048xi32>
      %select_n3A = arith.select %eq3A_40, %iota3A, %broadcast_in_dim3A_41 : vector<128x2048xi1>, vector<128x2048xi32>
      %reduce_min3A_42 = arith.constant dense<2147483647> : vector<128xi32>
      %reduce_min3A_43 = vector.multi_reduction <minsi>, %select_n3A, %reduce_min3A_42 [1] : vector<128x2048xi32> to vector<128xi32>
      %broadcast_in_dim3A_44 = vector.shape_cast %reduce_min3A_43 : vector<128xi32> to vector<128x1xi32>
      %jit3A_45 = arith.constant 2 : i32
      %eq3A_46 = arith.constant 0 : i32
      %eq3A_47 = arith.cmpi eq, %jit3A_45, %eq3A_46 : i32
      %jit3A_48 = arith.constant 1 : i32
      %select_n3A_49 = arith.select %eq3A_47, %jit3A_48, %jit3A_45 : i32
      %rem3A = arith.remsi %scan3A_35, %select_n3A_49 : i32
      %ne3A = arith.constant 0 : i32
      %ne3A_50 = arith.cmpi ne, %rem3A, %ne3A : i32
      %lt3A = arith.constant 0 : i32
      %lt3A_51 = arith.cmpi slt, %rem3A, %lt3A : i32
      %lt3A_52 = arith.constant 0 : i32
      %lt3A_53 = arith.cmpi slt, %select_n3A_49, %lt3A_52 : i32
      %ne3A_54 = arith.xori %lt3A_51, %lt3A_53 : i1
      %and3A = arith.andi %ne3A_54, %ne3A_50 : i1
      %add3A_55 = arith.addi %rem3A, %select_n3A_49 : i32
      %select_n3A_56 = arith.select %and3A, %add3A_55, %rem3A : i32
      %eq3A_57 = arith.constant 0 : i32
      %eq3A_58 = arith.cmpi eq, %select_n3A_56, %eq3A_57 : i32
      %jit3A_59 = arith.constant 2 : i32
      %div3A = arith.divsi %scan3A_35, %jit3A_59 : i32
      %sign3A = arith.constant 0 : i32
      %sign3A_60 = arith.cmpi sgt, %scan3A_35, %sign3A : i32
      %sign3A_61 = arith.extui %sign3A_60 : i1 to i32
      %sign3A_62 = arith.constant 0 : i32
      %sign3A_63 = arith.cmpi slt, %scan3A_35, %sign3A_62 : i32
      %sign3A_64 = arith.extui %sign3A_63 : i1 to i32
      %sign3A_65 = arith.subi %sign3A_61, %sign3A_64 : i32
      %sign3A_66 = arith.constant 0 : i32
      %sign3A_67 = arith.cmpi sgt, %jit3A_59, %sign3A_66 : i32
      %sign3A_68 = arith.extui %sign3A_67 : i1 to i32
      %sign3A_69 = arith.constant 0 : i32
      %sign3A_70 = arith.cmpi slt, %jit3A_59, %sign3A_69 : i32
      %sign3A_71 = arith.extui %sign3A_70 : i1 to i32
      %sign3A_72 = arith.subi %sign3A_68, %sign3A_71 : i32
      %ne3A_73 = arith.cmpi ne, %sign3A_65, %sign3A_72 : i32
      %rem3A_74 = arith.remsi %scan3A_35, %jit3A_59 : i32
      %ne3A_75 = arith.constant 0 : i32
      %ne3A_76 = arith.cmpi ne, %rem3A_74, %ne3A_75 : i32
      %and3A_77 = arith.andi %ne3A_73, %ne3A_76 : i1
      %sub3A = arith.constant 1 : i32
      %sub3A_78 = arith.subi %div3A, %sub3A : i32
      %select_n3A_79 = arith.select %and3A_77, %sub3A_78, %div3A : i32
      %eq3A_80 = vector.broadcast %select_n3A_79 : i32 to vector<128x16xi32>
      %eq3A_81 = arith.cmpi eq, %iota3A_21, %eq3A_80 : vector<128x16xi32>
      %and3A_82 = vector.broadcast %eq3A_58 : i1 to vector<128x16xi1>
      %and3A_83 = arith.andi %and3A_82, %eq3A_81 : vector<128x16xi1>
      %broadcast_in_dim3A_84 = vector.shape_cast %broadcast_in_dim3A_44 : vector<128x1xi32> to vector<128x1xi32>
      %broadcast_in_dim3A_85 = vector.broadcast %broadcast_in_dim3A_84 : vector<128x1xi32> to vector<128x16xi32>
      %select_n3A_86 = arith.select %and3A_83, %broadcast_in_dim3A_85, %scan3A_37 : vector<128x16xi1>, vector<128x16xi32>
      %eq3A_87 = vector.broadcast %broadcast_in_dim3A_44 : vector<128x1xi32> to vector<128x2048xi32>
      %eq3A_88 = arith.cmpi eq, %iota3A, %eq3A_87 : vector<128x2048xi32>
      %jit3A_89 = arith.constant 0x7F800000 : f32
      %broadcast_in_dim3A_90 = vector.broadcast %jit3A_89 : f32 to vector<128x2048xf32>
      %select_n3A_91 = arith.select %eq3A_88, %broadcast_in_dim3A_90, %scan3A_36 : vector<128x2048xi1>, vector<128x2048xf32>
      scf.yield %select_n3A_91, %select_n3A_86 : vector<128x2048xf32>, vector<128x16xi32>
    }
    %scan3A_28 = arith.constant 32 : i32
    %mul3A_29 = arith.constant 2048 : i32
    %mul3A_30 = arith.muli %add3A_0, %mul3A_29 : i32
    %add3A_31 = vector.broadcast %mul3A_30 : i32 to vector<128x16xi32>
    %add3A_32 = arith.addi %scan3A_27#1, %add3A_31 : vector<128x16xi32>
    %swap3A = arith.constant 0 : index
    %swap3A_33 = arith.constant 0 : index
    %swap3A_34 = vector.load %arg4[%swap3A, %swap3A_33] : memref<128x16xi32, #tpu.memory_space<vmem>>, vector<128x16xi32>
    tpu.vector_store %arg4[%swap3A, %swap3A_33], %add3A_32 {strides = array<i32>} : memref<128x16xi32, #tpu.memory_space<vmem>>, vector<128x16xi32>,
    return
  }
  func.func @transform_0(%arg0: i32, %arg1: i32) -> (i32, i32) {
    %add3A = arith.constant 3 : i32
    %add3A_0 = arith.addi %add3A, %arg0 : i32
    %mul3A = arith.constant 16 : i32
    %mul3A_1 = arith.muli %add3A_0, %mul3A : i32
    %add3A_2 = arith.addi %mul3A_1, %arg1 : i32
    %c0_i32 = arith.constant 0 : i32
    %c0_i32_3 = arith.constant 0 : i32
    return %add3A_2, %c0_i32 : i32, i32
  }
  func.func @transform_1(%arg0: i32, %arg1: i32) -> (i32, i32, i32) {
    %add3A = arith.constant 3 : i32
    %add3A_0 = arith.addi %add3A, %arg0 : i32
    %c0_i32 = arith.constant 0 : i32
    %c0_i32_1 = arith.constant 0 : i32
    %c0_i32_2 = arith.constant 0 : i32
    return %add3A_0, %c0_i32, %c0_i32_1 : i32, i32, i32
  }
  func.func @transform_2(%arg0: i32, %arg1: i32) -> (i32, i32) {
    %mul3A = arith.constant 16 : i32
    %mul3A_0 = arith.muli %arg0, %mul3A : i32
    %add3A = arith.addi %mul3A_0, %arg1 : i32
    %c0_i32 = arith.constant 0 : i32
    %c0_i32_1 = arith.constant 0 : i32
    return %add3A, %c0_i32 : i32, i32
  }
}

module attributes {stable_mosaic.version = 14 : i64} {
  func.func @_attn_body(%arg0: i32, %arg1: memref<128x256xf32, #tpu.memory_space<vmem>>, %arg2: memref<128x128xf32, #tpu.memory_space<vmem>>, %arg3: memref<128x128xf32, #tpu.memory_space<vmem>>, %arg4: memref<2048x128xf32, #tpu.memory_space<vmem>>, %arg5: memref<2048x128xf32, #tpu.memory_space<vmem>>, %arg6: memref<2048x128xf32, #tpu.memory_space<vmem>>, %arg7: memref<1x256xf32, #tpu.memory_space<vmem>>, %arg8: memref<256x256xf32, #tpu.memory_space<vmem>>, %arg9: memref<1x256xf32, #tpu.memory_space<vmem>>, %arg10: memref<256x256xf32, #tpu.memory_space<vmem>>, %arg11: memref<1x256xf32, #tpu.memory_space<vmem>>, %arg12: memref<256x256xf32, #tpu.memory_space<vmem>>, %arg13: memref<1x256xf32, #tpu.memory_space<vmem>>, %arg14: memref<256x128xf32, #tpu.memory_space<vmem>>, %arg15: memref<1x128xf32, #tpu.memory_space<vmem>>, %arg16: memref<128x128xf32, #tpu.memory_space<vmem>>, %arg17: memref<2048x256xf32, #tpu.memory_space<vmem>>) attributes {dimension_semantics = [#tpu.dimension_semantics<arbitrary>], iteration_bounds = array<i64: 16>, scalar_prefetch = 0 : i64, scratch_operands = 0 : i64, tpu.core_type = #tpu.core_type<tc>, window_params = [{transform_indices = @transform_0, window_bounds = array<i64: 128, 256>}, {transform_indices = @transform_1, window_bounds = array<i64: 128, 128>}, {transform_indices = @transform_2, window_bounds = array<i64: 128, 128>}, {transform_indices = @transform_3, window_bounds = array<i64: 2048, 128>}, {transform_indices = @transform_4, window_bounds = array<i64: 2048, 128>}, {transform_indices = @transform_5, window_bounds = array<i64: 2048, 128>}, {pipeline_mode = #tpu.pipeline_mode<synchronous>, transform_indices = @transform_6, window_bounds = array<i64: 1, 256>}, {pipeline_mode = #tpu.pipeline_mode<synchronous>, transform_indices = @transform_7, window_bounds = array<i64: 256, 256>}, {pipeline_mode = #tpu.pipeline_mode<synchronous>, transform_indices = @transform_8, window_bounds = array<i64: 1, 256>}, {pipeline_mode = #tpu.pipeline_mode<synchronous>, transform_indices = @transform_9, window_bounds = array<i64: 256, 256>}, {pipeline_mode = #tpu.pipeline_mode<synchronous>, transform_indices = @transform_10, window_bounds = array<i64: 1, 256>}, {pipeline_mode = #tpu.pipeline_mode<synchronous>, transform_indices = @transform_11, window_bounds = array<i64: 256, 256>}, {pipeline_mode = #tpu.pipeline_mode<synchronous>, transform_indices = @transform_12, window_bounds = array<i64: 1, 256>}, {pipeline_mode = #tpu.pipeline_mode<synchronous>, transform_indices = @transform_13, window_bounds = array<i64: 256, 128>}, {pipeline_mode = #tpu.pipeline_mode<synchronous>, transform_indices = @transform_14, window_bounds = array<i64: 1, 128>}, {transform_indices = @transform_15, window_bounds = array<i64: 128, 128>}, {transform_indices = @transform_16, window_bounds = array<i64: 2048, 256>}]} {
    %get3A = arith.constant 0 : index
    %get3A_0 = arith.constant 0 : index
    %get3A_1 = vector.load %arg2[%get3A, %get3A_0] : memref<128x128xf32, #tpu.memory_space<vmem>>, vector<128x128xf32>
    %bitcast3A = tpu.bitcast %get3A_1 : vector<128x128xf32> -> vector<256x128xbf16>
    %reshape3A = vector.shape_cast %bitcast3A : vector<256x128xbf16> to vector<128x256xbf16>
    %convert_element_type3A = arith.extf %reshape3A : vector<128x256xbf16> to vector<128x256xf32>
    %get3A_2 = arith.constant 0 : index
    %get3A_3 = arith.constant 0 : index
    %get3A_4 = vector.load %arg6[%get3A_2, %get3A_3] : memref<2048x128xf32, #tpu.memory_space<vmem>>, vector<2048x128xf32>
    %bitcast3A_5 = tpu.bitcast %get3A_4 : vector<2048x128xf32> -> vector<4096x128xbf16>
    %reshape3A_6 = vector.shape_cast %bitcast3A_5 : vector<4096x128xbf16> to vector<128x16x256xbf16>
    %convert_element_type3A_7 = arith.extf %reshape3A_6 : vector<128x16x256xbf16> to vector<128x16x256xf32>
    %broadcast_in_dim3A = vector.shape_cast %convert_element_type3A : vector<128x256xf32> to vector<128x1x256xf32>
    %sub3A = vector.broadcast %broadcast_in_dim3A : vector<128x1x256xf32> to vector<128x16x256xf32>
    %sub3A_8 = arith.subf %sub3A, %convert_element_type3A_7 : vector<128x16x256xf32>
    %get3A_9 = arith.constant 0 : index
    %get3A_10 = arith.constant 0 : index
    %get3A_11 = vector.load %arg7[%get3A_9, %get3A_10] : memref<1x256xf32, #tpu.memory_space<vmem>>, vector<1x256xf32>
    %broadcast_in_dim3A_12 = vector.shape_cast %get3A_11 : vector<1x256xf32> to vector<1x1x256xf32>
    %add3A = vector.broadcast %broadcast_in_dim3A_12 : vector<1x1x256xf32> to vector<128x16x256xf32>
    %add3A_13 = arith.addf %sub3A_8, %add3A : vector<128x16x256xf32>
    %max3A = arith.constant 0.000000e+00 : f32
    %max3A_14 = vector.broadcast %max3A : f32 to vector<128x16x256xf32>
    %max3A_15 = arith.maximumf %add3A_13, %max3A_14 : vector<128x16x256xf32>
    %reshape3A_16 = vector.shape_cast %max3A_15 : vector<128x16x256xf32> to vector<2048x256xf32>
    %get3A_17 = arith.constant 0 : index
    %get3A_18 = arith.constant 0 : index
    %get3A_19 = vector.load %arg8[%get3A_17, %get3A_18] : memref<256x256xf32, #tpu.memory_space<vmem>>, vector<256x256xf32>
    %dot_general3A = arith.constant dense<0.000000e+00> : vector<2048x256xf32>
    %dot_general3A_20 = tpu.matmul %reshape3A_16, %get3A_19, %dot_general3A {dimension_numbers = #tpu.dot_dimension_numbers<[1], [0], [0], [1], [0, 0, 1, 1], [], []>, transpose_lhs_hint = false} : vector<2048x256xf32>, vector<256x256xf32>, vector<2048x256xf32> -> vector<2048x256xf32>
    %get3A_21 = arith.constant 0 : index
    %get3A_22 = arith.constant 0 : index
    %get3A_23 = vector.load %arg9[%get3A_21, %get3A_22] : memref<1x256xf32, #tpu.memory_space<vmem>>, vector<1x256xf32>
    %add3A_24 = vector.broadcast %get3A_23 : vector<1x256xf32> to vector<2048x256xf32>
    %add3A_25 = arith.addf %dot_general3A_20, %add3A_24 : vector<2048x256xf32>
    %reshape3A_26 = vector.shape_cast %add3A_25 : vector<2048x256xf32> to vector<128x16x256xf32>
    %get3A_27 = arith.constant 0 : index
    %get3A_28 = arith.constant 0 : index
    %get3A_29 = vector.load %arg4[%get3A_27, %get3A_28] : memref<2048x128xf32, #tpu.memory_space<vmem>>, vector<2048x128xf32>
    %bitcast3A_30 = tpu.bitcast %get3A_29 : vector<2048x128xf32> -> vector<4096x128xbf16>
    %reshape3A_31 = vector.shape_cast %bitcast3A_30 : vector<4096x128xbf16> to vector<128x16x256xbf16>
    %convert_element_type3A_32 = arith.extf %reshape3A_31 : vector<128x16x256xbf16> to vector<128x16x256xf32>
    %get3A_33 = arith.constant 0 : index
    %get3A_34 = arith.constant 0 : index
    %get3A_35 = vector.load %arg1[%get3A_33, %get3A_34] : memref<128x256xf32, #tpu.memory_space<vmem>>, vector<128x256xf32>
    %broadcast_in_dim3A_36 = vector.shape_cast %get3A_35 : vector<128x256xf32> to vector<128x1x256xf32>
    %sub3A_37 = vector.broadcast %broadcast_in_dim3A_36 : vector<128x1x256xf32> to vector<128x16x256xf32>
    %sub3A_38 = arith.subf %sub3A_37, %convert_element_type3A_32 : vector<128x16x256xf32>
    %add3A_39 = arith.addf %sub3A_38, %reshape3A_26 : vector<128x16x256xf32>
    %reshape3A_40 = vector.shape_cast %add3A_39 : vector<128x16x256xf32> to vector<2048x256xf32>
    %get3A_41 = arith.constant 0 : index
    %get3A_42 = arith.constant 0 : index
    %get3A_43 = vector.load %arg10[%get3A_41, %get3A_42] : memref<256x256xf32, #tpu.memory_space<vmem>>, vector<256x256xf32>
    %dot_general3A_44 = arith.constant dense<0.000000e+00> : vector<2048x256xf32>
    %dot_general3A_45 = tpu.matmul %reshape3A_40, %get3A_43, %dot_general3A_44 {dimension_numbers = #tpu.dot_dimension_numbers<[1], [0], [0], [1], [0, 0, 1, 1], [], []>, transpose_lhs_hint = false} : vector<2048x256xf32>, vector<256x256xf32>, vector<2048x256xf32> -> vector<2048x256xf32>
    %get3A_46 = arith.constant 0 : index
    %get3A_47 = arith.constant 0 : index
    %get3A_48 = vector.load %arg11[%get3A_46, %get3A_47] : memref<1x256xf32, #tpu.memory_space<vmem>>, vector<1x256xf32>
    %add3A_49 = vector.broadcast %get3A_48 : vector<1x256xf32> to vector<2048x256xf32>
    %add3A_50 = arith.addf %dot_general3A_45, %add3A_49 : vector<2048x256xf32>
    %max3A_51 = arith.constant 0.000000e+00 : f32
    %max3A_52 = vector.broadcast %max3A_51 : f32 to vector<2048x256xf32>
    %max3A_53 = arith.maximumf %add3A_50, %max3A_52 : vector<2048x256xf32>
    %get3A_54 = arith.constant 0 : index
    %get3A_55 = arith.constant 0 : index
    %get3A_56 = vector.load %arg12[%get3A_54, %get3A_55] : memref<256x256xf32, #tpu.memory_space<vmem>>, vector<256x256xf32>
    %dot_general3A_57 = arith.constant dense<0.000000e+00> : vector<2048x256xf32>
    %dot_general3A_58 = tpu.matmul %max3A_53, %get3A_56, %dot_general3A_57 {dimension_numbers = #tpu.dot_dimension_numbers<[1], [0], [0], [1], [0, 0, 1, 1], [], []>, transpose_lhs_hint = false} : vector<2048x256xf32>, vector<256x256xf32>, vector<2048x256xf32> -> vector<2048x256xf32>
    %get3A_59 = arith.constant 0 : index
    %get3A_60 = arith.constant 0 : index
    %get3A_61 = vector.load %arg13[%get3A_59, %get3A_60] : memref<1x256xf32, #tpu.memory_space<vmem>>, vector<1x256xf32>
    %add3A_62 = vector.broadcast %get3A_61 : vector<1x256xf32> to vector<2048x256xf32>
    %add3A_63 = arith.addf %dot_general3A_58, %add3A_62 : vector<2048x256xf32>
    %reshape3A_64 = vector.shape_cast %add3A_63 : vector<2048x256xf32> to vector<128x16x256xf32>
    %mul3A = arith.constant 6.250000e-02 : f32
    %mul3A_65 = vector.broadcast %mul3A : f32 to vector<128x16x256xf32>
    %mul3A_66 = arith.mulf %reshape3A_64, %mul3A_65 : vector<128x16x256xf32>
    %reduce_max3A = arith.constant dense<0xFF800000> : vector<128x256xf32>
    %reduce_max3A_67 = vector.multi_reduction <maximumf>, %mul3A_66, %reduce_max3A [1] : vector<128x16x256xf32> to vector<128x256xf32>
    %broadcast_in_dim3A_68 = vector.shape_cast %reduce_max3A_67 : vector<128x256xf32> to vector<128x1x256xf32>
    %sub3A_69 = vector.broadcast %broadcast_in_dim3A_68 : vector<128x1x256xf32> to vector<128x16x256xf32>
    %sub3A_70 = arith.subf %mul3A_66, %sub3A_69 : vector<128x16x256xf32>
    %exp3A = math.exp %sub3A_70 : vector<128x16x256xf32>
    %reduce_sum3A = arith.constant dense<0.000000e+00> : vector<128x256xf32>
    %reduce_sum3A_71 = vector.multi_reduction <add>, %exp3A, %reduce_sum3A [1] : vector<128x16x256xf32> to vector<128x256xf32>
    %broadcast_in_dim3A_72 = vector.shape_cast %reduce_sum3A_71 : vector<128x256xf32> to vector<128x1x256xf32>
    %div3A = vector.broadcast %broadcast_in_dim3A_72 : vector<128x1x256xf32> to vector<128x16x256xf32>
    %div3A_73 = arith.divf %exp3A, %div3A : vector<128x16x256xf32>
    %reshape3A_74 = vector.shape_cast %div3A_73 : vector<128x16x256xf32> to vector<2048x256xf32>
    %swap3A = arith.constant 0 : index
    %swap3A_75 = arith.constant 0 : index
    %swap3A_76 = vector.load %arg17[%swap3A, %swap3A_75] : memref<2048x256xf32, #tpu.memory_space<vmem>>, vector<2048x256xf32>
    tpu.vector_store %arg17[%swap3A, %swap3A_75], %reshape3A_74 {strides = array<i32>} : memref<2048x256xf32, #tpu.memory_space<vmem>>, vector<2048x256xf32>,
    %get3A_77 = arith.constant 0 : index
    %get3A_78 = arith.constant 0 : index
    %get3A_79 = vector.load %arg5[%get3A_77, %get3A_78] : memref<2048x128xf32, #tpu.memory_space<vmem>>, vector<2048x128xf32>
    %bitcast3A_80 = tpu.bitcast %get3A_79 : vector<2048x128xf32> -> vector<4096x128xbf16>
    %reshape3A_81 = vector.shape_cast %bitcast3A_80 : vector<4096x128xbf16> to vector<128x16x256xbf16>
    %convert_element_type3A_82 = arith.extf %reshape3A_81 : vector<128x16x256xbf16> to vector<128x16x256xf32>
    %add3A_83 = arith.addf %convert_element_type3A_82, %reshape3A_26 : vector<128x16x256xf32>
    %mul3A_84 = arith.mulf %div3A_73, %add3A_83 : vector<128x16x256xf32>
    %reduce_sum3A_85 = arith.constant dense<0.000000e+00> : vector<128x256xf32>
    %reduce_sum3A_86 = vector.multi_reduction <add>, %mul3A_84, %reduce_sum3A_85 [1] : vector<128x16x256xf32> to vector<128x256xf32>
    %get3A_87 = arith.constant 0 : index
    %get3A_88 = arith.constant 0 : index
    %get3A_89 = vector.load %arg14[%get3A_87, %get3A_88] : memref<256x128xf32, #tpu.memory_space<vmem>>, vector<256x128xf32>
    %dot_general3A_90 = arith.constant dense<0.000000e+00> : vector<128x128xf32>
    %dot_general3A_91 = tpu.matmul %reduce_sum3A_86, %get3A_89, %dot_general3A_90 {dimension_numbers = #tpu.dot_dimension_numbers<[1], [0], [0], [1], [0, 0, 1, 1], [], []>, transpose_lhs_hint = false} : vector<128x256xf32>, vector<256x128xf32>, vector<128x128xf32> -> vector<128x128xf32>
    %get3A_92 = arith.constant 0 : index
    %get3A_93 = arith.constant 0 : index
    %get3A_94 = vector.load %arg15[%get3A_92, %get3A_93] : memref<1x128xf32, #tpu.memory_space<vmem>>, vector<1x128xf32>
    %add3A_95 = vector.broadcast %get3A_94 : vector<1x128xf32> to vector<128x128xf32>
    %add3A_96 = arith.addf %dot_general3A_91, %add3A_95 : vector<128x128xf32>
    %get3A_97 = arith.constant 0 : index
    %get3A_98 = arith.constant 0 : index
    %get3A_99 = vector.load %arg3[%get3A_97, %get3A_98] : memref<128x128xf32, #tpu.memory_space<vmem>>, vector<128x128xf32>
    %add3A_100 = arith.addf %add3A_96, %get3A_99 : vector<128x128xf32>
    %swap3A_101 = arith.constant 0 : index
    %swap3A_102 = arith.constant 0 : index
    %swap3A_103 = vector.load %arg16[%swap3A_101, %swap3A_102] : memref<128x128xf32, #tpu.memory_space<vmem>>, vector<128x128xf32>
    tpu.vector_store %arg16[%swap3A_101, %swap3A_102], %add3A_100 {strides = array<i32>} : memref<128x128xf32, #tpu.memory_space<vmem>>, vector<128x128xf32>,
    return
  }
  func.func @transform_0(%arg0: i32) -> (i32, i32) {
    %add3A = arith.constant 0 : i32
    %add3A_0 = arith.addi %add3A, %arg0 : i32
    %c0_i32 = arith.constant 0 : i32
    %c0_i32_1 = arith.constant 0 : i32
    return %add3A_0, %c0_i32 : i32, i32
  }
  func.func @transform_1(%arg0: i32) -> (i32, i32) {
    %add3A = arith.constant 0 : i32
    %add3A_0 = arith.addi %add3A, %arg0 : i32
    %c0_i32 = arith.constant 0 : i32
    %c0_i32_1 = arith.constant 0 : i32
    return %add3A_0, %c0_i32 : i32, i32
  }
  func.func @transform_2(%arg0: i32) -> (i32, i32) {
    %add3A = arith.constant 0 : i32
    %add3A_0 = arith.addi %add3A, %arg0 : i32
    %c0_i32 = arith.constant 0 : i32
    %c0_i32_1 = arith.constant 0 : i32
    return %add3A_0, %c0_i32 : i32, i32
  }
  func.func @transform_3(%arg0: i32) -> (i32, i32) {
    %c0_i32 = arith.constant 0 : i32
    %c0_i32_0 = arith.constant 0 : i32
    return %arg0, %c0_i32 : i32, i32
  }
  func.func @transform_4(%arg0: i32) -> (i32, i32) {
    %c0_i32 = arith.constant 0 : i32
    %c0_i32_0 = arith.constant 0 : i32
    return %arg0, %c0_i32 : i32, i32
  }
  func.func @transform_5(%arg0: i32) -> (i32, i32) {
    %c0_i32 = arith.constant 0 : i32
    %c0_i32_0 = arith.constant 0 : i32
    return %arg0, %c0_i32 : i32, i32
  }
  func.func @transform_6(%arg0: i32) -> (i32, i32) {
    %c0_i32 = arith.constant 0 : i32
    %c0_i32_0 = arith.constant 0 : i32
    %c0_i32_1 = arith.constant 0 : i32
    return %c0_i32, %c0_i32_0 : i32, i32
  }
  func.func @transform_7(%arg0: i32) -> (i32, i32) {
    %c0_i32 = arith.constant 0 : i32
    %c0_i32_0 = arith.constant 0 : i32
    %c0_i32_1 = arith.constant 0 : i32
    return %c0_i32, %c0_i32_0 : i32, i32
  }
  func.func @transform_8(%arg0: i32) -> (i32, i32) {
    %c0_i32 = arith.constant 0 : i32
    %c0_i32_0 = arith.constant 0 : i32
    %c0_i32_1 = arith.constant 0 : i32
    return %c0_i32, %c0_i32_0 : i32, i32
  }
  func.func @transform_9(%arg0: i32) -> (i32, i32) {
    %c0_i32 = arith.constant 0 : i32
    %c0_i32_0 = arith.constant 0 : i32
    %c0_i32_1 = arith.constant 0 : i32
    return %c0_i32, %c0_i32_0 : i32, i32
  }
  func.func @transform_10(%arg0: i32) -> (i32, i32) {
    %c0_i32 = arith.constant 0 : i32
    %c0_i32_0 = arith.constant 0 : i32
    %c0_i32_1 = arith.constant 0 : i32
    return %c0_i32, %c0_i32_0 : i32, i32
  }
  func.func @transform_11(%arg0: i32) -> (i32, i32) {
    %c0_i32 = arith.constant 0 : i32
    %c0_i32_0 = arith.constant 0 : i32
    %c0_i32_1 = arith.constant 0 : i32
    return %c0_i32, %c0_i32_0 : i32, i32
  }
  func.func @transform_12(%arg0: i32) -> (i32, i32) {
    %c0_i32 = arith.constant 0 : i32
    %c0_i32_0 = arith.constant 0 : i32
    %c0_i32_1 = arith.constant 0 : i32
    return %c0_i32, %c0_i32_0 : i32, i32
  }
  func.func @transform_13(%arg0: i32) -> (i32, i32) {
    %c0_i32 = arith.constant 0 : i32
    %c0_i32_0 = arith.constant 0 : i32
    %c0_i32_1 = arith.constant 0 : i32
    return %c0_i32, %c0_i32_0 : i32, i32
  }
  func.func @transform_14(%arg0: i32) -> (i32, i32) {
    %c0_i32 = arith.constant 0 : i32
    %c0_i32_0 = arith.constant 0 : i32
    %c0_i32_1 = arith.constant 0 : i32
    return %c0_i32, %c0_i32_0 : i32, i32
  }
  func.func @transform_15(%arg0: i32) -> (i32, i32) {
    %add3A = arith.constant 0 : i32
    %add3A_0 = arith.addi %add3A, %arg0 : i32
    %c0_i32 = arith.constant 0 : i32
    %c0_i32_1 = arith.constant 0 : i32
    return %add3A_0, %c0_i32 : i32, i32
  }
  func.func @transform_16(%arg0: i32) -> (i32, i32) {
    %add3A = arith.constant 0 : i32
    %add3A_0 = arith.addi %add3A, %arg0 : i32
    %c0_i32 = arith.constant 0 : i32
    %c0_i32_1 = arith.constant 0 : i32
    return %add3A_0, %c0_i32 : i32, i32
  }
}

module attributes {stable_mosaic.version = 14 : i64} {
  func.func @_lambda_(%arg0: i32, %arg1: memref<128x256xf32, #tpu.memory_space<vmem>>, %arg2: memref<128x128xf32, #tpu.memory_space<vmem>>, %arg3: memref<128x128xf32, #tpu.memory_space<vmem>>, %arg4: memref<2048x128xf32, #tpu.memory_space<vmem>>, %arg5: memref<2048x128xf32, #tpu.memory_space<vmem>>, %arg6: memref<2048x128xf32, #tpu.memory_space<vmem>>, %arg7: memref<1x256xf32, #tpu.memory_space<vmem>>, %arg8: memref<256x256xf32, #tpu.memory_space<vmem>>, %arg9: memref<1x256xf32, #tpu.memory_space<vmem>>, %arg10: memref<256x256xf32, #tpu.memory_space<vmem>>, %arg11: memref<1x256xf32, #tpu.memory_space<vmem>>, %arg12: memref<256x256xf32, #tpu.memory_space<vmem>>, %arg13: memref<1x256xf32, #tpu.memory_space<vmem>>, %arg14: memref<256x128xf32, #tpu.memory_space<vmem>>, %arg15: memref<1x128xf32, #tpu.memory_space<vmem>>, %arg16: memref<8192x128xf32, #tpu.memory_space<any>>, %arg17: memref<131072x256xf32, #tpu.memory_space<any>>, %arg18: memref<128x128xf32, #tpu.memory_space<vmem>>, %arg19: memref<2048x256xf32, #tpu.memory_space<vmem>>) attributes {dimension_semantics = [#tpu.dimension_semantics<arbitrary>], iteration_bounds = array<i64: 16>, scalar_prefetch = 0 : i64, scratch_operands = 0 : i64, tpu.core_type = #tpu.core_type<tc>, window_params = [{transform_indices = @transform_0, window_bounds = array<i64: 128, 256>}, {transform_indices = @transform_1, window_bounds = array<i64: 128, 128>}, {transform_indices = @transform_2, window_bounds = array<i64: 128, 128>}, {transform_indices = @transform_3, window_bounds = array<i64: 2048, 128>}, {transform_indices = @transform_4, window_bounds = array<i64: 2048, 128>}, {transform_indices = @transform_5, window_bounds = array<i64: 2048, 128>}, {pipeline_mode = #tpu.pipeline_mode<synchronous>, transform_indices = @transform_6, window_bounds = array<i64: 1, 256>}, {pipeline_mode = #tpu.pipeline_mode<synchronous>, transform_indices = @transform_7, window_bounds = array<i64: 256, 256>}, {pipeline_mode = #tpu.pipeline_mode<synchronous>, transform_indices = @transform_8, window_bounds = array<i64: 1, 256>}, {pipeline_mode = #tpu.pipeline_mode<synchronous>, transform_indices = @transform_9, window_bounds = array<i64: 256, 256>}, {pipeline_mode = #tpu.pipeline_mode<synchronous>, transform_indices = @transform_10, window_bounds = array<i64: 1, 256>}, {pipeline_mode = #tpu.pipeline_mode<synchronous>, transform_indices = @transform_11, window_bounds = array<i64: 256, 256>}, {pipeline_mode = #tpu.pipeline_mode<synchronous>, transform_indices = @transform_12, window_bounds = array<i64: 1, 256>}, {pipeline_mode = #tpu.pipeline_mode<synchronous>, transform_indices = @transform_13, window_bounds = array<i64: 256, 128>}, {pipeline_mode = #tpu.pipeline_mode<synchronous>, transform_indices = @transform_14, window_bounds = array<i64: 1, 128>}, {}, {}, {transform_indices = @transform_17, window_bounds = array<i64: 128, 128>}, {transform_indices = @transform_18, window_bounds = array<i64: 2048, 256>}]} {
    %get3A = arith.constant 0 : index
    %get3A_0 = arith.constant 0 : index
    %get3A_1 = vector.load %arg2[%get3A, %get3A_0] : memref<128x128xf32, #tpu.memory_space<vmem>>, vector<128x128xf32>
    %bitcast3A = tpu.bitcast %get3A_1 : vector<128x128xf32> -> vector<256x128xbf16>
    %reshape3A = vector.shape_cast %bitcast3A : vector<256x128xbf16> to vector<128x256xbf16>
    %convert_element_type3A = arith.extf %reshape3A : vector<128x256xbf16> to vector<128x256xf32>
    %get3A_2 = arith.constant 0 : index
    %get3A_3 = arith.constant 0 : index
    %get3A_4 = vector.load %arg6[%get3A_2, %get3A_3] : memref<2048x128xf32, #tpu.memory_space<vmem>>, vector<2048x128xf32>
    %bitcast3A_5 = tpu.bitcast %get3A_4 : vector<2048x128xf32> -> vector<4096x128xbf16>
    %reshape3A_6 = vector.shape_cast %bitcast3A_5 : vector<4096x128xbf16> to vector<128x16x256xbf16>
    %convert_element_type3A_7 = arith.extf %reshape3A_6 : vector<128x16x256xbf16> to vector<128x16x256xf32>
    %broadcast_in_dim3A = vector.shape_cast %convert_element_type3A : vector<128x256xf32> to vector<128x1x256xf32>
    %sub3A = vector.broadcast %broadcast_in_dim3A : vector<128x1x256xf32> to vector<128x16x256xf32>
    %sub3A_8 = arith.subf %sub3A, %convert_element_type3A_7 : vector<128x16x256xf32>
    %get3A_9 = arith.constant 0 : index
    %get3A_10 = arith.constant 0 : index
    %get3A_11 = vector.load %arg7[%get3A_9, %get3A_10] : memref<1x256xf32, #tpu.memory_space<vmem>>, vector<1x256xf32>
    %broadcast_in_dim3A_12 = vector.shape_cast %get3A_11 : vector<1x256xf32> to vector<1x1x256xf32>
    %add3A = vector.broadcast %broadcast_in_dim3A_12 : vector<1x1x256xf32> to vector<128x16x256xf32>
    %add3A_13 = arith.addf %sub3A_8, %add3A : vector<128x16x256xf32>
    %max3A = arith.constant 0.000000e+00 : f32
    %max3A_14 = vector.broadcast %max3A : f32 to vector<128x16x256xf32>
    %max3A_15 = arith.maximumf %add3A_13, %max3A_14 : vector<128x16x256xf32>
    %reshape3A_16 = vector.shape_cast %max3A_15 : vector<128x16x256xf32> to vector<2048x256xf32>
    %get3A_17 = arith.constant 0 : index
    %get3A_18 = arith.constant 0 : index
    %get3A_19 = vector.load %arg8[%get3A_17, %get3A_18] : memref<256x256xf32, #tpu.memory_space<vmem>>, vector<256x256xf32>
    %dot_general3A = arith.constant dense<0.000000e+00> : vector<2048x256xf32>
    %dot_general3A_20 = tpu.matmul %reshape3A_16, %get3A_19, %dot_general3A {dimension_numbers = #tpu.dot_dimension_numbers<[1], [0], [0], [1], [0, 0, 1, 1], [], []>, transpose_lhs_hint = false} : vector<2048x256xf32>, vector<256x256xf32>, vector<2048x256xf32> -> vector<2048x256xf32>
    %get3A_21 = arith.constant 0 : index
    %get3A_22 = arith.constant 0 : index
    %get3A_23 = vector.load %arg9[%get3A_21, %get3A_22] : memref<1x256xf32, #tpu.memory_space<vmem>>, vector<1x256xf32>
    %add3A_24 = vector.broadcast %get3A_23 : vector<1x256xf32> to vector<2048x256xf32>
    %add3A_25 = arith.addf %dot_general3A_20, %add3A_24 : vector<2048x256xf32>
    %reshape3A_26 = vector.shape_cast %add3A_25 : vector<2048x256xf32> to vector<128x16x256xf32>
    %get3A_27 = arith.constant 0 : index
    %get3A_28 = arith.constant 0 : index
    %get3A_29 = vector.load %arg4[%get3A_27, %get3A_28] : memref<2048x128xf32, #tpu.memory_space<vmem>>, vector<2048x128xf32>
    %bitcast3A_30 = tpu.bitcast %get3A_29 : vector<2048x128xf32> -> vector<4096x128xbf16>
    %reshape3A_31 = vector.shape_cast %bitcast3A_30 : vector<4096x128xbf16> to vector<128x16x256xbf16>
    %convert_element_type3A_32 = arith.extf %reshape3A_31 : vector<128x16x256xbf16> to vector<128x16x256xf32>
    %get3A_33 = arith.constant 0 : index
    %get3A_34 = arith.constant 0 : index
    %get3A_35 = vector.load %arg1[%get3A_33, %get3A_34] : memref<128x256xf32, #tpu.memory_space<vmem>>, vector<128x256xf32>
    %broadcast_in_dim3A_36 = vector.shape_cast %get3A_35 : vector<128x256xf32> to vector<128x1x256xf32>
    %sub3A_37 = vector.broadcast %broadcast_in_dim3A_36 : vector<128x1x256xf32> to vector<128x16x256xf32>
    %sub3A_38 = arith.subf %sub3A_37, %convert_element_type3A_32 : vector<128x16x256xf32>
    %add3A_39 = arith.addf %sub3A_38, %reshape3A_26 : vector<128x16x256xf32>
    %reshape3A_40 = vector.shape_cast %add3A_39 : vector<128x16x256xf32> to vector<2048x256xf32>
    %get3A_41 = arith.constant 0 : index
    %get3A_42 = arith.constant 0 : index
    %get3A_43 = vector.load %arg10[%get3A_41, %get3A_42] : memref<256x256xf32, #tpu.memory_space<vmem>>, vector<256x256xf32>
    %dot_general3A_44 = arith.constant dense<0.000000e+00> : vector<2048x256xf32>
    %dot_general3A_45 = tpu.matmul %reshape3A_40, %get3A_43, %dot_general3A_44 {dimension_numbers = #tpu.dot_dimension_numbers<[1], [0], [0], [1], [0, 0, 1, 1], [], []>, transpose_lhs_hint = false} : vector<2048x256xf32>, vector<256x256xf32>, vector<2048x256xf32> -> vector<2048x256xf32>
    %get3A_46 = arith.constant 0 : index
    %get3A_47 = arith.constant 0 : index
    %get3A_48 = vector.load %arg11[%get3A_46, %get3A_47] : memref<1x256xf32, #tpu.memory_space<vmem>>, vector<1x256xf32>
    %add3A_49 = vector.broadcast %get3A_48 : vector<1x256xf32> to vector<2048x256xf32>
    %add3A_50 = arith.addf %dot_general3A_45, %add3A_49 : vector<2048x256xf32>
    %max3A_51 = arith.constant 0.000000e+00 : f32
    %max3A_52 = vector.broadcast %max3A_51 : f32 to vector<2048x256xf32>
    %max3A_53 = arith.maximumf %add3A_50, %max3A_52 : vector<2048x256xf32>
    %get3A_54 = arith.constant 0 : index
    %get3A_55 = arith.constant 0 : index
    %get3A_56 = vector.load %arg12[%get3A_54, %get3A_55] : memref<256x256xf32, #tpu.memory_space<vmem>>, vector<256x256xf32>
    %dot_general3A_57 = arith.constant dense<0.000000e+00> : vector<2048x256xf32>
    %dot_general3A_58 = tpu.matmul %max3A_53, %get3A_56, %dot_general3A_57 {dimension_numbers = #tpu.dot_dimension_numbers<[1], [0], [0], [1], [0, 0, 1, 1], [], []>, transpose_lhs_hint = false} : vector<2048x256xf32>, vector<256x256xf32>, vector<2048x256xf32> -> vector<2048x256xf32>
    %get3A_59 = arith.constant 0 : index
    %get3A_60 = arith.constant 0 : index
    %get3A_61 = vector.load %arg13[%get3A_59, %get3A_60] : memref<1x256xf32, #tpu.memory_space<vmem>>, vector<1x256xf32>
    %add3A_62 = vector.broadcast %get3A_61 : vector<1x256xf32> to vector<2048x256xf32>
    %add3A_63 = arith.addf %dot_general3A_58, %add3A_62 : vector<2048x256xf32>
    %reshape3A_64 = vector.shape_cast %add3A_63 : vector<2048x256xf32> to vector<128x16x256xf32>
    %mul3A = arith.constant 6.250000e-02 : f32
    %mul3A_65 = vector.broadcast %mul3A : f32 to vector<128x16x256xf32>
    %mul3A_66 = arith.mulf %reshape3A_64, %mul3A_65 : vector<128x16x256xf32>
    %reduce_max3A = arith.constant dense<0xFF800000> : vector<128x256xf32>
    %reduce_max3A_67 = vector.multi_reduction <maximumf>, %mul3A_66, %reduce_max3A [1] : vector<128x16x256xf32> to vector<128x256xf32>
    %broadcast_in_dim3A_68 = vector.shape_cast %reduce_max3A_67 : vector<128x256xf32> to vector<128x1x256xf32>
    %sub3A_69 = vector.broadcast %broadcast_in_dim3A_68 : vector<128x1x256xf32> to vector<128x16x256xf32>
    %sub3A_70 = arith.subf %mul3A_66, %sub3A_69 : vector<128x16x256xf32>
    %exp3A = math.exp %sub3A_70 : vector<128x16x256xf32>
    %reduce_sum3A = arith.constant dense<0.000000e+00> : vector<128x256xf32>
    %reduce_sum3A_71 = vector.multi_reduction <add>, %exp3A, %reduce_sum3A [1] : vector<128x16x256xf32> to vector<128x256xf32>
    %broadcast_in_dim3A_72 = vector.shape_cast %reduce_sum3A_71 : vector<128x256xf32> to vector<128x1x256xf32>
    %div3A = vector.broadcast %broadcast_in_dim3A_72 : vector<128x1x256xf32> to vector<128x16x256xf32>
    %div3A_73 = arith.divf %exp3A, %div3A : vector<128x16x256xf32>
    %reshape3A_74 = vector.shape_cast %div3A_73 : vector<128x16x256xf32> to vector<2048x256xf32>
    %swap3A = arith.constant 0 : index
    %swap3A_75 = arith.constant 0 : index
    %swap3A_76 = vector.load %arg19[%swap3A, %swap3A_75] : memref<2048x256xf32, #tpu.memory_space<vmem>>, vector<2048x256xf32>
    tpu.vector_store %arg19[%swap3A, %swap3A_75], %reshape3A_74 {strides = array<i32>} : memref<2048x256xf32, #tpu.memory_space<vmem>>, vector<2048x256xf32>,
    %get3A_77 = arith.constant 0 : index
    %get3A_78 = arith.constant 0 : index
    %get3A_79 = vector.load %arg5[%get3A_77, %get3A_78] : memref<2048x128xf32, #tpu.memory_space<vmem>>, vector<2048x128xf32>
    %bitcast3A_80 = tpu.bitcast %get3A_79 : vector<2048x128xf32> -> vector<4096x128xbf16>
    %reshape3A_81 = vector.shape_cast %bitcast3A_80 : vector<4096x128xbf16> to vector<128x16x256xbf16>
    %convert_element_type3A_82 = arith.extf %reshape3A_81 : vector<128x16x256xbf16> to vector<128x16x256xf32>
    %add3A_83 = arith.addf %convert_element_type3A_82, %reshape3A_26 : vector<128x16x256xf32>
    %mul3A_84 = arith.mulf %div3A_73, %add3A_83 : vector<128x16x256xf32>
    %reduce_sum3A_85 = arith.constant dense<0.000000e+00> : vector<128x256xf32>
    %reduce_sum3A_86 = vector.multi_reduction <add>, %mul3A_84, %reduce_sum3A_85 [1] : vector<128x16x256xf32> to vector<128x256xf32>
    %get3A_87 = arith.constant 0 : index
    %get3A_88 = arith.constant 0 : index
    %get3A_89 = vector.load %arg14[%get3A_87, %get3A_88] : memref<256x128xf32, #tpu.memory_space<vmem>>, vector<256x128xf32>
    %dot_general3A_90 = arith.constant dense<0.000000e+00> : vector<128x128xf32>
    %dot_general3A_91 = tpu.matmul %reduce_sum3A_86, %get3A_89, %dot_general3A_90 {dimension_numbers = #tpu.dot_dimension_numbers<[1], [0], [0], [1], [0, 0, 1, 1], [], []>, transpose_lhs_hint = false} : vector<128x256xf32>, vector<256x128xf32>, vector<128x128xf32> -> vector<128x128xf32>
    %get3A_92 = arith.constant 0 : index
    %get3A_93 = arith.constant 0 : index
    %get3A_94 = vector.load %arg15[%get3A_92, %get3A_93] : memref<1x128xf32, #tpu.memory_space<vmem>>, vector<1x128xf32>
    %add3A_95 = vector.broadcast %get3A_94 : vector<1x128xf32> to vector<128x128xf32>
    %add3A_96 = arith.addf %dot_general3A_91, %add3A_95 : vector<128x128xf32>
    %get3A_97 = arith.constant 0 : index
    %get3A_98 = arith.constant 0 : index
    %get3A_99 = vector.load %arg3[%get3A_97, %get3A_98] : memref<128x128xf32, #tpu.memory_space<vmem>>, vector<128x128xf32>
    %add3A_100 = arith.addf %add3A_96, %get3A_99 : vector<128x128xf32>
    %swap3A_101 = arith.constant 0 : index
    %swap3A_102 = arith.constant 0 : index
    %swap3A_103 = vector.load %arg18[%swap3A_101, %swap3A_102] : memref<128x128xf32, #tpu.memory_space<vmem>>, vector<128x128xf32>
    tpu.vector_store %arg18[%swap3A_101, %swap3A_102], %add3A_100 {strides = array<i32>} : memref<128x128xf32, #tpu.memory_space<vmem>>, vector<128x128xf32>,
    return
  }
  func.func @transform_0(%arg0: i32) -> (i32, i32) {
    %add3A = arith.constant 16 : i32
    %add3A_0 = arith.addi %add3A, %arg0 : i32
    %c0_i32 = arith.constant 0 : i32
    %c0_i32_1 = arith.constant 0 : i32
    return %add3A_0, %c0_i32 : i32, i32
  }
  func.func @transform_1(%arg0: i32) -> (i32, i32) {
    %add3A = arith.constant 16 : i32
    %add3A_0 = arith.addi %add3A, %arg0 : i32
    %c0_i32 = arith.constant 0 : i32
    %c0_i32_1 = arith.constant 0 : i32
    return %add3A_0, %c0_i32 : i32, i32
  }
  func.func @transform_2(%arg0: i32) -> (i32, i32) {
    %add3A = arith.constant 16 : i32
    %add3A_0 = arith.addi %add3A, %arg0 : i32
    %c0_i32 = arith.constant 0 : i32
    %c0_i32_1 = arith.constant 0 : i32
    return %add3A_0, %c0_i32 : i32, i32
  }
  func.func @transform_3(%arg0: i32) -> (i32, i32) {
    %c0_i32 = arith.constant 0 : i32
    %c0_i32_0 = arith.constant 0 : i32
    return %arg0, %c0_i32 : i32, i32
  }
  func.func @transform_4(%arg0: i32) -> (i32, i32) {
    %c0_i32 = arith.constant 0 : i32
    %c0_i32_0 = arith.constant 0 : i32
    return %arg0, %c0_i32 : i32, i32
  }
  func.func @transform_5(%arg0: i32) -> (i32, i32) {
    %c0_i32 = arith.constant 0 : i32
    %c0_i32_0 = arith.constant 0 : i32
    return %arg0, %c0_i32 : i32, i32
  }
  func.func @transform_6(%arg0: i32) -> (i32, i32) {
    %c0_i32 = arith.constant 0 : i32
    %c0_i32_0 = arith.constant 0 : i32
    %c0_i32_1 = arith.constant 0 : i32
    return %c0_i32, %c0_i32_0 : i32, i32
  }
  func.func @transform_7(%arg0: i32) -> (i32, i32) {
    %c0_i32 = arith.constant 0 : i32
    %c0_i32_0 = arith.constant 0 : i32
    %c0_i32_1 = arith.constant 0 : i32
    return %c0_i32, %c0_i32_0 : i32, i32
  }
  func.func @transform_8(%arg0: i32) -> (i32, i32) {
    %c0_i32 = arith.constant 0 : i32
    %c0_i32_0 = arith.constant 0 : i32
    %c0_i32_1 = arith.constant 0 : i32
    return %c0_i32, %c0_i32_0 : i32, i32
  }
  func.func @transform_9(%arg0: i32) -> (i32, i32) {
    %c0_i32 = arith.constant 0 : i32
    %c0_i32_0 = arith.constant 0 : i32
    %c0_i32_1 = arith.constant 0 : i32
    return %c0_i32, %c0_i32_0 : i32, i32
  }
  func.func @transform_10(%arg0: i32) -> (i32, i32) {
    %c0_i32 = arith.constant 0 : i32
    %c0_i32_0 = arith.constant 0 : i32
    %c0_i32_1 = arith.constant 0 : i32
    return %c0_i32, %c0_i32_0 : i32, i32
  }
  func.func @transform_11(%arg0: i32) -> (i32, i32) {
    %c0_i32 = arith.constant 0 : i32
    %c0_i32_0 = arith.constant 0 : i32
    %c0_i32_1 = arith.constant 0 : i32
    return %c0_i32, %c0_i32_0 : i32, i32
  }
  func.func @transform_12(%arg0: i32) -> (i32, i32) {
    %c0_i32 = arith.constant 0 : i32
    %c0_i32_0 = arith.constant 0 : i32
    %c0_i32_1 = arith.constant 0 : i32
    return %c0_i32, %c0_i32_0 : i32, i32
  }
  func.func @transform_13(%arg0: i32) -> (i32, i32) {
    %c0_i32 = arith.constant 0 : i32
    %c0_i32_0 = arith.constant 0 : i32
    %c0_i32_1 = arith.constant 0 : i32
    return %c0_i32, %c0_i32_0 : i32, i32
  }
  func.func @transform_14(%arg0: i32) -> (i32, i32) {
    %c0_i32 = arith.constant 0 : i32
    %c0_i32_0 = arith.constant 0 : i32
    %c0_i32_1 = arith.constant 0 : i32
    return %c0_i32, %c0_i32_0 : i32, i32
  }
  func.func @transform_17(%arg0: i32) -> (i32, i32) {
    %add3A = arith.constant 16 : i32
    %add3A_0 = arith.addi %add3A, %arg0 : i32
    %c0_i32 = arith.constant 0 : i32
    %c0_i32_1 = arith.constant 0 : i32
    return %add3A_0, %c0_i32 : i32, i32
  }
  func.func @transform_18(%arg0: i32) -> (i32, i32) {
    %add3A = arith.constant 16 : i32
    %add3A_0 = arith.addi %add3A, %arg0 : i32
    %c0_i32 = arith.constant 0 : i32
    %c0_i32_1 = arith.constant 0 : i32
    return %add3A_0, %c0_i32 : i32, i32
  }
}

module attributes {stable_mosaic.version = 14 : i64} {
  func.func @_lambda_(%arg0: i32, %arg1: memref<128x256xf32, #tpu.memory_space<vmem>>, %arg2: memref<128x128xf32, #tpu.memory_space<vmem>>, %arg3: memref<128x128xf32, #tpu.memory_space<vmem>>, %arg4: memref<2048x128xf32, #tpu.memory_space<vmem>>, %arg5: memref<2048x128xf32, #tpu.memory_space<vmem>>, %arg6: memref<2048x128xf32, #tpu.memory_space<vmem>>, %arg7: memref<1x256xf32, #tpu.memory_space<vmem>>, %arg8: memref<256x256xf32, #tpu.memory_space<vmem>>, %arg9: memref<1x256xf32, #tpu.memory_space<vmem>>, %arg10: memref<256x256xf32, #tpu.memory_space<vmem>>, %arg11: memref<1x256xf32, #tpu.memory_space<vmem>>, %arg12: memref<256x256xf32, #tpu.memory_space<vmem>>, %arg13: memref<1x256xf32, #tpu.memory_space<vmem>>, %arg14: memref<256x128xf32, #tpu.memory_space<vmem>>, %arg15: memref<1x128xf32, #tpu.memory_space<vmem>>, %arg16: memref<8192x128xf32, #tpu.memory_space<any>>, %arg17: memref<131072x256xf32, #tpu.memory_space<any>>, %arg18: memref<128x128xf32, #tpu.memory_space<vmem>>, %arg19: memref<2048x256xf32, #tpu.memory_space<vmem>>) attributes {dimension_semantics = [#tpu.dimension_semantics<arbitrary>], iteration_bounds = array<i64: 16>, scalar_prefetch = 0 : i64, scratch_operands = 0 : i64, tpu.core_type = #tpu.core_type<tc>, window_params = [{transform_indices = @transform_0, window_bounds = array<i64: 128, 256>}, {transform_indices = @transform_1, window_bounds = array<i64: 128, 128>}, {transform_indices = @transform_2, window_bounds = array<i64: 128, 128>}, {transform_indices = @transform_3, window_bounds = array<i64: 2048, 128>}, {transform_indices = @transform_4, window_bounds = array<i64: 2048, 128>}, {transform_indices = @transform_5, window_bounds = array<i64: 2048, 128>}, {pipeline_mode = #tpu.pipeline_mode<synchronous>, transform_indices = @transform_6, window_bounds = array<i64: 1, 256>}, {pipeline_mode = #tpu.pipeline_mode<synchronous>, transform_indices = @transform_7, window_bounds = array<i64: 256, 256>}, {pipeline_mode = #tpu.pipeline_mode<synchronous>, transform_indices = @transform_8, window_bounds = array<i64: 1, 256>}, {pipeline_mode = #tpu.pipeline_mode<synchronous>, transform_indices = @transform_9, window_bounds = array<i64: 256, 256>}, {pipeline_mode = #tpu.pipeline_mode<synchronous>, transform_indices = @transform_10, window_bounds = array<i64: 1, 256>}, {pipeline_mode = #tpu.pipeline_mode<synchronous>, transform_indices = @transform_11, window_bounds = array<i64: 256, 256>}, {pipeline_mode = #tpu.pipeline_mode<synchronous>, transform_indices = @transform_12, window_bounds = array<i64: 1, 256>}, {pipeline_mode = #tpu.pipeline_mode<synchronous>, transform_indices = @transform_13, window_bounds = array<i64: 256, 128>}, {pipeline_mode = #tpu.pipeline_mode<synchronous>, transform_indices = @transform_14, window_bounds = array<i64: 1, 128>}, {}, {}, {transform_indices = @transform_17, window_bounds = array<i64: 128, 128>}, {transform_indices = @transform_18, window_bounds = array<i64: 2048, 256>}]} {
    %get3A = arith.constant 0 : index
    %get3A_0 = arith.constant 0 : index
    %get3A_1 = vector.load %arg2[%get3A, %get3A_0] : memref<128x128xf32, #tpu.memory_space<vmem>>, vector<128x128xf32>
    %bitcast3A = tpu.bitcast %get3A_1 : vector<128x128xf32> -> vector<256x128xbf16>
    %reshape3A = vector.shape_cast %bitcast3A : vector<256x128xbf16> to vector<128x256xbf16>
    %convert_element_type3A = arith.extf %reshape3A : vector<128x256xbf16> to vector<128x256xf32>
    %get3A_2 = arith.constant 0 : index
    %get3A_3 = arith.constant 0 : index
    %get3A_4 = vector.load %arg6[%get3A_2, %get3A_3] : memref<2048x128xf32, #tpu.memory_space<vmem>>, vector<2048x128xf32>
    %bitcast3A_5 = tpu.bitcast %get3A_4 : vector<2048x128xf32> -> vector<4096x128xbf16>
    %reshape3A_6 = vector.shape_cast %bitcast3A_5 : vector<4096x128xbf16> to vector<128x16x256xbf16>
    %convert_element_type3A_7 = arith.extf %reshape3A_6 : vector<128x16x256xbf16> to vector<128x16x256xf32>
    %broadcast_in_dim3A = vector.shape_cast %convert_element_type3A : vector<128x256xf32> to vector<128x1x256xf32>
    %sub3A = vector.broadcast %broadcast_in_dim3A : vector<128x1x256xf32> to vector<128x16x256xf32>
    %sub3A_8 = arith.subf %sub3A, %convert_element_type3A_7 : vector<128x16x256xf32>
    %get3A_9 = arith.constant 0 : index
    %get3A_10 = arith.constant 0 : index
    %get3A_11 = vector.load %arg7[%get3A_9, %get3A_10] : memref<1x256xf32, #tpu.memory_space<vmem>>, vector<1x256xf32>
    %broadcast_in_dim3A_12 = vector.shape_cast %get3A_11 : vector<1x256xf32> to vector<1x1x256xf32>
    %add3A = vector.broadcast %broadcast_in_dim3A_12 : vector<1x1x256xf32> to vector<128x16x256xf32>
    %add3A_13 = arith.addf %sub3A_8, %add3A : vector<128x16x256xf32>
    %max3A = arith.constant 0.000000e+00 : f32
    %max3A_14 = vector.broadcast %max3A : f32 to vector<128x16x256xf32>
    %max3A_15 = arith.maximumf %add3A_13, %max3A_14 : vector<128x16x256xf32>
    %reshape3A_16 = vector.shape_cast %max3A_15 : vector<128x16x256xf32> to vector<2048x256xf32>
    %get3A_17 = arith.constant 0 : index
    %get3A_18 = arith.constant 0 : index
    %get3A_19 = vector.load %arg8[%get3A_17, %get3A_18] : memref<256x256xf32, #tpu.memory_space<vmem>>, vector<256x256xf32>
    %dot_general3A = arith.constant dense<0.000000e+00> : vector<2048x256xf32>
    %dot_general3A_20 = tpu.matmul %reshape3A_16, %get3A_19, %dot_general3A {dimension_numbers = #tpu.dot_dimension_numbers<[1], [0], [0], [1], [0, 0, 1, 1], [], []>, transpose_lhs_hint = false} : vector<2048x256xf32>, vector<256x256xf32>, vector<2048x256xf32> -> vector<2048x256xf32>
    %get3A_21 = arith.constant 0 : index
    %get3A_22 = arith.constant 0 : index
    %get3A_23 = vector.load %arg9[%get3A_21, %get3A_22] : memref<1x256xf32, #tpu.memory_space<vmem>>, vector<1x256xf32>
    %add3A_24 = vector.broadcast %get3A_23 : vector<1x256xf32> to vector<2048x256xf32>
    %add3A_25 = arith.addf %dot_general3A_20, %add3A_24 : vector<2048x256xf32>
    %reshape3A_26 = vector.shape_cast %add3A_25 : vector<2048x256xf32> to vector<128x16x256xf32>
    %get3A_27 = arith.constant 0 : index
    %get3A_28 = arith.constant 0 : index
    %get3A_29 = vector.load %arg4[%get3A_27, %get3A_28] : memref<2048x128xf32, #tpu.memory_space<vmem>>, vector<2048x128xf32>
    %bitcast3A_30 = tpu.bitcast %get3A_29 : vector<2048x128xf32> -> vector<4096x128xbf16>
    %reshape3A_31 = vector.shape_cast %bitcast3A_30 : vector<4096x128xbf16> to vector<128x16x256xbf16>
    %convert_element_type3A_32 = arith.extf %reshape3A_31 : vector<128x16x256xbf16> to vector<128x16x256xf32>
    %get3A_33 = arith.constant 0 : index
    %get3A_34 = arith.constant 0 : index
    %get3A_35 = vector.load %arg1[%get3A_33, %get3A_34] : memref<128x256xf32, #tpu.memory_space<vmem>>, vector<128x256xf32>
    %broadcast_in_dim3A_36 = vector.shape_cast %get3A_35 : vector<128x256xf32> to vector<128x1x256xf32>
    %sub3A_37 = vector.broadcast %broadcast_in_dim3A_36 : vector<128x1x256xf32> to vector<128x16x256xf32>
    %sub3A_38 = arith.subf %sub3A_37, %convert_element_type3A_32 : vector<128x16x256xf32>
    %add3A_39 = arith.addf %sub3A_38, %reshape3A_26 : vector<128x16x256xf32>
    %reshape3A_40 = vector.shape_cast %add3A_39 : vector<128x16x256xf32> to vector<2048x256xf32>
    %get3A_41 = arith.constant 0 : index
    %get3A_42 = arith.constant 0 : index
    %get3A_43 = vector.load %arg10[%get3A_41, %get3A_42] : memref<256x256xf32, #tpu.memory_space<vmem>>, vector<256x256xf32>
    %dot_general3A_44 = arith.constant dense<0.000000e+00> : vector<2048x256xf32>
    %dot_general3A_45 = tpu.matmul %reshape3A_40, %get3A_43, %dot_general3A_44 {dimension_numbers = #tpu.dot_dimension_numbers<[1], [0], [0], [1], [0, 0, 1, 1], [], []>, transpose_lhs_hint = false} : vector<2048x256xf32>, vector<256x256xf32>, vector<2048x256xf32> -> vector<2048x256xf32>
    %get3A_46 = arith.constant 0 : index
    %get3A_47 = arith.constant 0 : index
    %get3A_48 = vector.load %arg11[%get3A_46, %get3A_47] : memref<1x256xf32, #tpu.memory_space<vmem>>, vector<1x256xf32>
    %add3A_49 = vector.broadcast %get3A_48 : vector<1x256xf32> to vector<2048x256xf32>
    %add3A_50 = arith.addf %dot_general3A_45, %add3A_49 : vector<2048x256xf32>
    %max3A_51 = arith.constant 0.000000e+00 : f32
    %max3A_52 = vector.broadcast %max3A_51 : f32 to vector<2048x256xf32>
    %max3A_53 = arith.maximumf %add3A_50, %max3A_52 : vector<2048x256xf32>
    %get3A_54 = arith.constant 0 : index
    %get3A_55 = arith.constant 0 : index
    %get3A_56 = vector.load %arg12[%get3A_54, %get3A_55] : memref<256x256xf32, #tpu.memory_space<vmem>>, vector<256x256xf32>
    %dot_general3A_57 = arith.constant dense<0.000000e+00> : vector<2048x256xf32>
    %dot_general3A_58 = tpu.matmul %max3A_53, %get3A_56, %dot_general3A_57 {dimension_numbers = #tpu.dot_dimension_numbers<[1], [0], [0], [1], [0, 0, 1, 1], [], []>, transpose_lhs_hint = false} : vector<2048x256xf32>, vector<256x256xf32>, vector<2048x256xf32> -> vector<2048x256xf32>
    %get3A_59 = arith.constant 0 : index
    %get3A_60 = arith.constant 0 : index
    %get3A_61 = vector.load %arg13[%get3A_59, %get3A_60] : memref<1x256xf32, #tpu.memory_space<vmem>>, vector<1x256xf32>
    %add3A_62 = vector.broadcast %get3A_61 : vector<1x256xf32> to vector<2048x256xf32>
    %add3A_63 = arith.addf %dot_general3A_58, %add3A_62 : vector<2048x256xf32>
    %reshape3A_64 = vector.shape_cast %add3A_63 : vector<2048x256xf32> to vector<128x16x256xf32>
    %mul3A = arith.constant 6.250000e-02 : f32
    %mul3A_65 = vector.broadcast %mul3A : f32 to vector<128x16x256xf32>
    %mul3A_66 = arith.mulf %reshape3A_64, %mul3A_65 : vector<128x16x256xf32>
    %reduce_max3A = arith.constant dense<0xFF800000> : vector<128x256xf32>
    %reduce_max3A_67 = vector.multi_reduction <maximumf>, %mul3A_66, %reduce_max3A [1] : vector<128x16x256xf32> to vector<128x256xf32>
    %broadcast_in_dim3A_68 = vector.shape_cast %reduce_max3A_67 : vector<128x256xf32> to vector<128x1x256xf32>
    %sub3A_69 = vector.broadcast %broadcast_in_dim3A_68 : vector<128x1x256xf32> to vector<128x16x256xf32>
    %sub3A_70 = arith.subf %mul3A_66, %sub3A_69 : vector<128x16x256xf32>
    %exp3A = math.exp %sub3A_70 : vector<128x16x256xf32>
    %reduce_sum3A = arith.constant dense<0.000000e+00> : vector<128x256xf32>
    %reduce_sum3A_71 = vector.multi_reduction <add>, %exp3A, %reduce_sum3A [1] : vector<128x16x256xf32> to vector<128x256xf32>
    %broadcast_in_dim3A_72 = vector.shape_cast %reduce_sum3A_71 : vector<128x256xf32> to vector<128x1x256xf32>
    %div3A = vector.broadcast %broadcast_in_dim3A_72 : vector<128x1x256xf32> to vector<128x16x256xf32>
    %div3A_73 = arith.divf %exp3A, %div3A : vector<128x16x256xf32>
    %reshape3A_74 = vector.shape_cast %div3A_73 : vector<128x16x256xf32> to vector<2048x256xf32>
    %swap3A = arith.constant 0 : index
    %swap3A_75 = arith.constant 0 : index
    %swap3A_76 = vector.load %arg19[%swap3A, %swap3A_75] : memref<2048x256xf32, #tpu.memory_space<vmem>>, vector<2048x256xf32>
    tpu.vector_store %arg19[%swap3A, %swap3A_75], %reshape3A_74 {strides = array<i32>} : memref<2048x256xf32, #tpu.memory_space<vmem>>, vector<2048x256xf32>,
    %get3A_77 = arith.constant 0 : index
    %get3A_78 = arith.constant 0 : index
    %get3A_79 = vector.load %arg5[%get3A_77, %get3A_78] : memref<2048x128xf32, #tpu.memory_space<vmem>>, vector<2048x128xf32>
    %bitcast3A_80 = tpu.bitcast %get3A_79 : vector<2048x128xf32> -> vector<4096x128xbf16>
    %reshape3A_81 = vector.shape_cast %bitcast3A_80 : vector<4096x128xbf16> to vector<128x16x256xbf16>
    %convert_element_type3A_82 = arith.extf %reshape3A_81 : vector<128x16x256xbf16> to vector<128x16x256xf32>
    %add3A_83 = arith.addf %convert_element_type3A_82, %reshape3A_26 : vector<128x16x256xf32>
    %mul3A_84 = arith.mulf %div3A_73, %add3A_83 : vector<128x16x256xf32>
    %reduce_sum3A_85 = arith.constant dense<0.000000e+00> : vector<128x256xf32>
    %reduce_sum3A_86 = vector.multi_reduction <add>, %mul3A_84, %reduce_sum3A_85 [1] : vector<128x16x256xf32> to vector<128x256xf32>
    %get3A_87 = arith.constant 0 : index
    %get3A_88 = arith.constant 0 : index
    %get3A_89 = vector.load %arg14[%get3A_87, %get3A_88] : memref<256x128xf32, #tpu.memory_space<vmem>>, vector<256x128xf32>
    %dot_general3A_90 = arith.constant dense<0.000000e+00> : vector<128x128xf32>
    %dot_general3A_91 = tpu.matmul %reduce_sum3A_86, %get3A_89, %dot_general3A_90 {dimension_numbers = #tpu.dot_dimension_numbers<[1], [0], [0], [1], [0, 0, 1, 1], [], []>, transpose_lhs_hint = false} : vector<128x256xf32>, vector<256x128xf32>, vector<128x128xf32> -> vector<128x128xf32>
    %get3A_92 = arith.constant 0 : index
    %get3A_93 = arith.constant 0 : index
    %get3A_94 = vector.load %arg15[%get3A_92, %get3A_93] : memref<1x128xf32, #tpu.memory_space<vmem>>, vector<1x128xf32>
    %add3A_95 = vector.broadcast %get3A_94 : vector<1x128xf32> to vector<128x128xf32>
    %add3A_96 = arith.addf %dot_general3A_91, %add3A_95 : vector<128x128xf32>
    %get3A_97 = arith.constant 0 : index
    %get3A_98 = arith.constant 0 : index
    %get3A_99 = vector.load %arg3[%get3A_97, %get3A_98] : memref<128x128xf32, #tpu.memory_space<vmem>>, vector<128x128xf32>
    %add3A_100 = arith.addf %add3A_96, %get3A_99 : vector<128x128xf32>
    %swap3A_101 = arith.constant 0 : index
    %swap3A_102 = arith.constant 0 : index
    %swap3A_103 = vector.load %arg18[%swap3A_101, %swap3A_102] : memref<128x128xf32, #tpu.memory_space<vmem>>, vector<128x128xf32>
    tpu.vector_store %arg18[%swap3A_101, %swap3A_102], %add3A_100 {strides = array<i32>} : memref<128x128xf32, #tpu.memory_space<vmem>>, vector<128x128xf32>,
    return
  }
  func.func @transform_0(%arg0: i32) -> (i32, i32) {
    %add3A = arith.constant 32 : i32
    %add3A_0 = arith.addi %add3A, %arg0 : i32
    %c0_i32 = arith.constant 0 : i32
    %c0_i32_1 = arith.constant 0 : i32
    return %add3A_0, %c0_i32 : i32, i32
  }
  func.func @transform_1(%arg0: i32) -> (i32, i32) {
    %add3A = arith.constant 32 : i32
    %add3A_0 = arith.addi %add3A, %arg0 : i32
    %c0_i32 = arith.constant 0 : i32
    %c0_i32_1 = arith.constant 0 : i32
    return %add3A_0, %c0_i32 : i32, i32
  }
  func.func @transform_2(%arg0: i32) -> (i32, i32) {
    %add3A = arith.constant 32 : i32
    %add3A_0 = arith.addi %add3A, %arg0 : i32
    %c0_i32 = arith.constant 0 : i32
    %c0_i32_1 = arith.constant 0 : i32
    return %add3A_0, %c0_i32 : i32, i32
  }
  func.func @transform_3(%arg0: i32) -> (i32, i32) {
    %c0_i32 = arith.constant 0 : i32
    %c0_i32_0 = arith.constant 0 : i32
    return %arg0, %c0_i32 : i32, i32
  }
  func.func @transform_4(%arg0: i32) -> (i32, i32) {
    %c0_i32 = arith.constant 0 : i32
    %c0_i32_0 = arith.constant 0 : i32
    return %arg0, %c0_i32 : i32, i32
  }
  func.func @transform_5(%arg0: i32) -> (i32, i32) {
    %c0_i32 = arith.constant 0 : i32
    %c0_i32_0 = arith.constant 0 : i32
    return %arg0, %c0_i32 : i32, i32
  }
  func.func @transform_6(%arg0: i32) -> (i32, i32) {
    %c0_i32 = arith.constant 0 : i32
    %c0_i32_0 = arith.constant 0 : i32
    %c0_i32_1 = arith.constant 0 : i32
    return %c0_i32, %c0_i32_0 : i32, i32
  }
  func.func @transform_7(%arg0: i32) -> (i32, i32) {
    %c0_i32 = arith.constant 0 : i32
    %c0_i32_0 = arith.constant 0 : i32
    %c0_i32_1 = arith.constant 0 : i32
    return %c0_i32, %c0_i32_0 : i32, i32
  }
  func.func @transform_8(%arg0: i32) -> (i32, i32) {
    %c0_i32 = arith.constant 0 : i32
    %c0_i32_0 = arith.constant 0 : i32
    %c0_i32_1 = arith.constant 0 : i32
    return %c0_i32, %c0_i32_0 : i32, i32
  }
  func.func @transform_9(%arg0: i32) -> (i32, i32) {
    %c0_i32 = arith.constant 0 : i32
    %c0_i32_0 = arith.constant 0 : i32
    %c0_i32_1 = arith.constant 0 : i32
    return %c0_i32, %c0_i32_0 : i32, i32
  }
  func.func @transform_10(%arg0: i32) -> (i32, i32) {
    %c0_i32 = arith.constant 0 : i32
    %c0_i32_0 = arith.constant 0 : i32
    %c0_i32_1 = arith.constant 0 : i32
    return %c0_i32, %c0_i32_0 : i32, i32
  }
  func.func @transform_11(%arg0: i32) -> (i32, i32) {
    %c0_i32 = arith.constant 0 : i32
    %c0_i32_0 = arith.constant 0 : i32
    %c0_i32_1 = arith.constant 0 : i32
    return %c0_i32, %c0_i32_0 : i32, i32
  }
  func.func @transform_12(%arg0: i32) -> (i32, i32) {
    %c0_i32 = arith.constant 0 : i32
    %c0_i32_0 = arith.constant 0 : i32
    %c0_i32_1 = arith.constant 0 : i32
    return %c0_i32, %c0_i32_0 : i32, i32
  }
  func.func @transform_13(%arg0: i32) -> (i32, i32) {
    %c0_i32 = arith.constant 0 : i32
    %c0_i32_0 = arith.constant 0 : i32
    %c0_i32_1 = arith.constant 0 : i32
    return %c0_i32, %c0_i32_0 : i32, i32
  }
  func.func @transform_14(%arg0: i32) -> (i32, i32) {
    %c0_i32 = arith.constant 0 : i32
    %c0_i32_0 = arith.constant 0 : i32
    %c0_i32_1 = arith.constant 0 : i32
    return %c0_i32, %c0_i32_0 : i32, i32
  }
  func.func @transform_17(%arg0: i32) -> (i32, i32) {
    %add3A = arith.constant 32 : i32
    %add3A_0 = arith.addi %add3A, %arg0 : i32
    %c0_i32 = arith.constant 0 : i32
    %c0_i32_1 = arith.constant 0 : i32
    return %add3A_0, %c0_i32 : i32, i32
  }
  func.func @transform_18(%arg0: i32) -> (i32, i32) {
    %add3A = arith.constant 32 : i32
    %add3A_0 = arith.addi %add3A, %arg0 : i32
    %c0_i32 = arith.constant 0 : i32
    %c0_i32_1 = arith.constant 0 : i32
    return %add3A_0, %c0_i32 : i32, i32
  }
}

module attributes {stable_mosaic.version = 14 : i64} {
  func.func @_lambda_(%arg0: i32, %arg1: memref<128x256xf32, #tpu.memory_space<vmem>>, %arg2: memref<128x128xf32, #tpu.memory_space<vmem>>, %arg3: memref<128x128xf32, #tpu.memory_space<vmem>>, %arg4: memref<2048x128xf32, #tpu.memory_space<vmem>>, %arg5: memref<2048x128xf32, #tpu.memory_space<vmem>>, %arg6: memref<2048x128xf32, #tpu.memory_space<vmem>>, %arg7: memref<1x256xf32, #tpu.memory_space<vmem>>, %arg8: memref<256x256xf32, #tpu.memory_space<vmem>>, %arg9: memref<1x256xf32, #tpu.memory_space<vmem>>, %arg10: memref<256x256xf32, #tpu.memory_space<vmem>>, %arg11: memref<1x256xf32, #tpu.memory_space<vmem>>, %arg12: memref<256x256xf32, #tpu.memory_space<vmem>>, %arg13: memref<1x256xf32, #tpu.memory_space<vmem>>, %arg14: memref<256x128xf32, #tpu.memory_space<vmem>>, %arg15: memref<1x128xf32, #tpu.memory_space<vmem>>, %arg16: memref<8192x128xf32, #tpu.memory_space<any>>, %arg17: memref<131072x256xf32, #tpu.memory_space<any>>, %arg18: memref<128x128xf32, #tpu.memory_space<vmem>>, %arg19: memref<2048x256xf32, #tpu.memory_space<vmem>>) attributes {dimension_semantics = [#tpu.dimension_semantics<arbitrary>], iteration_bounds = array<i64: 16>, scalar_prefetch = 0 : i64, scratch_operands = 0 : i64, tpu.core_type = #tpu.core_type<tc>, window_params = [{transform_indices = @transform_0, window_bounds = array<i64: 128, 256>}, {transform_indices = @transform_1, window_bounds = array<i64: 128, 128>}, {transform_indices = @transform_2, window_bounds = array<i64: 128, 128>}, {transform_indices = @transform_3, window_bounds = array<i64: 2048, 128>}, {transform_indices = @transform_4, window_bounds = array<i64: 2048, 128>}, {transform_indices = @transform_5, window_bounds = array<i64: 2048, 128>}, {pipeline_mode = #tpu.pipeline_mode<synchronous>, transform_indices = @transform_6, window_bounds = array<i64: 1, 256>}, {pipeline_mode = #tpu.pipeline_mode<synchronous>, transform_indices = @transform_7, window_bounds = array<i64: 256, 256>}, {pipeline_mode = #tpu.pipeline_mode<synchronous>, transform_indices = @transform_8, window_bounds = array<i64: 1, 256>}, {pipeline_mode = #tpu.pipeline_mode<synchronous>, transform_indices = @transform_9, window_bounds = array<i64: 256, 256>}, {pipeline_mode = #tpu.pipeline_mode<synchronous>, transform_indices = @transform_10, window_bounds = array<i64: 1, 256>}, {pipeline_mode = #tpu.pipeline_mode<synchronous>, transform_indices = @transform_11, window_bounds = array<i64: 256, 256>}, {pipeline_mode = #tpu.pipeline_mode<synchronous>, transform_indices = @transform_12, window_bounds = array<i64: 1, 256>}, {pipeline_mode = #tpu.pipeline_mode<synchronous>, transform_indices = @transform_13, window_bounds = array<i64: 256, 128>}, {pipeline_mode = #tpu.pipeline_mode<synchronous>, transform_indices = @transform_14, window_bounds = array<i64: 1, 128>}, {}, {}, {transform_indices = @transform_17, window_bounds = array<i64: 128, 128>}, {transform_indices = @transform_18, window_bounds = array<i64: 2048, 256>}]} {
    %get3A = arith.constant 0 : index
    %get3A_0 = arith.constant 0 : index
    %get3A_1 = vector.load %arg2[%get3A, %get3A_0] : memref<128x128xf32, #tpu.memory_space<vmem>>, vector<128x128xf32>
    %bitcast3A = tpu.bitcast %get3A_1 : vector<128x128xf32> -> vector<256x128xbf16>
    %reshape3A = vector.shape_cast %bitcast3A : vector<256x128xbf16> to vector<128x256xbf16>
    %convert_element_type3A = arith.extf %reshape3A : vector<128x256xbf16> to vector<128x256xf32>
    %get3A_2 = arith.constant 0 : index
    %get3A_3 = arith.constant 0 : index
    %get3A_4 = vector.load %arg6[%get3A_2, %get3A_3] : memref<2048x128xf32, #tpu.memory_space<vmem>>, vector<2048x128xf32>
    %bitcast3A_5 = tpu.bitcast %get3A_4 : vector<2048x128xf32> -> vector<4096x128xbf16>
    %reshape3A_6 = vector.shape_cast %bitcast3A_5 : vector<4096x128xbf16> to vector<128x16x256xbf16>
    %convert_element_type3A_7 = arith.extf %reshape3A_6 : vector<128x16x256xbf16> to vector<128x16x256xf32>
    %broadcast_in_dim3A = vector.shape_cast %convert_element_type3A : vector<128x256xf32> to vector<128x1x256xf32>
    %sub3A = vector.broadcast %broadcast_in_dim3A : vector<128x1x256xf32> to vector<128x16x256xf32>
    %sub3A_8 = arith.subf %sub3A, %convert_element_type3A_7 : vector<128x16x256xf32>
    %get3A_9 = arith.constant 0 : index
    %get3A_10 = arith.constant 0 : index
    %get3A_11 = vector.load %arg7[%get3A_9, %get3A_10] : memref<1x256xf32, #tpu.memory_space<vmem>>, vector<1x256xf32>
    %broadcast_in_dim3A_12 = vector.shape_cast %get3A_11 : vector<1x256xf32> to vector<1x1x256xf32>
    %add3A = vector.broadcast %broadcast_in_dim3A_12 : vector<1x1x256xf32> to vector<128x16x256xf32>
    %add3A_13 = arith.addf %sub3A_8, %add3A : vector<128x16x256xf32>
    %max3A = arith.constant 0.000000e+00 : f32
    %max3A_14 = vector.broadcast %max3A : f32 to vector<128x16x256xf32>
    %max3A_15 = arith.maximumf %add3A_13, %max3A_14 : vector<128x16x256xf32>
    %reshape3A_16 = vector.shape_cast %max3A_15 : vector<128x16x256xf32> to vector<2048x256xf32>
    %get3A_17 = arith.constant 0 : index
    %get3A_18 = arith.constant 0 : index
    %get3A_19 = vector.load %arg8[%get3A_17, %get3A_18] : memref<256x256xf32, #tpu.memory_space<vmem>>, vector<256x256xf32>
    %dot_general3A = arith.constant dense<0.000000e+00> : vector<2048x256xf32>
    %dot_general3A_20 = tpu.matmul %reshape3A_16, %get3A_19, %dot_general3A {dimension_numbers = #tpu.dot_dimension_numbers<[1], [0], [0], [1], [0, 0, 1, 1], [], []>, transpose_lhs_hint = false} : vector<2048x256xf32>, vector<256x256xf32>, vector<2048x256xf32> -> vector<2048x256xf32>
    %get3A_21 = arith.constant 0 : index
    %get3A_22 = arith.constant 0 : index
    %get3A_23 = vector.load %arg9[%get3A_21, %get3A_22] : memref<1x256xf32, #tpu.memory_space<vmem>>, vector<1x256xf32>
    %add3A_24 = vector.broadcast %get3A_23 : vector<1x256xf32> to vector<2048x256xf32>
    %add3A_25 = arith.addf %dot_general3A_20, %add3A_24 : vector<2048x256xf32>
    %reshape3A_26 = vector.shape_cast %add3A_25 : vector<2048x256xf32> to vector<128x16x256xf32>
    %get3A_27 = arith.constant 0 : index
    %get3A_28 = arith.constant 0 : index
    %get3A_29 = vector.load %arg4[%get3A_27, %get3A_28] : memref<2048x128xf32, #tpu.memory_space<vmem>>, vector<2048x128xf32>
    %bitcast3A_30 = tpu.bitcast %get3A_29 : vector<2048x128xf32> -> vector<4096x128xbf16>
    %reshape3A_31 = vector.shape_cast %bitcast3A_30 : vector<4096x128xbf16> to vector<128x16x256xbf16>
    %convert_element_type3A_32 = arith.extf %reshape3A_31 : vector<128x16x256xbf16> to vector<128x16x256xf32>
    %get3A_33 = arith.constant 0 : index
    %get3A_34 = arith.constant 0 : index
    %get3A_35 = vector.load %arg1[%get3A_33, %get3A_34] : memref<128x256xf32, #tpu.memory_space<vmem>>, vector<128x256xf32>
    %broadcast_in_dim3A_36 = vector.shape_cast %get3A_35 : vector<128x256xf32> to vector<128x1x256xf32>
    %sub3A_37 = vector.broadcast %broadcast_in_dim3A_36 : vector<128x1x256xf32> to vector<128x16x256xf32>
    %sub3A_38 = arith.subf %sub3A_37, %convert_element_type3A_32 : vector<128x16x256xf32>
    %add3A_39 = arith.addf %sub3A_38, %reshape3A_26 : vector<128x16x256xf32>
    %reshape3A_40 = vector.shape_cast %add3A_39 : vector<128x16x256xf32> to vector<2048x256xf32>
    %get3A_41 = arith.constant 0 : index
    %get3A_42 = arith.constant 0 : index
    %get3A_43 = vector.load %arg10[%get3A_41, %get3A_42] : memref<256x256xf32, #tpu.memory_space<vmem>>, vector<256x256xf32>
    %dot_general3A_44 = arith.constant dense<0.000000e+00> : vector<2048x256xf32>
    %dot_general3A_45 = tpu.matmul %reshape3A_40, %get3A_43, %dot_general3A_44 {dimension_numbers = #tpu.dot_dimension_numbers<[1], [0], [0], [1], [0, 0, 1, 1], [], []>, transpose_lhs_hint = false} : vector<2048x256xf32>, vector<256x256xf32>, vector<2048x256xf32> -> vector<2048x256xf32>
    %get3A_46 = arith.constant 0 : index
    %get3A_47 = arith.constant 0 : index
    %get3A_48 = vector.load %arg11[%get3A_46, %get3A_47] : memref<1x256xf32, #tpu.memory_space<vmem>>, vector<1x256xf32>
    %add3A_49 = vector.broadcast %get3A_48 : vector<1x256xf32> to vector<2048x256xf32>
    %add3A_50 = arith.addf %dot_general3A_45, %add3A_49 : vector<2048x256xf32>
    %max3A_51 = arith.constant 0.000000e+00 : f32
    %max3A_52 = vector.broadcast %max3A_51 : f32 to vector<2048x256xf32>
    %max3A_53 = arith.maximumf %add3A_50, %max3A_52 : vector<2048x256xf32>
    %get3A_54 = arith.constant 0 : index
    %get3A_55 = arith.constant 0 : index
    %get3A_56 = vector.load %arg12[%get3A_54, %get3A_55] : memref<256x256xf32, #tpu.memory_space<vmem>>, vector<256x256xf32>
    %dot_general3A_57 = arith.constant dense<0.000000e+00> : vector<2048x256xf32>
    %dot_general3A_58 = tpu.matmul %max3A_53, %get3A_56, %dot_general3A_57 {dimension_numbers = #tpu.dot_dimension_numbers<[1], [0], [0], [1], [0, 0, 1, 1], [], []>, transpose_lhs_hint = false} : vector<2048x256xf32>, vector<256x256xf32>, vector<2048x256xf32> -> vector<2048x256xf32>
    %get3A_59 = arith.constant 0 : index
    %get3A_60 = arith.constant 0 : index
    %get3A_61 = vector.load %arg13[%get3A_59, %get3A_60] : memref<1x256xf32, #tpu.memory_space<vmem>>, vector<1x256xf32>
    %add3A_62 = vector.broadcast %get3A_61 : vector<1x256xf32> to vector<2048x256xf32>
    %add3A_63 = arith.addf %dot_general3A_58, %add3A_62 : vector<2048x256xf32>
    %reshape3A_64 = vector.shape_cast %add3A_63 : vector<2048x256xf32> to vector<128x16x256xf32>
    %mul3A = arith.constant 6.250000e-02 : f32
    %mul3A_65 = vector.broadcast %mul3A : f32 to vector<128x16x256xf32>
    %mul3A_66 = arith.mulf %reshape3A_64, %mul3A_65 : vector<128x16x256xf32>
    %reduce_max3A = arith.constant dense<0xFF800000> : vector<128x256xf32>
    %reduce_max3A_67 = vector.multi_reduction <maximumf>, %mul3A_66, %reduce_max3A [1] : vector<128x16x256xf32> to vector<128x256xf32>
    %broadcast_in_dim3A_68 = vector.shape_cast %reduce_max3A_67 : vector<128x256xf32> to vector<128x1x256xf32>
    %sub3A_69 = vector.broadcast %broadcast_in_dim3A_68 : vector<128x1x256xf32> to vector<128x16x256xf32>
    %sub3A_70 = arith.subf %mul3A_66, %sub3A_69 : vector<128x16x256xf32>
    %exp3A = math.exp %sub3A_70 : vector<128x16x256xf32>
    %reduce_sum3A = arith.constant dense<0.000000e+00> : vector<128x256xf32>
    %reduce_sum3A_71 = vector.multi_reduction <add>, %exp3A, %reduce_sum3A [1] : vector<128x16x256xf32> to vector<128x256xf32>
    %broadcast_in_dim3A_72 = vector.shape_cast %reduce_sum3A_71 : vector<128x256xf32> to vector<128x1x256xf32>
    %div3A = vector.broadcast %broadcast_in_dim3A_72 : vector<128x1x256xf32> to vector<128x16x256xf32>
    %div3A_73 = arith.divf %exp3A, %div3A : vector<128x16x256xf32>
    %reshape3A_74 = vector.shape_cast %div3A_73 : vector<128x16x256xf32> to vector<2048x256xf32>
    %swap3A = arith.constant 0 : index
    %swap3A_75 = arith.constant 0 : index
    %swap3A_76 = vector.load %arg19[%swap3A, %swap3A_75] : memref<2048x256xf32, #tpu.memory_space<vmem>>, vector<2048x256xf32>
    tpu.vector_store %arg19[%swap3A, %swap3A_75], %reshape3A_74 {strides = array<i32>} : memref<2048x256xf32, #tpu.memory_space<vmem>>, vector<2048x256xf32>,
    %get3A_77 = arith.constant 0 : index
    %get3A_78 = arith.constant 0 : index
    %get3A_79 = vector.load %arg5[%get3A_77, %get3A_78] : memref<2048x128xf32, #tpu.memory_space<vmem>>, vector<2048x128xf32>
    %bitcast3A_80 = tpu.bitcast %get3A_79 : vector<2048x128xf32> -> vector<4096x128xbf16>
    %reshape3A_81 = vector.shape_cast %bitcast3A_80 : vector<4096x128xbf16> to vector<128x16x256xbf16>
    %convert_element_type3A_82 = arith.extf %reshape3A_81 : vector<128x16x256xbf16> to vector<128x16x256xf32>
    %add3A_83 = arith.addf %convert_element_type3A_82, %reshape3A_26 : vector<128x16x256xf32>
    %mul3A_84 = arith.mulf %div3A_73, %add3A_83 : vector<128x16x256xf32>
    %reduce_sum3A_85 = arith.constant dense<0.000000e+00> : vector<128x256xf32>
    %reduce_sum3A_86 = vector.multi_reduction <add>, %mul3A_84, %reduce_sum3A_85 [1] : vector<128x16x256xf32> to vector<128x256xf32>
    %get3A_87 = arith.constant 0 : index
    %get3A_88 = arith.constant 0 : index
    %get3A_89 = vector.load %arg14[%get3A_87, %get3A_88] : memref<256x128xf32, #tpu.memory_space<vmem>>, vector<256x128xf32>
    %dot_general3A_90 = arith.constant dense<0.000000e+00> : vector<128x128xf32>
    %dot_general3A_91 = tpu.matmul %reduce_sum3A_86, %get3A_89, %dot_general3A_90 {dimension_numbers = #tpu.dot_dimension_numbers<[1], [0], [0], [1], [0, 0, 1, 1], [], []>, transpose_lhs_hint = false} : vector<128x256xf32>, vector<256x128xf32>, vector<128x128xf32> -> vector<128x128xf32>
    %get3A_92 = arith.constant 0 : index
    %get3A_93 = arith.constant 0 : index
    %get3A_94 = vector.load %arg15[%get3A_92, %get3A_93] : memref<1x128xf32, #tpu.memory_space<vmem>>, vector<1x128xf32>
    %add3A_95 = vector.broadcast %get3A_94 : vector<1x128xf32> to vector<128x128xf32>
    %add3A_96 = arith.addf %dot_general3A_91, %add3A_95 : vector<128x128xf32>
    %get3A_97 = arith.constant 0 : index
    %get3A_98 = arith.constant 0 : index
    %get3A_99 = vector.load %arg3[%get3A_97, %get3A_98] : memref<128x128xf32, #tpu.memory_space<vmem>>, vector<128x128xf32>
    %add3A_100 = arith.addf %add3A_96, %get3A_99 : vector<128x128xf32>
    %swap3A_101 = arith.constant 0 : index
    %swap3A_102 = arith.constant 0 : index
    %swap3A_103 = vector.load %arg18[%swap3A_101, %swap3A_102] : memref<128x128xf32, #tpu.memory_space<vmem>>, vector<128x128xf32>
    tpu.vector_store %arg18[%swap3A_101, %swap3A_102], %add3A_100 {strides = array<i32>} : memref<128x128xf32, #tpu.memory_space<vmem>>, vector<128x128xf32>,
    return
  }
  func.func @transform_0(%arg0: i32) -> (i32, i32) {
    %add3A = arith.constant 48 : i32
    %add3A_0 = arith.addi %add3A, %arg0 : i32
    %c0_i32 = arith.constant 0 : i32
    %c0_i32_1 = arith.constant 0 : i32
    return %add3A_0, %c0_i32 : i32, i32
  }
  func.func @transform_1(%arg0: i32) -> (i32, i32) {
    %add3A = arith.constant 48 : i32
    %add3A_0 = arith.addi %add3A, %arg0 : i32
    %c0_i32 = arith.constant 0 : i32
    %c0_i32_1 = arith.constant 0 : i32
    return %add3A_0, %c0_i32 : i32, i32
  }
  func.func @transform_2(%arg0: i32) -> (i32, i32) {
    %add3A = arith.constant 48 : i32
    %add3A_0 = arith.addi %add3A, %arg0 : i32
    %c0_i32 = arith.constant 0 : i32
    %c0_i32_1 = arith.constant 0 : i32
    return %add3A_0, %c0_i32 : i32, i32
  }
  func.func @transform_3(%arg0: i32) -> (i32, i32) {
    %c0_i32 = arith.constant 0 : i32
    %c0_i32_0 = arith.constant 0 : i32
    return %arg0, %c0_i32 : i32, i32
  }
  func.func @transform_4(%arg0: i32) -> (i32, i32) {
    %c0_i32 = arith.constant 0 : i32
    %c0_i32_0 = arith.constant 0 : i32
    return %arg0, %c0_i32 : i32, i32
  }
  func.func @transform_5(%arg0: i32) -> (i32, i32) {
    %c0_i32 = arith.constant 0 : i32
    %c0_i32_0 = arith.constant 0 : i32
    return %arg0, %c0_i32 : i32, i32
  }
  func.func @transform_6(%arg0: i32) -> (i32, i32) {
    %c0_i32 = arith.constant 0 : i32
    %c0_i32_0 = arith.constant 0 : i32
    %c0_i32_1 = arith.constant 0 : i32
    return %c0_i32, %c0_i32_0 : i32, i32
  }
  func.func @transform_7(%arg0: i32) -> (i32, i32) {
    %c0_i32 = arith.constant 0 : i32
    %c0_i32_0 = arith.constant 0 : i32
    %c0_i32_1 = arith.constant 0 : i32
    return %c0_i32, %c0_i32_0 : i32, i32
  }
  func.func @transform_8(%arg0: i32) -> (i32, i32) {
    %c0_i32 = arith.constant 0 : i32
    %c0_i32_0 = arith.constant 0 : i32
    %c0_i32_1 = arith.constant 0 : i32
    return %c0_i32, %c0_i32_0 : i32, i32
  }
  func.func @transform_9(%arg0: i32) -> (i32, i32) {
    %c0_i32 = arith.constant 0 : i32
    %c0_i32_0 = arith.constant 0 : i32
    %c0_i32_1 = arith.constant 0 : i32
    return %c0_i32, %c0_i32_0 : i32, i32
  }
  func.func @transform_10(%arg0: i32) -> (i32, i32) {
    %c0_i32 = arith.constant 0 : i32
    %c0_i32_0 = arith.constant 0 : i32
    %c0_i32_1 = arith.constant 0 : i32
    return %c0_i32, %c0_i32_0 : i32, i32
  }
  func.func @transform_11(%arg0: i32) -> (i32, i32) {
    %c0_i32 = arith.constant 0 : i32
    %c0_i32_0 = arith.constant 0 : i32
    %c0_i32_1 = arith.constant 0 : i32
    return %c0_i32, %c0_i32_0 : i32, i32
  }
  func.func @transform_12(%arg0: i32) -> (i32, i32) {
    %c0_i32 = arith.constant 0 : i32
    %c0_i32_0 = arith.constant 0 : i32
    %c0_i32_1 = arith.constant 0 : i32
    return %c0_i32, %c0_i32_0 : i32, i32
  }
  func.func @transform_13(%arg0: i32) -> (i32, i32) {
    %c0_i32 = arith.constant 0 : i32
    %c0_i32_0 = arith.constant 0 : i32
    %c0_i32_1 = arith.constant 0 : i32
    return %c0_i32, %c0_i32_0 : i32, i32
  }
  func.func @transform_14(%arg0: i32) -> (i32, i32) {
    %c0_i32 = arith.constant 0 : i32
    %c0_i32_0 = arith.constant 0 : i32
    %c0_i32_1 = arith.constant 0 : i32
    return %c0_i32, %c0_i32_0 : i32, i32
  }
  func.func @transform_17(%arg0: i32) -> (i32, i32) {
    %add3A = arith.constant 48 : i32
    %add3A_0 = arith.addi %add3A, %arg0 : i32
    %c0_i32 = arith.constant 0 : i32
    %c0_i32_1 = arith.constant 0 : i32
    return %add3A_0, %c0_i32 : i32, i32
  }
  func.func @transform_18(%arg0: i32) -> (i32, i32) {
    %add3A = arith.constant 48 : i32
    %add3A_0 = arith.addi %add3A, %arg0 : i32
    %c0_i32 = arith.constant 0 : i32
    %c0_i32_1 = arith.constant 0 : i32
    return %add3A_0, %c0_i32 : i32, i32
  }
}

</mosaic_0001>

<sc_bundles>
// kernel: kernel.15.cloned.1.call-start
scs
__scs_entry_jumppad:
0x0: {  	(pc) =	sbr.rel $0x88, $3  }
0x1: {  	(tag) =	ssettag $0x0;
	lr =	simm.s32 $0x1  }
0x2: {  	[smem:$0x3F90] =	sst lr;
	_ =	strace $0xD0000000  }
0x3: {  	_ = 	snop  }
0x4: {  	_ = 	snop  }
0x5: {  	_ = 	snop  }
0x6: {  	_ = 	snop  }
0x7: {  	_ = 	snop  }
__scs_overlays_trampoline_lowered:
0x8: {  	[smem:$0x3F9F] =	sst s0  }
0x9: {  	[smem:$0x3FA0] =	sst s1  }
0xa: {  	[smem:$0x3FA1] =	sst s2  }
0xb: {  	[smem:$0x3FA2] =	sst s3  }
0xc: {  	[smem:$0x3FA3] =	sst s4  }
0xd: {  	[smem:$0x3FA4] =	sst s5  }
0xe: {  	[smem:$0x3FA5] =	sst s6  }
0xf: {  	[smem:$0x3FA6] =	sst s7  }
0x10: {  	[smem:$0x3FA7] =	sst s8  }
0x11: {  	[smem:$0x3FA8] =	sst s9;
	s0 =	simm.s32 @!p0 $0x0  }
0x12: {  	s1 =	sld [smem:$0x3F8E];
	s0 =	simm.s32 @p0 $0x1  }
0x13: {  	[smem:$0x3FA9] =	sst s0;
	s0 =	simm.s32 @!p1 $0x0  }
0x14: {  	s2 =	sld [smem:$0x3F8D];
	s0 =	simm.s32 @p1 $0x1  }
0x15: {  	[smem:$0x3FAA] =	sst s0;
	s0 =	simm.s32 @!p2 $0x0  }
0x16: {  	s3 =	sld [smem:$0x3FDB];
	s0 =	simm.s32 @p2 $0x1  }
0x17: {  	s4 =	simm.s32 $0x1BF5;
	[smem:$0x3FAC] =	sst s0  }
0x18: {  	s0 =	sld [smem:$0x3F8F];
	_ =	swait.ge [sflag:s4], $0x0  }
0x19: {  	s7 =	sld [smem:$0x3F90]  }
0x1a: {  	s8 =	sadd.s32 $0xFFFFE003, lr  }
0x1b: {  	s9 =	sadd.s32 $0xFFFFFEF7, lr;
	s5 =	simm.s32 $0xFFFFFFFF;
	p2 =	slt.u32 s8, $0xFFFFF086  }
0x1c: {  	p1 =	slt.u32 s9, $0xF7A;
	s5 =	simm.s32 @!p2 $0x0  }
0x1d: {  	s5 =	simm.s32 @p1 $0x1;
	p0 =	seq.s32 s7, s2  }
0x1e: {  	s7 =	smul.u32 @!p0 $0xF7A, s2;
	p2 =	seq.s32 @!p0 s5, $0x0  }
0x1f: {  	s9 =	smul.u32 $0xF7A, s1;
	s8 =	simm.s32 @!p0 $0x1BF5;
	p2 =	por !p2, p0  }
0x20: {  	[sflag:s8] =	ssyncset.s32 @!p0 $0xFFFFF086;
	s6 =	sadd.s32 @!p0 s3, s7;
	s7 =	simm.s32 @!p0 $0x108  }
0x21: {  	s3 =	sadd.s32 s3, s9;
	s6 =	sadd.s32 @!p0 $0x88, s6;
	s7 =	simm.s32 @p2 $0x1082  }
0x22: {  	[simem:s7], [sflag:s8] =	dma.local @!p0 [hbm:s6], $0xF7A  }
0x23: {  	s9 =	sor.u32 $0xD0000000, s2;
	s6 =	simm.s32 $0x108;
	_ =	swait.ge @!p0 [sflag:s8], $0x0  }
0x24: {  	s3 =	sadd.s32 $0x88, s3;
	s6 =	simm.s32 @!p1 $0x1082;
	[sflag:s4] =	ssyncset.s32 $0xFFFFF086  }
0x25: {  	[simem:s6], [sflag:s4] =	dma.local [hbm:s3], $0xF7A  }
0x26: {  	[smem:$0x3F90] =	sst s1;
	(tag) =	ssettag s2;
	_ =	strace s9  }
0x27: {  	s1 =	sld [smem:$0x3FA0]  }
0x28: {  	s2 =	sld [smem:$0x3FA1]  }
0x29: {  	s4 =	sld [smem:$0x3FA3]  }
0x2a: {  	p0 =	seq.s32 s5, $0x0;
	s5 =	sld [smem:$0x3FA4]  }
0x2b: {  	s6 =	sld [smem:$0x3FA5]  }
0x2c: {  	s7 =	sld [smem:$0x3FA6]  }
0x2d: {  	s3 =	simm.s32 $0x108;
	s8 =	sld [smem:$0x3FA7]  }
0x2e: {  	s3 =	simm.s32 @!p0 $0x1082;
	s9 =	sld [smem:$0x3FA8]  }
0x2f: {  	lr =	sadd.s32 s0, s3;
	s0 =	sld [smem:$0x3F9F]  }
0x30: {  	s3 =	sld [smem:$0x3FA2]  }
0x31: {  	[smem:$0x3FAB] =	sst s10  }
0x32: {  	s10 =	sld [smem:$0x3FA9];
	_ =	sdelay $0x3  }
0x33: {  	p0 =	seq.s32 s10, $0x1;
	s10 =	sld [smem:$0x3FAB];
	_ =	sdelay $0x3  }
0x34: {  	[smem:$0x3FAB] =	sst s10  }
0x35: {  	s10 =	sld [smem:$0x3FAA];
	_ =	sdelay $0x3  }
0x36: {  	p1 =	seq.s32 s10, $0x1;
	s10 =	sld [smem:$0x3FAB];
	_ =	sdelay $0x3  }
0x37: {  	[smem:$0x3FAB] =	sst s10  }
0x38: {  	s10 =	sld [smem:$0x3FAC]  }
0x39: {  	_ = 	snop;
	(pc) =	sbr.ind lr, $3  }
0x3a: {  	_ = 	snop  }
0x3b: {  	_ = 	snop  }
0x3c: {  	p2 =	seq.s32 s10, $0x1;
	s10 =	sld [smem:$0x3FAB]  }
0x3d: {  	_ =	shalt  }
0x3e: {  	_ =	shalt  }
0x3f: {  	_ =	shalt  }
0x40: {  	_ =	shalt  }
0x41: {  	_ =	shalt  }
0x42: {  	_ =	shalt  }
0x43: {  	_ =	shalt  }
0x44: {  	_ =	shalt  }
0x45: {  	_ =	shalt  }
0x46: {  	_ =	shalt  }
0x47: {  	_ =	shalt  }
0x48: {  	_ =	shalt  }
0x49: {  	_ =	shalt  }
0x4a: {  	_ =	shalt  }
0x4b: {  	_ =	shalt  }
0x4c: {  	_ =	shalt  }
0x4d: {  	_ =	shalt  }
0x4e: {  	_ =	shalt  }
0x4f: {  	_ =	shalt  }
0x50: {  	_ =	shalt  }
0x51: {  	_ =	shalt  }
0x52: {  	_ =	shalt  }
0x53: {  	_ =	shalt  }
0x54: {  	_ =	shalt  }
0x55: {  	_ =	shalt  }
0x56: {  	_ =	shalt  }
0x57: {  	_ =	shalt  }
0x58: {  	_ =	shalt  }
0x59: {  	_ =	shalt  }
0x5a: {  	_ =	shalt  }
0x5b: {  	_ =	shalt  }
0x5c: {  	_ =	shalt  }
0x5d: {  	_ =	shalt  }
0x5e: {  	_ =	shalt  }
0x5f: {  	_ =	shalt  }
0x60: {  	_ =	shalt  }
0x61: {  	_ =	shalt  }
0x62: {  	_ =	shalt  }
0x63: {  	_ =	shalt  }
0x64: {  	_ =	shalt  }
0x65: {  	_ =	shalt  }
0x66: {  	_ =	shalt  }
0x67: {  	_ =	shalt  }
0x68: {  	_ =	shalt  }
0x69: {  	_ =	shalt  }
0x6a: {  	_ =	shalt  }
0x6b: {  	_ =	shalt  }
0x6c: {  	_ =	shalt  }
0x6d: {  	_ =	shalt  }
0x6e: {  	_ =	shalt  }
0x6f: {  	_ =	shalt  }
0x70: {  	_ =	shalt  }
0x71: {  	_ =	shalt  }
0x72: {  	_ =	shalt  }
0x73: {  	_ =	shalt  }
0x74: {  	_ =	shalt  }
0x75: {  	_ =	shalt  }
0x76: {  	_ =	shalt  }
0x77: {  	_ =	shalt  }
0x78: {  	_ =	shalt  }
0x79: {  	_ =	shalt  }
0x7a: {  	_ =	shalt  }
0x7b: {  	_ =	shalt  }
0x7c: {  	_ =	shalt  }
0x7d: {  	_ =	shalt  }
0x7e: {  	_ =	shalt  }
0x7f: {  	_ =	shalt  }
0x80: {  	_ =	shalt  }
0x81: {  	_ =	shalt  }
0x82: {  	_ =	shalt  }
0x83: {  	_ =	shalt  }
0x84: {  	_ =	shalt  }
0x85: {  	_ =	shalt  }
0x86: {  	_ =	shalt  }
0x87: {  	_ =	shalt  }
.Lfunc_end0:
.L_simem_size_0:
called_computation_lowered:
.L_overlay_start_0:
0x88: {  	s2 =	sld [smem:$0x3FD9]  }
0x89: {  	s3 =	sld [smem:$0x3FFE];
	_ =	sdelay $0x1  }
0x8a: {  	s1 =	srdreg.scid  }
0x8b: {  	s0 =	sand.u32 $0x1, s1  }
0x8c: {  	s14 =	sshll.u32 s0, $0xA;
	s2 =	sadd.s32 s3, s2  }
0x8d: {  	s2 =	sadd.s32 s2, s14  }
0x8e: {  	[smem:$0x3FB7] =	sst s2  }
0x8f: {  	_ = 	snop  }
0x90: {  	s2 =	sld [smem:$0x3FD0];
	_ =	sdelay $0x2  }
0x91: {  	s15 =	simm.s32 $0xD;
	s4 =	simm.s32 $0x10  }
0x92: {  	[smem:s4], [sflag:s15] =	dma.local [hbm:s2], $0x1  }
0x93: {  	_ =	swait.eq [sflag:s15], $0x1  }
0x94: {  	[sflag:s15] =	ssyncset.done $0x0  }
0x95: {  	[sflag:s15] =	ssyncadd.s32 $0xFFFFFFFF  }
0x96: {  	s16 =	sld [smem:$0x10];
	(tm) =	ssettm $0x1  }
0x97: {  	s17 =	sld [smem:$0x3FFB];
	_ =	sdelay $0x3  }
0x98: {  	_ =	strace s17  }
0x99: {  	s3 =	sld [smem:$0x3FFC];
	_ =	sdelay $0x3  }
0x9a: {  	_ =	strace s3  }
0x9b: {  	s3 =	sld [smem:$0x3FFD];
	_ =	sdelay $0x3  }
0x9c: {  	_ =	strace s3  }
0x9d: {  	_ =	strace $0x8FFFFFFF  }
0x9e: {  	s18 =	sld [smem:$0x3FDB];
	_ =	sdelay $0x1  }
0x9f: {  	s19 =	simm.s32 $_scs_section_size  }
0xa0: {  	s5 =	simm.s32 $_size__tile_overlayer_lowered;
	s6 =	simm.s32 $_tile_overlayer_lowered  }
0xa1: {  	s22 =	simm.s32 $0x1BFF;
	s21 =	sshll.u32 s6, $0x1;
	s3 =	sadd.s32 s19, s18  }
0xa2: {  	s7 =	simm.s32 $0x0;
	s20 =	sshll.u32 s5, $0x1;
	s5 =	sadd.s32 s21, s3  }
0xa3: {  	[timem:s7], [sflag:s22] =	dma.local [hbm:s5], s20  }
0xa4: {  	_ =	swait.ge [sflag:s22], s20  }
0xa5: {  	s4 =	ssub.s32 $0x0, s20;
	[sflag:s22] =	ssyncset.done $0x0  }
0xa6: {  	[sflag:s22] =	ssyncadd.s32 s4;
	_ =	sdelay $0x1  }
0xa7: {  	s23 =	simm.s32 $0x1B8B  }
0xa8: {  	_ =	swait.ge [sflag:s23], $0x1  }
0xa9: {  	[sflag:s23] =	ssyncset.done $0x0  }
0xaa: {  	s25 =	simm.s32 $0x1B8E;
	s24 =	sld [smem:$0x3FFE];
	[sflag:s23] =	ssyncadd.s32 $0xFFFFFFFF  }
0xab: {  	s26 =	simm.s32 $execute0_lowered;
	[smem:$0x3FD2] =	sst s25  }
0xac: {  	s5 =	sshll.u32 s26, $0x1;
	_ =	strace $0x80000046;
	[dreg:$0x1] =	wrdreg $0xFFFFFFFF  }
0xad: {  	s28 =	simm.s32 $_size_execute0_lowered;
	s3 =	sadd.s32 s3, s5;
	[dreg:$0x0] =	wrdreg $0x0  }
0xae: {  	s5 =	sshll.u32 s28, $0x1;
	[dreg:$0x2] =	wrdreg s3  }
0xaf: {  	[dreg:$0x3] =	wrdreg s5  }
0xb0: {  	[dreg:$0x4] =	wrdreg $0xC0  }
0xb1: {  	_ =	task [dreg:s7], $0x5FFFF  }
0xb2: {  	[dreg:$0x1] =	wrdreg $0xFFFFFFFF  }
0xb3: {  	[dreg:$0x0] =	wrdreg $0x60  }
0xb4: {  	[dreg:$0x2] =	wrdreg s16  }
0xb5: {  	[dreg:$0x3] =	wrdreg s24  }
0xb6: {  	[dreg:$0x4] =	wrdreg $0x9  }
0xb7: {  	_ =	task.clear_ibuf [dreg:s7], $0x5FFFF;
	_ =	strace $0x90000046  }
0xb8: {  	s29 =	simm.s32 $0x9;
	_ =	strace $0x80000048  }
0xb9: {  	_ =	swait.ge [sflag:s29], $0x1  }
0xba: {  	[sflag:s29] =	ssyncadd.s32 $0xFFFFFFFF  }
0xbb: {  	_ =	strace $0x90000048  }
0xbc: {  	_ =	sfence  }
0xbd: {  	s30 =	sld [smem:$0x0];
	_ =	sdelay $0x2  }
0xbe: {  	s31 =	sshll.u32 s1, $0xD;
	s1 =	sshrl.u32 s1, $0x2  }
0xbf: {  	s3 =	sand.u32 $0x4000, s31;
	s1 =	sadd.s32 s1, s30  }
0xc0: {  	s0 =	sor.u32 s3, s0;
	s1 =	sshll.u32 s1, $0x11  }
0xc1: {  	s0 =	sor.u32 s1, s0  }
0xc2: {  	s0 =	sadd.s32 $0x8F2B, s0  }
0xc3: {  	[sflag:s0] =	ssyncadd.remote.s32 $0x1  }
0xc4: {  	_ =	sfence.sel $0xFFFF  }
0xc5: {  	[dreg:$0x0] =	wrdreg $0xFFFFFFFF;
	(pc) =	sbr.abs _section_cstart, $3  }
0xc6: {  	[dreg:$0x1] =	wrdreg $0xFFFFFFFF  }
0xc7: {  	_ =	task.clear_ibuf [dreg:s7], $0x2FFFF;
	_ =	strace $0x9FFFFFFF  }
0xc8: {  	(tm) =	ssettm $0x7FFFFFFF  }
0xc9: {  	_ =	shalt  }
tec
execute0_lowered:
.L_overlay_start_1:
0x0: {  	(tag) =	ssettag $0x1  }
0x1: {  	s10 =	rddreg [dreg:$0x0]  }
0x2: {  	s6 =	rddreg [dreg:$0x1]  }
0x3: {  	s0 =	rddreg [dreg:$0x2];
	s1 =	simm.s32 $0x0  }
0x4: {  	s4 =	srdreg.scid;
	s2 =	stileid.u32;
	s13 =	simm.s32 $0x1  }
0x5: {  	s14 =	simm.s32 $0x4080;
	s15 =	simm.s32 $0x8080;
	s16 =	simm.s32 $0x0  }
0x6: {  	[smem:$0x7FF] =	sst s1;
	s3 =	sadd.s32 $0x25A00, s6;
	s7 =	sand.u32 $0x1, s4  }
0x7: {  	s4 =	sadd.s32 $0x45A00, s6;
	s8 =	sshll.u32 s2, $0xF;
	s5 =	sadd.s32 $0x5A00, s6  }
0x8: {  	s11 =	sshll.u32 s2, $0xB;
	_ =	strace $0x80000047;
	s9 =	ssub.s32 $0x2, s7  }
0x9: {  	s6 =	sadd.s32 s8, s6;
	s12 =	sshll.u32 s7, $0xA;
	s7 =	sshll.u32 s7, $0xE  }
0xa: {  	s30 =	sshrl.u32 s9, $0x1;
	s31 =	sadd.s32 s7, s6;
	s11 =	sor.u32 s12, s11  }
0xb: {  	s12 =	simm.s32 $0x80;
	s8 =	ssub.s32 s9, s30;
	s7 =	sadd.s32 $0x65A00, s31  }
0xc: {  	s11 =	sshrl.u32 s11, $0x3;
	s9 =	sadd.s32 $0x165A00, s31;
	s6 =	smax.u32 s8, $0x1  }
0xd: {  	s8 =	sadd.s32 $0xE5A00, s31;
	s10 =	sadd.s32 s11, s10;
	s11 =	simm.s32 $0x2  }
.LBB2_1:
0xe: {  	[tilespmem:s1], [sflag:$0x2] =	stream.linear.gather [hbm4b:s10+s1], $0x80, $0x38;
	[tilespmem:$0xC080] =	vst v63  }
0xf: {  	_ =	swait.ge [sflag:s11], $0x80  }
0x10: {  	[sflag:s11] =	ssyncset.done $0x0  }
0x11: {  	[sflag:s11] =	ssyncadd.s32 $0xFFFFFF80  }
0x12: {  	[tilespmem:s12], [sflag:$0x1] =	stream.indirect.gather [hbm4b:s3+s12], $0x80, s1, s12, $0xb8;
	[tilespmem:$0xC080] =	vst v63  }
0x13: {  	_ =	swait.ge [sflag:s13], $0x4000  }
0x14: {  	[sflag:s13] =	ssyncset.done $0x0  }
0x15: {  	[sflag:s13] =	ssyncadd.s32 $0xFFFFC000  }
0x16: {  	[tilespmem:s14], [sflag:$0x1] =	stream.indirect.gather [hbm4b:s4+s12], $0x80, s1, s12, $0xb8;
	[tilespmem:$0xC080] =	vst v63  }
0x17: {  	_ =	swait.ge [sflag:s13], $0x4000  }
0x18: {  	[sflag:s13] =	ssyncset.done $0x0  }
0x19: {  	[sflag:s13] =	ssyncadd.s32 $0xFFFFC000  }
0x1a: {  	[tilespmem:s15], [sflag:$0x1] =	stream.indirect.gather [hbm4b:s5+s12], $0x80, s1, s12, $0xb8;
	[tilespmem:$0xC080] =	vst v63  }
0x1b: {  	_ =	swait.ge [sflag:s13], $0x4000  }
0x1c: {  	[sflag:s13] =	ssyncset.done $0x0  }
0x1d: {  	s17 =	sadd.s32 $0x0, s7;
	[sflag:s13] =	ssyncadd.s32 $0xFFFFC000  }
0x1e: {  	[hbm4b:s17+s1] =	stream.linear.scatter [tilespmem:s12], [sflag:$0x2], $0x4000, $0x38;
	[tilespmem:$0xC080] =	vst v63  }
0x1f: {  	_ =	swait.ge [sflag:s11], $0x4000  }
0x20: {  	[sflag:s11] =	ssyncset.done $0x0  }
0x21: {  	s30 =	sadd.s32 $0x0, s8;
	[sflag:s11] =	ssyncadd.s32 $0xFFFFC000  }
0x22: {  	[hbm4b:s30+s1] =	stream.linear.scatter [tilespmem:s14], [sflag:$0x2], $0x4000, $0x38;
	[tilespmem:$0xC080] =	vst v63  }
0x23: {  	_ =	swait.ge [sflag:s11], $0x4000  }
0x24: {  	[sflag:s11] =	ssyncset.done $0x0  }
0x25: {  	s31 =	sadd.s32 $0x0, s9;
	[sflag:s11] =	ssyncadd.s32 $0xFFFFC000  }
0x26: {  	[hbm4b:s31+s1] =	stream.linear.scatter [tilespmem:s15], [sflag:$0x2], $0x4000, $0x38;
	[tilespmem:$0xC080] =	vst v63  }
0x27: {  	_ =	swait.ge [sflag:s11], $0x4000  }
0x28: {  	s18 =	smov.u32 s10;
	s17 =	simm.s32 $0x800;
	[sflag:s11] =	ssyncset.done $0x0  }
.LBB2_2:
0x29: {  	p0 =	sne.s32 s17, $0x3800;
	[sflag:s11] =	ssyncadd.s32 $0xFFFFC000;
	s18 =	sadd.s32 $0x10, s18  }
0x2a: {  	[tilespmem:s1], [sflag:$0x2] =	stream.linear.gather [hbm4b:s18+s1], $0x80, $0x38;
	[tilespmem:$0xC080] =	vst v63  }
0x2b: {  	s19 =	smov.u32 s17;
	s17 =	sadd.s32 $0x800, s17;
	_ =	swait.ge [sflag:s11], $0x80  }
0x2c: {  	[sflag:s11] =	ssyncset.done $0x0  }
0x2d: {  	[sflag:s11] =	ssyncadd.s32 $0xFFFFFF80  }
0x2e: {  	[tilespmem:s12], [sflag:$0x1] =	stream.indirect.gather [hbm4b:s3+s12], $0x80, s1, s12, $0xb8;
	[tilespmem:$0xC080] =	vst v63  }
0x2f: {  	_ =	swait.ge [sflag:s13], $0x4000  }
0x30: {  	[sflag:s13] =	ssyncset.done $0x0  }
0x31: {  	[sflag:s13] =	ssyncadd.s32 $0xFFFFC000  }
0x32: {  	[tilespmem:s14], [sflag:$0x1] =	stream.indirect.gather [hbm4b:s4+s12], $0x80, s1, s12, $0xb8;
	[tilespmem:$0xC080] =	vst v63  }
0x33: {  	_ =	swait.ge [sflag:s13], $0x4000  }
0x34: {  	[sflag:s13] =	ssyncset.done $0x0  }
0x35: {  	[sflag:s13] =	ssyncadd.s32 $0xFFFFC000  }
0x36: {  	[tilespmem:s15], [sflag:$0x1] =	stream.indirect.gather [hbm4b:s5+s12], $0x80, s1, s12, $0xb8;
	[tilespmem:$0xC080] =	vst v63  }
0x37: {  	_ =	swait.ge [sflag:s13], $0x4000  }
0x38: {  	[sflag:s13] =	ssyncset.done $0x0  }
0x39: {  	s20 =	sadd.s32 s19, s7;
	[sflag:s13] =	ssyncadd.s32 $0xFFFFC000  }
0x3a: {  	[hbm4b:s20+s1] =	stream.linear.scatter [tilespmem:s12], [sflag:$0x2], $0x4000, $0x38;
	[tilespmem:$0xC080] =	vst v63  }
0x3b: {  	_ =	swait.ge [sflag:s11], $0x4000  }
0x3c: {  	[sflag:s11] =	ssyncset.done $0x0  }
0x3d: {  	s20 =	sadd.s32 s19, s8;
	[sflag:s11] =	ssyncadd.s32 $0xFFFFC000  }
0x3e: {  	[hbm4b:s20+s1] =	stream.linear.scatter [tilespmem:s14], [sflag:$0x2], $0x4000, $0x38;
	[tilespmem:$0xC080] =	vst v63  }
0x3f: {  	_ =	swait.ge [sflag:s11], $0x4000  }
.Ltmp0:
0x40: {  	[sflag:s11] =	ssyncset.done $0x0;
	(pc) =	sbr.rel @p0 .LBB2_2-.Ltmp0, $4  }
0x41: {  	s19 =	sadd.s32 s19, s9;
	[sflag:s11] =	ssyncadd.s32 $0xFFFFC000  }
0x42: {  	[hbm4b:s19+s1] =	stream.linear.scatter [tilespmem:s15], [sflag:$0x2], $0x4000, $0x38;
	[tilespmem:$0xC080] =	vst v63  }
0x43: {  	_ =	swait.ge [sflag:s11], $0x4000  }
0x44: {  	[sflag:s11] =	ssyncset.done $0x0  }
0x45: {  	s16 =	sadd.s32 $0x1, s16  }
0x46: {  	p0 =	sne.s32 s16, s6  }
.Ltmp1:
0x47: {  	_ = 	snop;
	(pc) =	sbr.rel @p0 .LBB2_1-.Ltmp1, $2  }
0x48: {  	_ =	sdelay $0x2  }
0x49: {  	[sflag:s11] =	ssyncadd.s32 $0xFFFFC000  }
0x4a: {  	_ =	sfence.sel $0x180000  }
0x4b: {  	[bflag:$0x0] =	sbarrier.arrive $0xFFFF  }
0x4c: {  	p0 =	sne.s32 s2, $0x0;
	_ =	strace $0x90000047  }
0x4d: {  	s0 =	sadd.s32 @!p0 $0x100000, s0;
	[bflag:$0x2] =	sbarrier.arrive $0xFFFF  }
0x4e: {  	[sflag:s0] =	ssyncadd.tile.s32 @!p0 $0x1;
	_ =	shalt  }
.Lfunc_end2:
_tile_overlayer_lowered:
.L_overlay_start_2:
0x4f: {  	(tag) =	ssettag $0x2  }
0x50: {  	s0 =	rddreg [dreg:$0x0];
	s2 =	stileid.u32  }
0x51: {  	s1 =	rddreg [dreg:$0x1];
	p0 =	sne.s32 s2, $0x0  }
0x52: {  	s3 =	rddreg [dreg:$0x2];
	[bflag:$0x3] =	sbarrier.arrive $0xFFFF;
	s2 =	simm.s32 @!p0 $0x1C02  }
0x53: {  	[timem:s3], [sflag:s2] =	dma.local @!p0 [hbm:s0], s1  }
0x54: {  	s0 =	simm.s32 @!p0 $0x2  }
0x55: {  	_ =	swait.ge @!p0 [sflag:s0], s1  }
0x56: {  	s1 =	ssub.s32 @!p0 $0x0, s1;
	[sflag:s0] =	ssyncset.done @!p0 $0x0  }
0x57: {  	[sflag:s0] =	ssyncadd.s32 @!p0 s1  }
0x58: {  	[bflag:$0x3] =	sbarrier.arrive $0xFFFF  }
0x59: {  	_ =	shalt  }

// kernel: kernel.18.cloned.1.call-start
scs
__scs_entry_jumppad:
0x0: {  	(pc) =	sbr.rel $0x88, $3  }
0x1: {  	(tag) =	ssettag $0x0;
	lr =	simm.s32 $0x1  }
0x2: {  	[smem:$0x3F90] =	sst lr;
	_ =	strace $0xD0000000  }
0x3: {  	_ = 	snop  }
0x4: {  	_ = 	snop  }
0x5: {  	_ = 	snop  }
0x6: {  	_ = 	snop  }
0x7: {  	_ = 	snop  }
__scs_overlays_trampoline_lowered:
0x8: {  	[smem:$0x3F9F] =	sst s0  }
0x9: {  	[smem:$0x3FA0] =	sst s1  }
0xa: {  	[smem:$0x3FA1] =	sst s2  }
0xb: {  	[smem:$0x3FA2] =	sst s3  }
0xc: {  	[smem:$0x3FA3] =	sst s4  }
0xd: {  	[smem:$0x3FA4] =	sst s5  }
0xe: {  	[smem:$0x3FA5] =	sst s6  }
0xf: {  	[smem:$0x3FA6] =	sst s7  }
0x10: {  	[smem:$0x3FA7] =	sst s8  }
0x11: {  	[smem:$0x3FA8] =	sst s9;
	s0 =	simm.s32 @!p0 $0x0  }
0x12: {  	s1 =	sld [smem:$0x3F8E];
	s0 =	simm.s32 @p0 $0x1  }
0x13: {  	[smem:$0x3FA9] =	sst s0;
	s0 =	simm.s32 @!p1 $0x0  }
0x14: {  	s2 =	sld [smem:$0x3F8D];
	s0 =	simm.s32 @p1 $0x1  }
0x15: {  	[smem:$0x3FAA] =	sst s0;
	s0 =	simm.s32 @!p2 $0x0  }
0x16: {  	s3 =	sld [smem:$0x3FDB];
	s0 =	simm.s32 @p2 $0x1  }
0x17: {  	s4 =	simm.s32 $0x1BF5;
	[smem:$0x3FAC] =	sst s0  }
0x18: {  	s0 =	sld [smem:$0x3F8F];
	_ =	swait.ge [sflag:s4], $0x0  }
0x19: {  	s7 =	sld [smem:$0x3F90]  }
0x1a: {  	s8 =	sadd.s32 $0xFFFFE003, lr  }
0x1b: {  	s9 =	sadd.s32 $0xFFFFFEF7, lr;
	s5 =	simm.s32 $0xFFFFFFFF;
	p2 =	slt.u32 s8, $0xFFFFF086  }
0x1c: {  	p1 =	slt.u32 s9, $0xF7A;
	s5 =	simm.s32 @!p2 $0x0  }
0x1d: {  	s5 =	simm.s32 @p1 $0x1;
	p0 =	seq.s32 s7, s2  }
0x1e: {  	s7 =	smul.u32 @!p0 $0xF7A, s2;
	p2 =	seq.s32 @!p0 s5, $0x0  }
0x1f: {  	s9 =	smul.u32 $0xF7A, s1;
	s8 =	simm.s32 @!p0 $0x1BF5;
	p2 =	por !p2, p0  }
0x20: {  	[sflag:s8] =	ssyncset.s32 @!p0 $0xFFFFF086;
	s6 =	sadd.s32 @!p0 s3, s7;
	s7 =	simm.s32 @!p0 $0x108  }
0x21: {  	s3 =	sadd.s32 s3, s9;
	s6 =	sadd.s32 @!p0 $0x88, s6;
	s7 =	simm.s32 @p2 $0x1082  }
0x22: {  	[simem:s7], [sflag:s8] =	dma.local @!p0 [hbm:s6], $0xF7A  }
0x23: {  	s9 =	sor.u32 $0xD0000000, s2;
	s6 =	simm.s32 $0x108;
	_ =	swait.ge @!p0 [sflag:s8], $0x0  }
0x24: {  	s3 =	sadd.s32 $0x88, s3;
	s6 =	simm.s32 @!p1 $0x1082;
	[sflag:s4] =	ssyncset.s32 $0xFFFFF086  }
0x25: {  	[simem:s6], [sflag:s4] =	dma.local [hbm:s3], $0xF7A  }
0x26: {  	[smem:$0x3F90] =	sst s1;
	(tag) =	ssettag s2;
	_ =	strace s9  }
0x27: {  	s1 =	sld [smem:$0x3FA0]  }
0x28: {  	s2 =	sld [smem:$0x3FA1]  }
0x29: {  	s4 =	sld [smem:$0x3FA3]  }
0x2a: {  	p0 =	seq.s32 s5, $0x0;
	s5 =	sld [smem:$0x3FA4]  }
0x2b: {  	s6 =	sld [smem:$0x3FA5]  }
0x2c: {  	s7 =	sld [smem:$0x3FA6]  }
0x2d: {  	s3 =	simm.s32 $0x108;
	s8 =	sld [smem:$0x3FA7]  }
0x2e: {  	s3 =	simm.s32 @!p0 $0x1082;
	s9 =	sld [smem:$0x3FA8]  }
0x2f: {  	lr =	sadd.s32 s0, s3;
	s0 =	sld [smem:$0x3F9F]  }
0x30: {  	s3 =	sld [smem:$0x3FA2]  }
0x31: {  	[smem:$0x3FAB] =	sst s10  }
0x32: {  	s10 =	sld [smem:$0x3FA9];
	_ =	sdelay $0x3  }
0x33: {  	p0 =	seq.s32 s10, $0x1;
	s10 =	sld [smem:$0x3FAB];
	_ =	sdelay $0x3  }
0x34: {  	[smem:$0x3FAB] =	sst s10  }
0x35: {  	s10 =	sld [smem:$0x3FAA];
	_ =	sdelay $0x3  }
0x36: {  	p1 =	seq.s32 s10, $0x1;
	s10 =	sld [smem:$0x3FAB];
	_ =	sdelay $0x3  }
0x37: {  	[smem:$0x3FAB] =	sst s10  }
0x38: {  	s10 =	sld [smem:$0x3FAC]  }
0x39: {  	_ = 	snop;
	(pc) =	sbr.ind lr, $3  }
0x3a: {  	_ = 	snop  }
0x3b: {  	_ = 	snop  }
0x3c: {  	p2 =	seq.s32 s10, $0x1;
	s10 =	sld [smem:$0x3FAB]  }
0x3d: {  	_ =	shalt  }
0x3e: {  	_ =	shalt  }
0x3f: {  	_ =	shalt  }
0x40: {  	_ =	shalt  }
0x41: {  	_ =	shalt  }
0x42: {  	_ =	shalt  }
0x43: {  	_ =	shalt  }
0x44: {  	_ =	shalt  }
0x45: {  	_ =	shalt  }
0x46: {  	_ =	shalt  }
0x47: {  	_ =	shalt  }
0x48: {  	_ =	shalt  }
0x49: {  	_ =	shalt  }
0x4a: {  	_ =	shalt  }
0x4b: {  	_ =	shalt  }
0x4c: {  	_ =	shalt  }
0x4d: {  	_ =	shalt  }
0x4e: {  	_ =	shalt  }
0x4f: {  	_ =	shalt  }
0x50: {  	_ =	shalt  }
0x51: {  	_ =	shalt  }
0x52: {  	_ =	shalt  }
0x53: {  	_ =	shalt  }
0x54: {  	_ =	shalt  }
0x55: {  	_ =	shalt  }
0x56: {  	_ =	shalt  }
0x57: {  	_ =	shalt  }
0x58: {  	_ =	shalt  }
0x59: {  	_ =	shalt  }
0x5a: {  	_ =	shalt  }
0x5b: {  	_ =	shalt  }
0x5c: {  	_ =	shalt  }
0x5d: {  	_ =	shalt  }
0x5e: {  	_ =	shalt  }
0x5f: {  	_ =	shalt  }
0x60: {  	_ =	shalt  }
0x61: {  	_ =	shalt  }
0x62: {  	_ =	shalt  }
0x63: {  	_ =	shalt  }
0x64: {  	_ =	shalt  }
0x65: {  	_ =	shalt  }
0x66: {  	_ =	shalt  }
0x67: {  	_ =	shalt  }
0x68: {  	_ =	shalt  }
0x69: {  	_ =	shalt  }
0x6a: {  	_ =	shalt  }
0x6b: {  	_ =	shalt  }
0x6c: {  	_ =	shalt  }
0x6d: {  	_ =	shalt  }
0x6e: {  	_ =	shalt  }
0x6f: {  	_ =	shalt  }
0x70: {  	_ =	shalt  }
0x71: {  	_ =	shalt  }
0x72: {  	_ =	shalt  }
0x73: {  	_ =	shalt  }
0x74: {  	_ =	shalt  }
0x75: {  	_ =	shalt  }
0x76: {  	_ =	shalt  }
0x77: {  	_ =	shalt  }
0x78: {  	_ =	shalt  }
0x79: {  	_ =	shalt  }
0x7a: {  	_ =	shalt  }
0x7b: {  	_ =	shalt  }
0x7c: {  	_ =	shalt  }
0x7d: {  	_ =	shalt  }
0x7e: {  	_ =	shalt  }
0x7f: {  	_ =	shalt  }
0x80: {  	_ =	shalt  }
0x81: {  	_ =	shalt  }
0x82: {  	_ =	shalt  }
0x83: {  	_ =	shalt  }
0x84: {  	_ =	shalt  }
0x85: {  	_ =	shalt  }
0x86: {  	_ =	shalt  }
0x87: {  	_ =	shalt  }
.Lfunc_end0:
.L_simem_size_0:
called_computation.1_lowered:
.L_overlay_start_0:
0x88: {  	s2 =	sld [smem:$0x3FD9]  }
0x89: {  	s3 =	sld [smem:$0x3FFE];
	_ =	sdelay $0x1  }
0x8a: {  	s1 =	srdreg.scid  }
0x8b: {  	s0 =	sand.u32 $0x1, s1  }
0x8c: {  	s17 =	sshll.u32 s0, $0xA;
	s2 =	sadd.s32 s3, s2  }
0x8d: {  	s2 =	sadd.s32 s2, s17  }
0x8e: {  	[smem:$0x3FB7] =	sst s2  }
0x8f: {  	_ = 	snop  }
0x90: {  	(tm) =	ssettm $0x1  }
0x91: {  	s18 =	sld [smem:$0x3FFB];
	_ =	sdelay $0x3  }
0x92: {  	_ =	strace s18  }
0x93: {  	s2 =	sld [smem:$0x3FFC];
	_ =	sdelay $0x3  }
0x94: {  	_ =	strace s2  }
0x95: {  	s2 =	sld [smem:$0x3FFD];
	_ =	sdelay $0x3  }
0x96: {  	_ =	strace s2  }
0x97: {  	_ =	strace $0x8FFFFFFF  }
0x98: {  	s19 =	sld [smem:$0x3FDB];
	_ =	sdelay $0x1  }
0x99: {  	s20 =	simm.s32 $_scs_section_size  }
0x9a: {  	s4 =	simm.s32 $_size__tile_overlayer_lowered;
	s5 =	simm.s32 $_tile_overlayer_lowered  }
0x9b: {  	s6 =	simm.s32 $0x1BFF;
	s21 =	sshll.u32 s5, $0x1;
	s3 =	sadd.s32 s20, s19  }
0x9c: {  	s22 =	simm.s32 $0x0;
	s4 =	sshll.u32 s4, $0x1;
	s5 =	sadd.s32 s21, s3  }
0x9d: {  	[timem:s22], [sflag:s6] =	dma.local [hbm:s5], s4  }
0x9e: {  	_ =	swait.ge [sflag:s6], s4  }
0x9f: {  	s4 =	ssub.s32 $0x0, s4;
	[sflag:s6] =	ssyncset.done $0x0  }
0xa0: {  	[sflag:s6] =	ssyncadd.s32 s4;
	_ =	sdelay $0x1  }
0xa1: {  	s23 =	simm.s32 $0x1B8B  }
0xa2: {  	_ =	swait.ge [sflag:s23], $0x1  }
0xa3: {  	[sflag:s23] =	ssyncset.done $0x0  }
0xa4: {  	[sflag:s23] =	ssyncadd.s32 $0xFFFFFFFF  }
0xa5: {  	s4 =	sld [smem:$0x0]  }
0xa6: {  	s5 =	sand.u32 $0xFFFFFFFE, s1  }
0xa7: {  	p0 =	sne.s32 s1, s5  }
0xa8: {  	s5 =	sshll.u32 @p0 s5, $0xE  }
0xa9: {  	s5 =	sadd.s32 @p0 $0x11B8D, s5;
	s6 =	sshll.u32 @p0 s4, $0x11  }
0xaa: {  	s5 =	sor.u32 @p0 s6, s5  }
0xab: {  	[sflag:s5] =	ssyncadd.remote.s32 @p0 $0x1;
	_ =	sdelay $0x1  }
0xac: {  	s5 =	simm.s32 @p0 $0x1B8D  }
0xad: {  	_ =	swait.eq @p0 [sflag:s5], $0x1  }
0xae: {  	[sflag:s5] =	ssyncadd.s32 @p0 $0xFFFFFFFF  }
0xaf: {  	s6 =	sshll.u32 @!p0 s1, $0xE  }
0xb0: {  	s6 =	sor.u32 @!p0 $0x4000, s6;
	s5 =	simm.s32 @!p0 $0x1B8D  }
0xb1: {  	s4 =	sshll.u32 @!p0 s4, $0x11;
	s6 =	sadd.s32 @!p0 $0x11B8D, s6;
	_ =	swait.eq @!p0 [sflag:s5], $0x1  }
0xb2: {  	s4 =	sor.u32 @!p0 s4, s6;
	[sflag:s5] =	ssyncadd.s32 @!p0 $0xFFFFFFFF  }
0xb3: {  	s25 =	simm.s32 $0x1B8E;
	s24 =	sld [smem:$0x3FFE];
	[sflag:s4] =	ssyncadd.remote.s32 @!p0 $0x1  }
0xb4: {  	s26 =	simm.s32 $execute0_lowered;
	[smem:$0x3FD2] =	sst s25  }
0xb5: {  	s5 =	sshll.u32 s26, $0x1;
	_ =	strace $0x80000049;
	[dreg:$0x1] =	wrdreg $0xFFFFFFFF  }
0xb6: {  	s28 =	simm.s32 $_size_execute0_lowered;
	s3 =	sadd.s32 s3, s5;
	[dreg:$0x0] =	wrdreg $0x0  }
0xb7: {  	s5 =	sshll.u32 s28, $0x1;
	[dreg:$0x2] =	wrdreg s3  }
0xb8: {  	[dreg:$0x3] =	wrdreg s5  }
0xb9: {  	[dreg:$0x4] =	wrdreg $0xC0  }
0xba: {  	_ =	task [dreg:s22], $0x5FFFF  }
0xbb: {  	[dreg:$0x1] =	wrdreg $0xFFFFFFFF  }
0xbc: {  	[dreg:$0x0] =	wrdreg $0x60  }
0xbd: {  	[dreg:$0x2] =	wrdreg s24  }
0xbe: {  	[dreg:$0x3] =	wrdreg $0xA  }
0xbf: {  	_ =	task.clear_ibuf [dreg:s22], $0x4FFFF;
	_ =	strace $0x90000049  }
0xc0: {  	s29 =	simm.s32 $0xA;
	_ =	strace $0x8000004B  }
0xc1: {  	_ =	swait.ge [sflag:s29], $0x1  }
0xc2: {  	[sflag:s29] =	ssyncadd.s32 $0xFFFFFFFF  }
0xc3: {  	_ =	strace $0x9000004B  }
0xc4: {  	_ =	sfence  }
0xc5: {  	s30 =	sld [smem:$0x0];
	_ =	sdelay $0x2  }
0xc6: {  	s31 =	sshll.u32 s1, $0xD;
	s1 =	sshrl.u32 s1, $0x2  }
0xc7: {  	s4 =	sand.u32 $0x4000, s31;
	s1 =	sadd.s32 s1, s30  }
0xc8: {  	s0 =	sor.u32 s4, s0;
	s1 =	sshll.u32 s1, $0x11  }
0xc9: {  	s0 =	sor.u32 s1, s0  }
0xca: {  	s0 =	sadd.s32 $0x8F2B, s0  }
0xcb: {  	[sflag:s0] =	ssyncadd.remote.s32 $0x1  }
0xcc: {  	_ =	sfence.sel $0xFFFF  }
0xcd: {  	[dreg:$0x0] =	wrdreg $0xFFFFFFFF;
	(pc) =	sbr.abs _section_cstart, $3  }
0xce: {  	[dreg:$0x1] =	wrdreg $0xFFFFFFFF  }
0xcf: {  	_ =	task.clear_ibuf [dreg:s22], $0x2FFFF;
	_ =	strace $0x9FFFFFFF  }
0xd0: {  	(tm) =	ssettm $0x7FFFFFFF  }
0xd1: {  	_ =	shalt  }
tec
execute0_lowered:
.L_overlay_start_1:
0x0: {  	(tag) =	ssettag $0x1  }
0x1: {  	s1 =	srdreg.scid  }
0x2: {  	s0 =	stileid.u32;
	s6 =	rddreg [dreg:$0x0];
	s2 =	simm.s32 $0x0  }
0x3: {  	s11 =	simm.s32 $0x2;
	s12 =	simm.s32 $0x80;
	s13 =	simm.s32 $0x1  }
0x4: {  	s14 =	simm.s32 $0x4080;
	s15 =	simm.s32 $0x8080;
	s16 =	simm.s32 $0x0  }
0x5: {  	s5 =	sand.u32 $0x1, s1;
	s3 =	sshll.u32 s0, $0xB;
	s1 =	rddreg [dreg:$0x1]  }
0x6: {  	[smem:$0x7FF] =	sst s2;
	s7 =	sshll.u32 s0, $0xF;
	s4 =	sshll.u32 s5, $0xA  }
0x7: {  	_ =	strace $0x8000004A;
	s7 =	sadd.s32 s7, s6;
	s8 =	ssub.s32 $0x2, s5  }
0x8: {  	s9 =	sshll.u32 s5, $0xE;
	s5 =	sadd.s32 $0x5A00, s6;
	s3 =	sor.u32 s4, s3  }
0x9: {  	s4 =	sadd.s32 $0x45A00, s6;
	s31 =	sshrl.u32 s8, $0x1;
	s9 =	sadd.s32 s9, s7  }
0xa: {  	s3 =	sshrl.u32 s3, $0x3;
	s8 =	ssub.s32 s8, s31;
	s7 =	sadd.s32 $0x266A00, s9  }
0xb: {  	s10 =	sadd.s32 s3, s6;
	s3 =	sadd.s32 $0x25A00, s6;
	s6 =	sadd.s32 $0x1E6A00, s9  }
0xc: {  	s8 =	smax.u32 s8, $0x1;
	s9 =	sadd.s32 $0x2E6A00, s9;
	s10 =	sadd.s32 $0x1E5A00, s10  }
.LBB2_1:
0xd: {  	[tilespmem:s2], [sflag:$0x2] =	stream.linear.gather [hbm4b:s10+s2], $0x80, $0x38;
	[tilespmem:$0xC080] =	vst v63  }
0xe: {  	_ =	swait.ge [sflag:s11], $0x80  }
0xf: {  	[sflag:s11] =	ssyncset.done $0x0  }
0x10: {  	[sflag:s11] =	ssyncadd.s32 $0xFFFFFF80  }
0x11: {  	[tilespmem:s12], [sflag:$0x1] =	stream.indirect.gather [hbm4b:s3+s12], $0x80, s2, s12, $0xb8;
	[tilespmem:$0xC080] =	vst v63  }
0x12: {  	_ =	swait.ge [sflag:s13], $0x4000  }
0x13: {  	[sflag:s13] =	ssyncset.done $0x0  }
0x14: {  	[sflag:s13] =	ssyncadd.s32 $0xFFFFC000  }
0x15: {  	[tilespmem:s14], [sflag:$0x1] =	stream.indirect.gather [hbm4b:s4+s12], $0x80, s2, s12, $0xb8;
	[tilespmem:$0xC080] =	vst v63  }
0x16: {  	_ =	swait.ge [sflag:s13], $0x4000  }
0x17: {  	[sflag:s13] =	ssyncset.done $0x0  }
0x18: {  	[sflag:s13] =	ssyncadd.s32 $0xFFFFC000  }
0x19: {  	[tilespmem:s15], [sflag:$0x1] =	stream.indirect.gather [hbm4b:s5+s12], $0x80, s2, s12, $0xb8;
	[tilespmem:$0xC080] =	vst v63  }
0x1a: {  	_ =	swait.ge [sflag:s13], $0x4000  }
0x1b: {  	[sflag:s13] =	ssyncset.done $0x0  }
0x1c: {  	s17 =	sadd.s32 $0x0, s6;
	[sflag:s13] =	ssyncadd.s32 $0xFFFFC000  }
0x1d: {  	[hbm4b:s17+s2] =	stream.linear.scatter [tilespmem:s12], [sflag:$0x2], $0x4000, $0x38;
	[tilespmem:$0xC080] =	vst v63  }
0x1e: {  	_ =	swait.ge [sflag:s11], $0x4000  }
0x1f: {  	[sflag:s11] =	ssyncset.done $0x0  }
0x20: {  	s30 =	sadd.s32 $0x0, s7;
	[sflag:s11] =	ssyncadd.s32 $0xFFFFC000  }
0x21: {  	[hbm4b:s30+s2] =	stream.linear.scatter [tilespmem:s14], [sflag:$0x2], $0x4000, $0x38;
	[tilespmem:$0xC080] =	vst v63  }
0x22: {  	_ =	swait.ge [sflag:s11], $0x4000  }
0x23: {  	[sflag:s11] =	ssyncset.done $0x0  }
0x24: {  	s31 =	sadd.s32 $0x0, s9;
	[sflag:s11] =	ssyncadd.s32 $0xFFFFC000  }
0x25: {  	[hbm4b:s31+s2] =	stream.linear.scatter [tilespmem:s15], [sflag:$0x2], $0x4000, $0x38;
	[tilespmem:$0xC080] =	vst v63  }
0x26: {  	_ =	swait.ge [sflag:s11], $0x4000  }
0x27: {  	s18 =	smov.u32 s10;
	s17 =	simm.s32 $0x800;
	[sflag:s11] =	ssyncset.done $0x0  }
.LBB2_2:
0x28: {  	p0 =	sne.s32 s17, $0x3800;
	[sflag:s11] =	ssyncadd.s32 $0xFFFFC000;
	s18 =	sadd.s32 $0x10, s18  }
0x29: {  	[tilespmem:s2], [sflag:$0x2] =	stream.linear.gather [hbm4b:s18+s2], $0x80, $0x38;
	[tilespmem:$0xC080] =	vst v63  }
0x2a: {  	s19 =	smov.u32 s17;
	s17 =	sadd.s32 $0x800, s17;
	_ =	swait.ge [sflag:s11], $0x80  }
0x2b: {  	[sflag:s11] =	ssyncset.done $0x0  }
0x2c: {  	[sflag:s11] =	ssyncadd.s32 $0xFFFFFF80  }
0x2d: {  	[tilespmem:s12], [sflag:$0x1] =	stream.indirect.gather [hbm4b:s3+s12], $0x80, s2, s12, $0xb8;
	[tilespmem:$0xC080] =	vst v63  }
0x2e: {  	_ =	swait.ge [sflag:s13], $0x4000  }
0x2f: {  	[sflag:s13] =	ssyncset.done $0x0  }
0x30: {  	[sflag:s13] =	ssyncadd.s32 $0xFFFFC000  }
0x31: {  	[tilespmem:s14], [sflag:$0x1] =	stream.indirect.gather [hbm4b:s4+s12], $0x80, s2, s12, $0xb8;
	[tilespmem:$0xC080] =	vst v63  }
0x32: {  	_ =	swait.ge [sflag:s13], $0x4000  }
0x33: {  	[sflag:s13] =	ssyncset.done $0x0  }
0x34: {  	[sflag:s13] =	ssyncadd.s32 $0xFFFFC000  }
0x35: {  	[tilespmem:s15], [sflag:$0x1] =	stream.indirect.gather [hbm4b:s5+s12], $0x80, s2, s12, $0xb8;
	[tilespmem:$0xC080] =	vst v63  }
0x36: {  	_ =	swait.ge [sflag:s13], $0x4000  }
0x37: {  	[sflag:s13] =	ssyncset.done $0x0  }
0x38: {  	s20 =	sadd.s32 s19, s6;
	[sflag:s13] =	ssyncadd.s32 $0xFFFFC000  }
0x39: {  	[hbm4b:s20+s2] =	stream.linear.scatter [tilespmem:s12], [sflag:$0x2], $0x4000, $0x38;
	[tilespmem:$0xC080] =	vst v63  }
0x3a: {  	_ =	swait.ge [sflag:s11], $0x4000  }
0x3b: {  	[sflag:s11] =	ssyncset.done $0x0  }
0x3c: {  	s20 =	sadd.s32 s19, s7;
	[sflag:s11] =	ssyncadd.s32 $0xFFFFC000  }
0x3d: {  	[hbm4b:s20+s2] =	stream.linear.scatter [tilespmem:s14], [sflag:$0x2], $0x4000, $0x38;
	[tilespmem:$0xC080] =	vst v63  }
0x3e: {  	_ =	swait.ge [sflag:s11], $0x4000  }
.Ltmp0:
0x3f: {  	[sflag:s11] =	ssyncset.done $0x0;
	(pc) =	sbr.rel @p0 .LBB2_2-.Ltmp0, $4  }
0x40: {  	s19 =	sadd.s32 s19, s9;
	[sflag:s11] =	ssyncadd.s32 $0xFFFFC000  }
0x41: {  	[hbm4b:s19+s2] =	stream.linear.scatter [tilespmem:s15], [sflag:$0x2], $0x4000, $0x38;
	[tilespmem:$0xC080] =	vst v63  }
0x42: {  	_ =	swait.ge [sflag:s11], $0x4000  }
0x43: {  	[sflag:s11] =	ssyncset.done $0x0  }
0x44: {  	s16 =	sadd.s32 $0x1, s16  }
0x45: {  	p0 =	sne.s32 s16, s8  }
.Ltmp1:
0x46: {  	_ = 	snop;
	(pc) =	sbr.rel @p0 .LBB2_1-.Ltmp1, $2  }
0x47: {  	_ =	sdelay $0x2  }
0x48: {  	[sflag:s11] =	ssyncadd.s32 $0xFFFFC000  }
0x49: {  	_ =	sfence.sel $0x180000  }
0x4a: {  	[bflag:$0x0] =	sbarrier.arrive $0xFFFF  }
0x4b: {  	p0 =	sne.s32 s0, $0x0;
	_ =	strace $0x9000004A  }
0x4c: {  	s0 =	sadd.s32 @!p0 $0x100000, s1;
	[bflag:$0x2] =	sbarrier.arrive $0xFFFF  }
0x4d: {  	[sflag:s0] =	ssyncadd.tile.s32 @!p0 $0x1;
	_ =	shalt  }
.Lfunc_end2:
_tile_overlayer_lowered:
.L_overlay_start_2:
0x4e: {  	(tag) =	ssettag $0x2  }
0x4f: {  	s0 =	rddreg [dreg:$0x0];
	s2 =	stileid.u32  }
0x50: {  	s1 =	rddreg [dreg:$0x1];
	p0 =	sne.s32 s2, $0x0  }
0x51: {  	s3 =	rddreg [dreg:$0x2];
	[bflag:$0x3] =	sbarrier.arrive $0xFFFF;
	s2 =	simm.s32 @!p0 $0x1C02  }
0x52: {  	[timem:s3], [sflag:s2] =	dma.local @!p0 [hbm:s0], s1  }
0x53: {  	s0 =	simm.s32 @!p0 $0x2  }
0x54: {  	_ =	swait.ge @!p0 [sflag:s0], s1  }
0x55: {  	s1 =	ssub.s32 @!p0 $0x0, s1;
	[sflag:s0] =	ssyncset.done @!p0 $0x0  }
0x56: {  	[sflag:s0] =	ssyncadd.s32 @!p0 s1  }
0x57: {  	[bflag:$0x3] =	sbarrier.arrive $0xFFFF  }
0x58: {  	_ =	shalt  }

// kernel: kernel.21.cloned.1.call-start
scs
__scs_entry_jumppad:
0x0: {  	(pc) =	sbr.rel $0x88, $3  }
0x1: {  	(tag) =	ssettag $0x0;
	lr =	simm.s32 $0x1  }
0x2: {  	[smem:$0x3F90] =	sst lr;
	_ =	strace $0xD0000000  }
0x3: {  	_ = 	snop  }
0x4: {  	_ = 	snop  }
0x5: {  	_ = 	snop  }
0x6: {  	_ = 	snop  }
0x7: {  	_ = 	snop  }
__scs_overlays_trampoline_lowered:
0x8: {  	[smem:$0x3F9F] =	sst s0  }
0x9: {  	[smem:$0x3FA0] =	sst s1  }
0xa: {  	[smem:$0x3FA1] =	sst s2  }
0xb: {  	[smem:$0x3FA2] =	sst s3  }
0xc: {  	[smem:$0x3FA3] =	sst s4  }
0xd: {  	[smem:$0x3FA4] =	sst s5  }
0xe: {  	[smem:$0x3FA5] =	sst s6  }
0xf: {  	[smem:$0x3FA6] =	sst s7  }
0x10: {  	[smem:$0x3FA7] =	sst s8  }
0x11: {  	[smem:$0x3FA8] =	sst s9;
	s0 =	simm.s32 @!p0 $0x0  }
0x12: {  	s1 =	sld [smem:$0x3F8E];
	s0 =	simm.s32 @p0 $0x1  }
0x13: {  	[smem:$0x3FA9] =	sst s0;
	s0 =	simm.s32 @!p1 $0x0  }
0x14: {  	s2 =	sld [smem:$0x3F8D];
	s0 =	simm.s32 @p1 $0x1  }
0x15: {  	[smem:$0x3FAA] =	sst s0;
	s0 =	simm.s32 @!p2 $0x0  }
0x16: {  	s3 =	sld [smem:$0x3FDB];
	s0 =	simm.s32 @p2 $0x1  }
0x17: {  	s4 =	simm.s32 $0x1BF5;
	[smem:$0x3FAC] =	sst s0  }
0x18: {  	s0 =	sld [smem:$0x3F8F];
	_ =	swait.ge [sflag:s4], $0x0  }
0x19: {  	s7 =	sld [smem:$0x3F90]  }
0x1a: {  	s8 =	sadd.s32 $0xFFFFE003, lr  }
0x1b: {  	s9 =	sadd.s32 $0xFFFFFEF7, lr;
	s5 =	simm.s32 $0xFFFFFFFF;
	p2 =	slt.u32 s8, $0xFFFFF086  }
0x1c: {  	p1 =	slt.u32 s9, $0xF7A;
	s5 =	simm.s32 @!p2 $0x0  }
0x1d: {  	s5 =	simm.s32 @p1 $0x1;
	p0 =	seq.s32 s7, s2  }
0x1e: {  	s7 =	smul.u32 @!p0 $0xF7A, s2;
	p2 =	seq.s32 @!p0 s5, $0x0  }
0x1f: {  	s9 =	smul.u32 $0xF7A, s1;
	s8 =	simm.s32 @!p0 $0x1BF5;
	p2 =	por !p2, p0  }
0x20: {  	[sflag:s8] =	ssyncset.s32 @!p0 $0xFFFFF086;
	s6 =	sadd.s32 @!p0 s3, s7;
	s7 =	simm.s32 @!p0 $0x108  }
0x21: {  	s3 =	sadd.s32 s3, s9;
	s6 =	sadd.s32 @!p0 $0x88, s6;
	s7 =	simm.s32 @p2 $0x1082  }
0x22: {  	[simem:s7], [sflag:s8] =	dma.local @!p0 [hbm:s6], $0xF7A  }
0x23: {  	s9 =	sor.u32 $0xD0000000, s2;
	s6 =	simm.s32 $0x108;
	_ =	swait.ge @!p0 [sflag:s8], $0x0  }
0x24: {  	s3 =	sadd.s32 $0x88, s3;
	s6 =	simm.s32 @!p1 $0x1082;
	[sflag:s4] =	ssyncset.s32 $0xFFFFF086  }
0x25: {  	[simem:s6], [sflag:s4] =	dma.local [hbm:s3], $0xF7A  }
0x26: {  	[smem:$0x3F90] =	sst s1;
	(tag) =	ssettag s2;
	_ =	strace s9  }
0x27: {  	s1 =	sld [smem:$0x3FA0]  }
0x28: {  	s2 =	sld [smem:$0x3FA1]  }
0x29: {  	s4 =	sld [smem:$0x3FA3]  }
0x2a: {  	p0 =	seq.s32 s5, $0x0;
	s5 =	sld [smem:$0x3FA4]  }
0x2b: {  	s6 =	sld [smem:$0x3FA5]  }
0x2c: {  	s7 =	sld [smem:$0x3FA6]  }
0x2d: {  	s3 =	simm.s32 $0x108;
	s8 =	sld [smem:$0x3FA7]  }
0x2e: {  	s3 =	simm.s32 @!p0 $0x1082;
	s9 =	sld [smem:$0x3FA8]  }
0x2f: {  	lr =	sadd.s32 s0, s3;
	s0 =	sld [smem:$0x3F9F]  }
0x30: {  	s3 =	sld [smem:$0x3FA2]  }
0x31: {  	[smem:$0x3FAB] =	sst s10  }
0x32: {  	s10 =	sld [smem:$0x3FA9];
	_ =	sdelay $0x3  }
0x33: {  	p0 =	seq.s32 s10, $0x1;
	s10 =	sld [smem:$0x3FAB];
	_ =	sdelay $0x3  }
0x34: {  	[smem:$0x3FAB] =	sst s10  }
0x35: {  	s10 =	sld [smem:$0x3FAA];
	_ =	sdelay $0x3  }
0x36: {  	p1 =	seq.s32 s10, $0x1;
	s10 =	sld [smem:$0x3FAB];
	_ =	sdelay $0x3  }
0x37: {  	[smem:$0x3FAB] =	sst s10  }
0x38: {  	s10 =	sld [smem:$0x3FAC]  }
0x39: {  	_ = 	snop;
	(pc) =	sbr.ind lr, $3  }
0x3a: {  	_ = 	snop  }
0x3b: {  	_ = 	snop  }
0x3c: {  	p2 =	seq.s32 s10, $0x1;
	s10 =	sld [smem:$0x3FAB]  }
0x3d: {  	_ =	shalt  }
0x3e: {  	_ =	shalt  }
0x3f: {  	_ =	shalt  }
0x40: {  	_ =	shalt  }
0x41: {  	_ =	shalt  }
0x42: {  	_ =	shalt  }
0x43: {  	_ =	shalt  }
0x44: {  	_ =	shalt  }
0x45: {  	_ =	shalt  }
0x46: {  	_ =	shalt  }
0x47: {  	_ =	shalt  }
0x48: {  	_ =	shalt  }
0x49: {  	_ =	shalt  }
0x4a: {  	_ =	shalt  }
0x4b: {  	_ =	shalt  }
0x4c: {  	_ =	shalt  }
0x4d: {  	_ =	shalt  }
0x4e: {  	_ =	shalt  }
0x4f: {  	_ =	shalt  }
0x50: {  	_ =	shalt  }
0x51: {  	_ =	shalt  }
0x52: {  	_ =	shalt  }
0x53: {  	_ =	shalt  }
0x54: {  	_ =	shalt  }
0x55: {  	_ =	shalt  }
0x56: {  	_ =	shalt  }
0x57: {  	_ =	shalt  }
0x58: {  	_ =	shalt  }
0x59: {  	_ =	shalt  }
0x5a: {  	_ =	shalt  }
0x5b: {  	_ =	shalt  }
0x5c: {  	_ =	shalt  }
0x5d: {  	_ =	shalt  }
0x5e: {  	_ =	shalt  }
0x5f: {  	_ =	shalt  }
0x60: {  	_ =	shalt  }
0x61: {  	_ =	shalt  }
0x62: {  	_ =	shalt  }
0x63: {  	_ =	shalt  }
0x64: {  	_ =	shalt  }
0x65: {  	_ =	shalt  }
0x66: {  	_ =	shalt  }
0x67: {  	_ =	shalt  }
0x68: {  	_ =	shalt  }
0x69: {  	_ =	shalt  }
0x6a: {  	_ =	shalt  }
0x6b: {  	_ =	shalt  }
0x6c: {  	_ =	shalt  }
0x6d: {  	_ =	shalt  }
0x6e: {  	_ =	shalt  }
0x6f: {  	_ =	shalt  }
0x70: {  	_ =	shalt  }
0x71: {  	_ =	shalt  }
0x72: {  	_ =	shalt  }
0x73: {  	_ =	shalt  }
0x74: {  	_ =	shalt  }
0x75: {  	_ =	shalt  }
0x76: {  	_ =	shalt  }
0x77: {  	_ =	shalt  }
0x78: {  	_ =	shalt  }
0x79: {  	_ =	shalt  }
0x7a: {  	_ =	shalt  }
0x7b: {  	_ =	shalt  }
0x7c: {  	_ =	shalt  }
0x7d: {  	_ =	shalt  }
0x7e: {  	_ =	shalt  }
0x7f: {  	_ =	shalt  }
0x80: {  	_ =	shalt  }
0x81: {  	_ =	shalt  }
0x82: {  	_ =	shalt  }
0x83: {  	_ =	shalt  }
0x84: {  	_ =	shalt  }
0x85: {  	_ =	shalt  }
0x86: {  	_ =	shalt  }
0x87: {  	_ =	shalt  }
.Lfunc_end0:
.L_simem_size_0:
called_computation.2_lowered:
.L_overlay_start_0:
0x88: {  	s2 =	sld [smem:$0x3FD9]  }
0x89: {  	s3 =	sld [smem:$0x3FFE];
	_ =	sdelay $0x1  }
0x8a: {  	s1 =	srdreg.scid  }
0x8b: {  	s0 =	sand.u32 $0x1, s1  }
0x8c: {  	s17 =	sshll.u32 s0, $0xA;
	s2 =	sadd.s32 s3, s2  }
0x8d: {  	s2 =	sadd.s32 s2, s17  }
0x8e: {  	[smem:$0x3FB7] =	sst s2  }
0x8f: {  	_ = 	snop  }
0x90: {  	(tm) =	ssettm $0x1  }
0x91: {  	s18 =	sld [smem:$0x3FFB];
	_ =	sdelay $0x3  }
0x92: {  	_ =	strace s18  }
0x93: {  	s2 =	sld [smem:$0x3FFC];
	_ =	sdelay $0x3  }
0x94: {  	_ =	strace s2  }
0x95: {  	s2 =	sld [smem:$0x3FFD];
	_ =	sdelay $0x3  }
0x96: {  	_ =	strace s2  }
0x97: {  	_ =	strace $0x8FFFFFFF  }
0x98: {  	s19 =	sld [smem:$0x3FDB];
	_ =	sdelay $0x1  }
0x99: {  	s20 =	simm.s32 $_scs_section_size  }
0x9a: {  	s4 =	simm.s32 $_size__tile_overlayer_lowered;
	s5 =	simm.s32 $_tile_overlayer_lowered  }
0x9b: {  	s6 =	simm.s32 $0x1BFF;
	s21 =	sshll.u32 s5, $0x1;
	s3 =	sadd.s32 s20, s19  }
0x9c: {  	s22 =	simm.s32 $0x0;
	s4 =	sshll.u32 s4, $0x1;
	s5 =	sadd.s32 s21, s3  }
0x9d: {  	[timem:s22], [sflag:s6] =	dma.local [hbm:s5], s4  }
0x9e: {  	_ =	swait.ge [sflag:s6], s4  }
0x9f: {  	s4 =	ssub.s32 $0x0, s4;
	[sflag:s6] =	ssyncset.done $0x0  }
0xa0: {  	[sflag:s6] =	ssyncadd.s32 s4;
	_ =	sdelay $0x1  }
0xa1: {  	s23 =	simm.s32 $0x1B8B  }
0xa2: {  	_ =	swait.ge [sflag:s23], $0x1  }
0xa3: {  	[sflag:s23] =	ssyncset.done $0x0  }
0xa4: {  	[sflag:s23] =	ssyncadd.s32 $0xFFFFFFFF  }
0xa5: {  	s4 =	sld [smem:$0x0]  }
0xa6: {  	s5 =	sand.u32 $0xFFFFFFFE, s1  }
0xa7: {  	p0 =	sne.s32 s1, s5  }
0xa8: {  	s5 =	sshll.u32 @p0 s5, $0xE  }
0xa9: {  	s5 =	sadd.s32 @p0 $0x11B8D, s5;
	s6 =	sshll.u32 @p0 s4, $0x11  }
0xaa: {  	s5 =	sor.u32 @p0 s6, s5  }
0xab: {  	[sflag:s5] =	ssyncadd.remote.s32 @p0 $0x1;
	_ =	sdelay $0x1  }
0xac: {  	s5 =	simm.s32 @p0 $0x1B8D  }
0xad: {  	_ =	swait.eq @p0 [sflag:s5], $0x1  }
0xae: {  	[sflag:s5] =	ssyncadd.s32 @p0 $0xFFFFFFFF  }
0xaf: {  	s6 =	sshll.u32 @!p0 s1, $0xE  }
0xb0: {  	s6 =	sor.u32 @!p0 $0x4000, s6;
	s5 =	simm.s32 @!p0 $0x1B8D  }
0xb1: {  	s4 =	sshll.u32 @!p0 s4, $0x11;
	s6 =	sadd.s32 @!p0 $0x11B8D, s6;
	_ =	swait.eq @!p0 [sflag:s5], $0x1  }
0xb2: {  	s4 =	sor.u32 @!p0 s4, s6;
	[sflag:s5] =	ssyncadd.s32 @!p0 $0xFFFFFFFF  }
0xb3: {  	s25 =	simm.s32 $0x1B8E;
	s24 =	sld [smem:$0x3FFE];
	[sflag:s4] =	ssyncadd.remote.s32 @!p0 $0x1  }
0xb4: {  	s26 =	simm.s32 $execute0_lowered;
	[smem:$0x3FD2] =	sst s25  }
0xb5: {  	s5 =	sshll.u32 s26, $0x1;
	_ =	strace $0x8000004C;
	[dreg:$0x1] =	wrdreg $0xFFFFFFFF  }
0xb6: {  	s28 =	simm.s32 $_size_execute0_lowered;
	s3 =	sadd.s32 s3, s5;
	[dreg:$0x0] =	wrdreg $0x0  }
0xb7: {  	s5 =	sshll.u32 s28, $0x1;
	[dreg:$0x2] =	wrdreg s3  }
0xb8: {  	[dreg:$0x3] =	wrdreg s5  }
0xb9: {  	[dreg:$0x4] =	wrdreg $0xC0  }
0xba: {  	_ =	task [dreg:s22], $0x5FFFF  }
0xbb: {  	[dreg:$0x1] =	wrdreg $0xFFFFFFFF  }
0xbc: {  	[dreg:$0x0] =	wrdreg $0x60  }
0xbd: {  	[dreg:$0x2] =	wrdreg s24  }
0xbe: {  	[dreg:$0x3] =	wrdreg $0xB  }
0xbf: {  	_ =	task.clear_ibuf [dreg:s22], $0x4FFFF;
	_ =	strace $0x9000004C  }
0xc0: {  	s29 =	simm.s32 $0xB;
	_ =	strace $0x8000004E  }
0xc1: {  	_ =	swait.ge [sflag:s29], $0x1  }
0xc2: {  	[sflag:s29] =	ssyncadd.s32 $0xFFFFFFFF  }
0xc3: {  	_ =	strace $0x9000004E  }
0xc4: {  	_ =	sfence  }
0xc5: {  	s30 =	sld [smem:$0x0];
	_ =	sdelay $0x2  }
0xc6: {  	s31 =	sshll.u32 s1, $0xD;
	s1 =	sshrl.u32 s1, $0x2  }
0xc7: {  	s4 =	sand.u32 $0x4000, s31;
	s1 =	sadd.s32 s1, s30  }
0xc8: {  	s0 =	sor.u32 s4, s0;
	s1 =	sshll.u32 s1, $0x11  }
0xc9: {  	s0 =	sor.u32 s1, s0  }
0xca: {  	s0 =	sadd.s32 $0x8F2B, s0  }
0xcb: {  	[sflag:s0] =	ssyncadd.remote.s32 $0x1  }
0xcc: {  	_ =	sfence.sel $0xFFFF  }
0xcd: {  	[dreg:$0x0] =	wrdreg $0xFFFFFFFF;
	(pc) =	sbr.abs _section_cstart, $3  }
0xce: {  	[dreg:$0x1] =	wrdreg $0xFFFFFFFF  }
0xcf: {  	_ =	task.clear_ibuf [dreg:s22], $0x2FFFF;
	_ =	strace $0x9FFFFFFF  }
0xd0: {  	(tm) =	ssettm $0x7FFFFFFF  }
0xd1: {  	_ =	shalt  }
tec
execute0_lowered:
.L_overlay_start_1:
0x0: {  	(tag) =	ssettag $0x1  }
0x1: {  	s1 =	srdreg.scid  }
0x2: {  	s0 =	stileid.u32;
	s6 =	rddreg [dreg:$0x0];
	s2 =	simm.s32 $0x0  }
0x3: {  	s11 =	simm.s32 $0x2;
	s12 =	simm.s32 $0x80;
	s13 =	simm.s32 $0x1  }
0x4: {  	s14 =	simm.s32 $0x4080;
	s15 =	simm.s32 $0x8080;
	s16 =	simm.s32 $0x0  }
0x5: {  	s5 =	sand.u32 $0x1, s1;
	s3 =	sshll.u32 s0, $0xB;
	s1 =	rddreg [dreg:$0x1]  }
0x6: {  	[smem:$0x7FF] =	sst s2;
	s7 =	sshll.u32 s0, $0xF;
	s4 =	sshll.u32 s5, $0xA  }
0x7: {  	_ =	strace $0x8000004D;
	s7 =	sadd.s32 s7, s6;
	s8 =	ssub.s32 $0x2, s5  }
0x8: {  	s9 =	sshll.u32 s5, $0xE;
	s5 =	sadd.s32 $0x5A00, s6;
	s3 =	sor.u32 s4, s3  }
0x9: {  	s4 =	sadd.s32 $0x45A00, s6;
	s31 =	sshrl.u32 s8, $0x1;
	s9 =	sadd.s32 s9, s7  }
0xa: {  	s3 =	sshrl.u32 s3, $0x3;
	s8 =	ssub.s32 s8, s31;
	s7 =	sadd.s32 $0x3E7A00, s9  }
0xb: {  	s10 =	sadd.s32 s3, s6;
	s3 =	sadd.s32 $0x25A00, s6;
	s6 =	sadd.s32 $0x367A00, s9  }
0xc: {  	s8 =	smax.u32 s8, $0x1;
	s9 =	sadd.s32 $0x467A00, s9;
	s10 =	sadd.s32 $0x366A00, s10  }
.LBB2_1:
0xd: {  	[tilespmem:s2], [sflag:$0x2] =	stream.linear.gather [hbm4b:s10+s2], $0x80, $0x38;
	[tilespmem:$0xC080] =	vst v63  }
0xe: {  	_ =	swait.ge [sflag:s11], $0x80  }
0xf: {  	[sflag:s11] =	ssyncset.done $0x0  }
0x10: {  	[sflag:s11] =	ssyncadd.s32 $0xFFFFFF80  }
0x11: {  	[tilespmem:s12], [sflag:$0x1] =	stream.indirect.gather [hbm4b:s3+s12], $0x80, s2, s12, $0xb8;
	[tilespmem:$0xC080] =	vst v63  }
0x12: {  	_ =	swait.ge [sflag:s13], $0x4000  }
0x13: {  	[sflag:s13] =	ssyncset.done $0x0  }
0x14: {  	[sflag:s13] =	ssyncadd.s32 $0xFFFFC000  }
0x15: {  	[tilespmem:s14], [sflag:$0x1] =	stream.indirect.gather [hbm4b:s4+s12], $0x80, s2, s12, $0xb8;
	[tilespmem:$0xC080] =	vst v63  }
0x16: {  	_ =	swait.ge [sflag:s13], $0x4000  }
0x17: {  	[sflag:s13] =	ssyncset.done $0x0  }
0x18: {  	[sflag:s13] =	ssyncadd.s32 $0xFFFFC000  }
0x19: {  	[tilespmem:s15], [sflag:$0x1] =	stream.indirect.gather [hbm4b:s5+s12], $0x80, s2, s12, $0xb8;
	[tilespmem:$0xC080] =	vst v63  }
0x1a: {  	_ =	swait.ge [sflag:s13], $0x4000  }
0x1b: {  	[sflag:s13] =	ssyncset.done $0x0  }
0x1c: {  	s17 =	sadd.s32 $0x0, s6;
	[sflag:s13] =	ssyncadd.s32 $0xFFFFC000  }
0x1d: {  	[hbm4b:s17+s2] =	stream.linear.scatter [tilespmem:s12], [sflag:$0x2], $0x4000, $0x38;
	[tilespmem:$0xC080] =	vst v63  }
0x1e: {  	_ =	swait.ge [sflag:s11], $0x4000  }
0x1f: {  	[sflag:s11] =	ssyncset.done $0x0  }
0x20: {  	s30 =	sadd.s32 $0x0, s7;
	[sflag:s11] =	ssyncadd.s32 $0xFFFFC000  }
0x21: {  	[hbm4b:s30+s2] =	stream.linear.scatter [tilespmem:s14], [sflag:$0x2], $0x4000, $0x38;
	[tilespmem:$0xC080] =	vst v63  }
0x22: {  	_ =	swait.ge [sflag:s11], $0x4000  }
0x23: {  	[sflag:s11] =	ssyncset.done $0x0  }
0x24: {  	s31 =	sadd.s32 $0x0, s9;
	[sflag:s11] =	ssyncadd.s32 $0xFFFFC000  }
0x25: {  	[hbm4b:s31+s2] =	stream.linear.scatter [tilespmem:s15], [sflag:$0x2], $0x4000, $0x38;
	[tilespmem:$0xC080] =	vst v63  }
0x26: {  	_ =	swait.ge [sflag:s11], $0x4000  }
0x27: {  	s18 =	smov.u32 s10;
	s17 =	simm.s32 $0x800;
	[sflag:s11] =	ssyncset.done $0x0  }
.LBB2_2:
0x28: {  	p0 =	sne.s32 s17, $0x3800;
	[sflag:s11] =	ssyncadd.s32 $0xFFFFC000;
	s18 =	sadd.s32 $0x10, s18  }
0x29: {  	[tilespmem:s2], [sflag:$0x2] =	stream.linear.gather [hbm4b:s18+s2], $0x80, $0x38;
	[tilespmem:$0xC080] =	vst v63  }
0x2a: {  	s19 =	smov.u32 s17;
	s17 =	sadd.s32 $0x800, s17;
	_ =	swait.ge [sflag:s11], $0x80  }
0x2b: {  	[sflag:s11] =	ssyncset.done $0x0  }
0x2c: {  	[sflag:s11] =	ssyncadd.s32 $0xFFFFFF80  }
0x2d: {  	[tilespmem:s12], [sflag:$0x1] =	stream.indirect.gather [hbm4b:s3+s12], $0x80, s2, s12, $0xb8;
	[tilespmem:$0xC080] =	vst v63  }
0x2e: {  	_ =	swait.ge [sflag:s13], $0x4000  }
0x2f: {  	[sflag:s13] =	ssyncset.done $0x0  }
0x30: {  	[sflag:s13] =	ssyncadd.s32 $0xFFFFC000  }
0x31: {  	[tilespmem:s14], [sflag:$0x1] =	stream.indirect.gather [hbm4b:s4+s12], $0x80, s2, s12, $0xb8;
	[tilespmem:$0xC080] =	vst v63  }
0x32: {  	_ =	swait.ge [sflag:s13], $0x4000  }
0x33: {  	[sflag:s13] =	ssyncset.done $0x0  }
0x34: {  	[sflag:s13] =	ssyncadd.s32 $0xFFFFC000  }
0x35: {  	[tilespmem:s15], [sflag:$0x1] =	stream.indirect.gather [hbm4b:s5+s12], $0x80, s2, s12, $0xb8;
	[tilespmem:$0xC080] =	vst v63  }
0x36: {  	_ =	swait.ge [sflag:s13], $0x4000  }
0x37: {  	[sflag:s13] =	ssyncset.done $0x0  }
0x38: {  	s20 =	sadd.s32 s19, s6;
	[sflag:s13] =	ssyncadd.s32 $0xFFFFC000  }
0x39: {  	[hbm4b:s20+s2] =	stream.linear.scatter [tilespmem:s12], [sflag:$0x2], $0x4000, $0x38;
	[tilespmem:$0xC080] =	vst v63  }
0x3a: {  	_ =	swait.ge [sflag:s11], $0x4000  }
0x3b: {  	[sflag:s11] =	ssyncset.done $0x0  }
0x3c: {  	s20 =	sadd.s32 s19, s7;
	[sflag:s11] =	ssyncadd.s32 $0xFFFFC000  }
0x3d: {  	[hbm4b:s20+s2] =	stream.linear.scatter [tilespmem:s14], [sflag:$0x2], $0x4000, $0x38;
	[tilespmem:$0xC080] =	vst v63  }
0x3e: {  	_ =	swait.ge [sflag:s11], $0x4000  }
.Ltmp0:
0x3f: {  	[sflag:s11] =	ssyncset.done $0x0;
	(pc) =	sbr.rel @p0 .LBB2_2-.Ltmp0, $4  }
0x40: {  	s19 =	sadd.s32 s19, s9;
	[sflag:s11] =	ssyncadd.s32 $0xFFFFC000  }
0x41: {  	[hbm4b:s19+s2] =	stream.linear.scatter [tilespmem:s15], [sflag:$0x2], $0x4000, $0x38;
	[tilespmem:$0xC080] =	vst v63  }
0x42: {  	_ =	swait.ge [sflag:s11], $0x4000  }
0x43: {  	[sflag:s11] =	ssyncset.done $0x0  }
0x44: {  	s16 =	sadd.s32 $0x1, s16  }
0x45: {  	p0 =	sne.s32 s16, s8  }
.Ltmp1:
0x46: {  	_ = 	snop;
	(pc) =	sbr.rel @p0 .LBB2_1-.Ltmp1, $2  }
0x47: {  	_ =	sdelay $0x2  }
0x48: {  	[sflag:s11] =	ssyncadd.s32 $0xFFFFC000  }
0x49: {  	_ =	sfence.sel $0x180000  }
0x4a: {  	[bflag:$0x0] =	sbarrier.arrive $0xFFFF  }
0x4b: {  	p0 =	sne.s32 s0, $0x0;
	_ =	strace $0x9000004D  }
0x4c: {  	s0 =	sadd.s32 @!p0 $0x100000, s1;
	[bflag:$0x2] =	sbarrier.arrive $0xFFFF  }
0x4d: {  	[sflag:s0] =	ssyncadd.tile.s32 @!p0 $0x1;
	_ =	shalt  }
.Lfunc_end2:
_tile_overlayer_lowered:
.L_overlay_start_2:
0x4e: {  	(tag) =	ssettag $0x2  }
0x4f: {  	s0 =	rddreg [dreg:$0x0];
	s2 =	stileid.u32  }
0x50: {  	s1 =	rddreg [dreg:$0x1];
	p0 =	sne.s32 s2, $0x0  }
0x51: {  	s3 =	rddreg [dreg:$0x2];
	[bflag:$0x3] =	sbarrier.arrive $0xFFFF;
	s2 =	simm.s32 @!p0 $0x1C02  }
0x52: {  	[timem:s3], [sflag:s2] =	dma.local @!p0 [hbm:s0], s1  }
0x53: {  	s0 =	simm.s32 @!p0 $0x2  }
0x54: {  	_ =	swait.ge @!p0 [sflag:s0], s1  }
0x55: {  	s1 =	ssub.s32 @!p0 $0x0, s1;
	[sflag:s0] =	ssyncset.done @!p0 $0x0  }
0x56: {  	[sflag:s0] =	ssyncadd.s32 @!p0 s1  }
0x57: {  	[bflag:$0x3] =	sbarrier.arrive $0xFFFF  }
0x58: {  	_ =	shalt  }

// kernel: kernel.24.cloned.1.call-start
scs
__scs_entry_jumppad:
0x0: {  	(pc) =	sbr.rel $0x88, $3  }
0x1: {  	(tag) =	ssettag $0x0;
	lr =	simm.s32 $0x1  }
0x2: {  	[smem:$0x3F90] =	sst lr;
	_ =	strace $0xD0000000  }
0x3: {  	_ = 	snop  }
0x4: {  	_ = 	snop  }
0x5: {  	_ = 	snop  }
0x6: {  	_ = 	snop  }
0x7: {  	_ = 	snop  }
__scs_overlays_trampoline_lowered:
0x8: {  	[smem:$0x3F9F] =	sst s0  }
0x9: {  	[smem:$0x3FA0] =	sst s1  }
0xa: {  	[smem:$0x3FA1] =	sst s2  }
0xb: {  	[smem:$0x3FA2] =	sst s3  }
0xc: {  	[smem:$0x3FA3] =	sst s4  }
0xd: {  	[smem:$0x3FA4] =	sst s5  }
0xe: {  	[smem:$0x3FA5] =	sst s6  }
0xf: {  	[smem:$0x3FA6] =	sst s7  }
0x10: {  	[smem:$0x3FA7] =	sst s8  }
0x11: {  	[smem:$0x3FA8] =	sst s9;
	s0 =	simm.s32 @!p0 $0x0  }
0x12: {  	s1 =	sld [smem:$0x3F8E];
	s0 =	simm.s32 @p0 $0x1  }
0x13: {  	[smem:$0x3FA9] =	sst s0;
	s0 =	simm.s32 @!p1 $0x0  }
0x14: {  	s2 =	sld [smem:$0x3F8D];
	s0 =	simm.s32 @p1 $0x1  }
0x15: {  	[smem:$0x3FAA] =	sst s0;
	s0 =	simm.s32 @!p2 $0x0  }
0x16: {  	s3 =	sld [smem:$0x3FDB];
	s0 =	simm.s32 @p2 $0x1  }
0x17: {  	s4 =	simm.s32 $0x1BF5;
	[smem:$0x3FAC] =	sst s0  }
0x18: {  	s0 =	sld [smem:$0x3F8F];
	_ =	swait.ge [sflag:s4], $0x0  }
0x19: {  	s7 =	sld [smem:$0x3F90]  }
0x1a: {  	s8 =	sadd.s32 $0xFFFFE003, lr  }
0x1b: {  	s9 =	sadd.s32 $0xFFFFFEF7, lr;
	s5 =	simm.s32 $0xFFFFFFFF;
	p2 =	slt.u32 s8, $0xFFFFF086  }
0x1c: {  	p1 =	slt.u32 s9, $0xF7A;
	s5 =	simm.s32 @!p2 $0x0  }
0x1d: {  	s5 =	simm.s32 @p1 $0x1;
	p0 =	seq.s32 s7, s2  }
0x1e: {  	s7 =	smul.u32 @!p0 $0xF7A, s2;
	p2 =	seq.s32 @!p0 s5, $0x0  }
0x1f: {  	s9 =	smul.u32 $0xF7A, s1;
	s8 =	simm.s32 @!p0 $0x1BF5;
	p2 =	por !p2, p0  }
0x20: {  	[sflag:s8] =	ssyncset.s32 @!p0 $0xFFFFF086;
	s6 =	sadd.s32 @!p0 s3, s7;
	s7 =	simm.s32 @!p0 $0x108  }
0x21: {  	s3 =	sadd.s32 s3, s9;
	s6 =	sadd.s32 @!p0 $0x88, s6;
	s7 =	simm.s32 @p2 $0x1082  }
0x22: {  	[simem:s7], [sflag:s8] =	dma.local @!p0 [hbm:s6], $0xF7A  }
0x23: {  	s9 =	sor.u32 $0xD0000000, s2;
	s6 =	simm.s32 $0x108;
	_ =	swait.ge @!p0 [sflag:s8], $0x0  }
0x24: {  	s3 =	sadd.s32 $0x88, s3;
	s6 =	simm.s32 @!p1 $0x1082;
	[sflag:s4] =	ssyncset.s32 $0xFFFFF086  }
0x25: {  	[simem:s6], [sflag:s4] =	dma.local [hbm:s3], $0xF7A  }
0x26: {  	[smem:$0x3F90] =	sst s1;
	(tag) =	ssettag s2;
	_ =	strace s9  }
0x27: {  	s1 =	sld [smem:$0x3FA0]  }
0x28: {  	s2 =	sld [smem:$0x3FA1]  }
0x29: {  	s4 =	sld [smem:$0x3FA3]  }
0x2a: {  	p0 =	seq.s32 s5, $0x0;
	s5 =	sld [smem:$0x3FA4]  }
0x2b: {  	s6 =	sld [smem:$0x3FA5]  }
0x2c: {  	s7 =	sld [smem:$0x3FA6]  }
0x2d: {  	s3 =	simm.s32 $0x108;
	s8 =	sld [smem:$0x3FA7]  }
0x2e: {  	s3 =	simm.s32 @!p0 $0x1082;
	s9 =	sld [smem:$0x3FA8]  }
0x2f: {  	lr =	sadd.s32 s0, s3;
	s0 =	sld [smem:$0x3F9F]  }
0x30: {  	s3 =	sld [smem:$0x3FA2]  }
0x31: {  	[smem:$0x3FAB] =	sst s10  }
0x32: {  	s10 =	sld [smem:$0x3FA9];
	_ =	sdelay $0x3  }
0x33: {  	p0 =	seq.s32 s10, $0x1;
	s10 =	sld [smem:$0x3FAB];
	_ =	sdelay $0x3  }
0x34: {  	[smem:$0x3FAB] =	sst s10  }
0x35: {  	s10 =	sld [smem:$0x3FAA];
	_ =	sdelay $0x3  }
0x36: {  	p1 =	seq.s32 s10, $0x1;
	s10 =	sld [smem:$0x3FAB];
	_ =	sdelay $0x3  }
0x37: {  	[smem:$0x3FAB] =	sst s10  }
0x38: {  	s10 =	sld [smem:$0x3FAC]  }
0x39: {  	_ = 	snop;
	(pc) =	sbr.ind lr, $3  }
0x3a: {  	_ = 	snop  }
0x3b: {  	_ = 	snop  }
0x3c: {  	p2 =	seq.s32 s10, $0x1;
	s10 =	sld [smem:$0x3FAB]  }
0x3d: {  	_ =	shalt  }
0x3e: {  	_ =	shalt  }
0x3f: {  	_ =	shalt  }
0x40: {  	_ =	shalt  }
0x41: {  	_ =	shalt  }
0x42: {  	_ =	shalt  }
0x43: {  	_ =	shalt  }
0x44: {  	_ =	shalt  }
0x45: {  	_ =	shalt  }
0x46: {  	_ =	shalt  }
0x47: {  	_ =	shalt  }
0x48: {  	_ =	shalt  }
0x49: {  	_ =	shalt  }
0x4a: {  	_ =	shalt  }
0x4b: {  	_ =	shalt  }
0x4c: {  	_ =	shalt  }
0x4d: {  	_ =	shalt  }
0x4e: {  	_ =	shalt  }
0x4f: {  	_ =	shalt  }
0x50: {  	_ =	shalt  }
0x51: {  	_ =	shalt  }
0x52: {  	_ =	shalt  }
0x53: {  	_ =	shalt  }
0x54: {  	_ =	shalt  }
0x55: {  	_ =	shalt  }
0x56: {  	_ =	shalt  }
0x57: {  	_ =	shalt  }
0x58: {  	_ =	shalt  }
0x59: {  	_ =	shalt  }
0x5a: {  	_ =	shalt  }
0x5b: {  	_ =	shalt  }
0x5c: {  	_ =	shalt  }
0x5d: {  	_ =	shalt  }
0x5e: {  	_ =	shalt  }
0x5f: {  	_ =	shalt  }
0x60: {  	_ =	shalt  }
0x61: {  	_ =	shalt  }
0x62: {  	_ =	shalt  }
0x63: {  	_ =	shalt  }
0x64: {  	_ =	shalt  }
0x65: {  	_ =	shalt  }
0x66: {  	_ =	shalt  }
0x67: {  	_ =	shalt  }
0x68: {  	_ =	shalt  }
0x69: {  	_ =	shalt  }
0x6a: {  	_ =	shalt  }
0x6b: {  	_ =	shalt  }
0x6c: {  	_ =	shalt  }
0x6d: {  	_ =	shalt  }
0x6e: {  	_ =	shalt  }
0x6f: {  	_ =	shalt  }
0x70: {  	_ =	shalt  }
0x71: {  	_ =	shalt  }
0x72: {  	_ =	shalt  }
0x73: {  	_ =	shalt  }
0x74: {  	_ =	shalt  }
0x75: {  	_ =	shalt  }
0x76: {  	_ =	shalt  }
0x77: {  	_ =	shalt  }
0x78: {  	_ =	shalt  }
0x79: {  	_ =	shalt  }
0x7a: {  	_ =	shalt  }
0x7b: {  	_ =	shalt  }
0x7c: {  	_ =	shalt  }
0x7d: {  	_ =	shalt  }
0x7e: {  	_ =	shalt  }
0x7f: {  	_ =	shalt  }
0x80: {  	_ =	shalt  }
0x81: {  	_ =	shalt  }
0x82: {  	_ =	shalt  }
0x83: {  	_ =	shalt  }
0x84: {  	_ =	shalt  }
0x85: {  	_ =	shalt  }
0x86: {  	_ =	shalt  }
0x87: {  	_ =	shalt  }
.Lfunc_end0:
.L_simem_size_0:
called_computation.3_lowered:
.L_overlay_start_0:
0x88: {  	s2 =	sld [smem:$0x3FD9]  }
0x89: {  	s3 =	sld [smem:$0x3FFE];
	_ =	sdelay $0x1  }
0x8a: {  	s1 =	srdreg.scid  }
0x8b: {  	s0 =	sand.u32 $0x1, s1  }
0x8c: {  	s17 =	sshll.u32 s0, $0xA;
	s2 =	sadd.s32 s3, s2  }
0x8d: {  	s2 =	sadd.s32 s2, s17  }
0x8e: {  	[smem:$0x3FB7] =	sst s2  }
0x8f: {  	_ = 	snop  }
0x90: {  	(tm) =	ssettm $0x1  }
0x91: {  	s18 =	sld [smem:$0x3FFB];
	_ =	sdelay $0x3  }
0x92: {  	_ =	strace s18  }
0x93: {  	s2 =	sld [smem:$0x3FFC];
	_ =	sdelay $0x3  }
0x94: {  	_ =	strace s2  }
0x95: {  	s2 =	sld [smem:$0x3FFD];
	_ =	sdelay $0x3  }
0x96: {  	_ =	strace s2  }
0x97: {  	_ =	strace $0x8FFFFFFF  }
0x98: {  	s19 =	sld [smem:$0x3FDB];
	_ =	sdelay $0x1  }
0x99: {  	s20 =	simm.s32 $_scs_section_size  }
0x9a: {  	s4 =	simm.s32 $_size__tile_overlayer_lowered;
	s5 =	simm.s32 $_tile_overlayer_lowered  }
0x9b: {  	s6 =	simm.s32 $0x1BFF;
	s21 =	sshll.u32 s5, $0x1;
	s3 =	sadd.s32 s20, s19  }
0x9c: {  	s22 =	simm.s32 $0x0;
	s4 =	sshll.u32 s4, $0x1;
	s5 =	sadd.s32 s21, s3  }
0x9d: {  	[timem:s22], [sflag:s6] =	dma.local [hbm:s5], s4  }
0x9e: {  	_ =	swait.ge [sflag:s6], s4  }
0x9f: {  	s4 =	ssub.s32 $0x0, s4;
	[sflag:s6] =	ssyncset.done $0x0  }
0xa0: {  	[sflag:s6] =	ssyncadd.s32 s4;
	_ =	sdelay $0x1  }
0xa1: {  	s23 =	simm.s32 $0x1B8B  }
0xa2: {  	_ =	swait.ge [sflag:s23], $0x1  }
0xa3: {  	[sflag:s23] =	ssyncset.done $0x0  }
0xa4: {  	[sflag:s23] =	ssyncadd.s32 $0xFFFFFFFF  }
0xa5: {  	s4 =	sld [smem:$0x0]  }
0xa6: {  	s5 =	sand.u32 $0xFFFFFFFE, s1  }
0xa7: {  	p0 =	sne.s32 s1, s5  }
0xa8: {  	s5 =	sshll.u32 @p0 s5, $0xE  }
0xa9: {  	s5 =	sadd.s32 @p0 $0x11B8D, s5;
	s6 =	sshll.u32 @p0 s4, $0x11  }
0xaa: {  	s5 =	sor.u32 @p0 s6, s5  }
0xab: {  	[sflag:s5] =	ssyncadd.remote.s32 @p0 $0x1;
	_ =	sdelay $0x1  }
0xac: {  	s5 =	simm.s32 @p0 $0x1B8D  }
0xad: {  	_ =	swait.eq @p0 [sflag:s5], $0x1  }
0xae: {  	[sflag:s5] =	ssyncadd.s32 @p0 $0xFFFFFFFF  }
0xaf: {  	s6 =	sshll.u32 @!p0 s1, $0xE  }
0xb0: {  	s6 =	sor.u32 @!p0 $0x4000, s6;
	s5 =	simm.s32 @!p0 $0x1B8D  }
0xb1: {  	s4 =	sshll.u32 @!p0 s4, $0x11;
	s6 =	sadd.s32 @!p0 $0x11B8D, s6;
	_ =	swait.eq @!p0 [sflag:s5], $0x1  }
0xb2: {  	s4 =	sor.u32 @!p0 s4, s6;
	[sflag:s5] =	ssyncadd.s32 @!p0 $0xFFFFFFFF  }
0xb3: {  	s25 =	simm.s32 $0x1B8E;
	s24 =	sld [smem:$0x3FFE];
	[sflag:s4] =	ssyncadd.remote.s32 @!p0 $0x1  }
0xb4: {  	s26 =	simm.s32 $execute0_lowered;
	[smem:$0x3FD2] =	sst s25  }
0xb5: {  	s5 =	sshll.u32 s26, $0x1;
	_ =	strace $0x8000004F;
	[dreg:$0x1] =	wrdreg $0xFFFFFFFF  }
0xb6: {  	s28 =	simm.s32 $_size_execute0_lowered;
	s3 =	sadd.s32 s3, s5;
	[dreg:$0x0] =	wrdreg $0x0  }
0xb7: {  	s5 =	sshll.u32 s28, $0x1;
	[dreg:$0x2] =	wrdreg s3  }
0xb8: {  	[dreg:$0x3] =	wrdreg s5  }
0xb9: {  	[dreg:$0x4] =	wrdreg $0xC0  }
0xba: {  	_ =	task [dreg:s22], $0x5FFFF  }
0xbb: {  	[dreg:$0x1] =	wrdreg $0xFFFFFFFF  }
0xbc: {  	[dreg:$0x0] =	wrdreg $0x60  }
0xbd: {  	[dreg:$0x2] =	wrdreg s24  }
0xbe: {  	[dreg:$0x3] =	wrdreg $0xC  }
0xbf: {  	_ =	task.clear_ibuf [dreg:s22], $0x4FFFF;
	_ =	strace $0x9000004F  }
0xc0: {  	s29 =	simm.s32 $0xC;
	_ =	strace $0x80000051  }
0xc1: {  	_ =	swait.ge [sflag:s29], $0x1  }
0xc2: {  	[sflag:s29] =	ssyncadd.s32 $0xFFFFFFFF  }
0xc3: {  	_ =	strace $0x90000051  }
0xc4: {  	_ =	sfence  }
0xc5: {  	s30 =	sld [smem:$0x0];
	_ =	sdelay $0x2  }
0xc6: {  	s31 =	sshll.u32 s1, $0xD;
	s1 =	sshrl.u32 s1, $0x2  }
0xc7: {  	s4 =	sand.u32 $0x4000, s31;
	s1 =	sadd.s32 s1, s30  }
0xc8: {  	s0 =	sor.u32 s4, s0;
	s1 =	sshll.u32 s1, $0x11  }
0xc9: {  	s0 =	sor.u32 s1, s0  }
0xca: {  	s0 =	sadd.s32 $0x8F2B, s0  }
0xcb: {  	[sflag:s0] =	ssyncadd.remote.s32 $0x1  }
0xcc: {  	_ =	sfence.sel $0xFFFF  }
0xcd: {  	[dreg:$0x0] =	wrdreg $0xFFFFFFFF;
	(pc) =	sbr.abs _section_cstart, $3  }
0xce: {  	[dreg:$0x1] =	wrdreg $0xFFFFFFFF  }
0xcf: {  	_ =	task.clear_ibuf [dreg:s22], $0x2FFFF;
	_ =	strace $0x9FFFFFFF  }
0xd0: {  	(tm) =	ssettm $0x7FFFFFFF  }
0xd1: {  	_ =	shalt  }
tec
execute0_lowered:
.L_overlay_start_1:
0x0: {  	(tag) =	ssettag $0x1  }
0x1: {  	s1 =	srdreg.scid  }
0x2: {  	s0 =	stileid.u32;
	s6 =	rddreg [dreg:$0x0];
	s2 =	simm.s32 $0x0  }
0x3: {  	s11 =	simm.s32 $0x2;
	s12 =	simm.s32 $0x80;
	s13 =	simm.s32 $0x1  }
0x4: {  	s14 =	simm.s32 $0x4080;
	s15 =	simm.s32 $0x8080;
	s16 =	simm.s32 $0x0  }
0x5: {  	s5 =	sand.u32 $0x1, s1;
	s3 =	sshll.u32 s0, $0xB;
	s1 =	rddreg [dreg:$0x1]  }
0x6: {  	[smem:$0x7FF] =	sst s2;
	s7 =	sshll.u32 s0, $0xF;
	s4 =	sshll.u32 s5, $0xA  }
0x7: {  	_ =	strace $0x80000050;
	s7 =	sadd.s32 s7, s6;
	s8 =	ssub.s32 $0x2, s5  }
0x8: {  	s9 =	sshll.u32 s5, $0xE;
	s5 =	sadd.s32 $0x5A00, s6;
	s3 =	sor.u32 s4, s3  }
0x9: {  	s4 =	sadd.s32 $0x45A00, s6;
	s31 =	sshrl.u32 s8, $0x1;
	s9 =	sadd.s32 s9, s7  }
0xa: {  	s3 =	sshrl.u32 s3, $0x3;
	s8 =	ssub.s32 s8, s31;
	s7 =	sadd.s32 $0x568A00, s9  }
0xb: {  	s10 =	sadd.s32 s3, s6;
	s3 =	sadd.s32 $0x25A00, s6;
	s6 =	sadd.s32 $0x4E8A00, s9  }
0xc: {  	s8 =	smax.u32 s8, $0x1;
	s9 =	sadd.s32 $0x5E8A00, s9;
	s10 =	sadd.s32 $0x4E7A00, s10  }
.LBB2_1:
0xd: {  	[tilespmem:s2], [sflag:$0x2] =	stream.linear.gather [hbm4b:s10+s2], $0x80, $0x38;
	[tilespmem:$0xC080] =	vst v63  }
0xe: {  	_ =	swait.ge [sflag:s11], $0x80  }
0xf: {  	[sflag:s11] =	ssyncset.done $0x0  }
0x10: {  	[sflag:s11] =	ssyncadd.s32 $0xFFFFFF80  }
0x11: {  	[tilespmem:s12], [sflag:$0x1] =	stream.indirect.gather [hbm4b:s3+s12], $0x80, s2, s12, $0xb8;
	[tilespmem:$0xC080] =	vst v63  }
0x12: {  	_ =	swait.ge [sflag:s13], $0x4000  }
0x13: {  	[sflag:s13] =	ssyncset.done $0x0  }
0x14: {  	[sflag:s13] =	ssyncadd.s32 $0xFFFFC000  }
0x15: {  	[tilespmem:s14], [sflag:$0x1] =	stream.indirect.gather [hbm4b:s4+s12], $0x80, s2, s12, $0xb8;
	[tilespmem:$0xC080] =	vst v63  }
0x16: {  	_ =	swait.ge [sflag:s13], $0x4000  }
0x17: {  	[sflag:s13] =	ssyncset.done $0x0  }
0x18: {  	[sflag:s13] =	ssyncadd.s32 $0xFFFFC000  }
0x19: {  	[tilespmem:s15], [sflag:$0x1] =	stream.indirect.gather [hbm4b:s5+s12], $0x80, s2, s12, $0xb8;
	[tilespmem:$0xC080] =	vst v63  }
0x1a: {  	_ =	swait.ge [sflag:s13], $0x4000  }
0x1b: {  	[sflag:s13] =	ssyncset.done $0x0  }
0x1c: {  	s17 =	sadd.s32 $0x0, s6;
	[sflag:s13] =	ssyncadd.s32 $0xFFFFC000  }
0x1d: {  	[hbm4b:s17+s2] =	stream.linear.scatter [tilespmem:s12], [sflag:$0x2], $0x4000, $0x38;
	[tilespmem:$0xC080] =	vst v63  }
0x1e: {  	_ =	swait.ge [sflag:s11], $0x4000  }
0x1f: {  	[sflag:s11] =	ssyncset.done $0x0  }
0x20: {  	s30 =	sadd.s32 $0x0, s7;
	[sflag:s11] =	ssyncadd.s32 $0xFFFFC000  }
0x21: {  	[hbm4b:s30+s2] =	stream.linear.scatter [tilespmem:s14], [sflag:$0x2], $0x4000, $0x38;
	[tilespmem:$0xC080] =	vst v63  }
0x22: {  	_ =	swait.ge [sflag:s11], $0x4000  }
0x23: {  	[sflag:s11] =	ssyncset.done $0x0  }
0x24: {  	s31 =	sadd.s32 $0x0, s9;
	[sflag:s11] =	ssyncadd.s32 $0xFFFFC000  }
0x25: {  	[hbm4b:s31+s2] =	stream.linear.scatter [tilespmem:s15], [sflag:$0x2], $0x4000, $0x38;
	[tilespmem:$0xC080] =	vst v63  }
0x26: {  	_ =	swait.ge [sflag:s11], $0x4000  }
0x27: {  	s18 =	smov.u32 s10;
	s17 =	simm.s32 $0x800;
	[sflag:s11] =	ssyncset.done $0x0  }
.LBB2_2:
0x28: {  	p0 =	sne.s32 s17, $0x3800;
	[sflag:s11] =	ssyncadd.s32 $0xFFFFC000;
	s18 =	sadd.s32 $0x10, s18  }
0x29: {  	[tilespmem:s2], [sflag:$0x2] =	stream.linear.gather [hbm4b:s18+s2], $0x80, $0x38;
	[tilespmem:$0xC080] =	vst v63  }
0x2a: {  	s19 =	smov.u32 s17;
	s17 =	sadd.s32 $0x800, s17;
	_ =	swait.ge [sflag:s11], $0x80  }
0x2b: {  	[sflag:s11] =	ssyncset.done $0x0  }
0x2c: {  	[sflag:s11] =	ssyncadd.s32 $0xFFFFFF80  }
0x2d: {  	[tilespmem:s12], [sflag:$0x1] =	stream.indirect.gather [hbm4b:s3+s12], $0x80, s2, s12, $0xb8;
	[tilespmem:$0xC080] =	vst v63  }
0x2e: {  	_ =	swait.ge [sflag:s13], $0x4000  }
0x2f: {  	[sflag:s13] =	ssyncset.done $0x0  }
0x30: {  	[sflag:s13] =	ssyncadd.s32 $0xFFFFC000  }
0x31: {  	[tilespmem:s14], [sflag:$0x1] =	stream.indirect.gather [hbm4b:s4+s12], $0x80, s2, s12, $0xb8;
	[tilespmem:$0xC080] =	vst v63  }
0x32: {  	_ =	swait.ge [sflag:s13], $0x4000  }
0x33: {  	[sflag:s13] =	ssyncset.done $0x0  }
0x34: {  	[sflag:s13] =	ssyncadd.s32 $0xFFFFC000  }
0x35: {  	[tilespmem:s15], [sflag:$0x1] =	stream.indirect.gather [hbm4b:s5+s12], $0x80, s2, s12, $0xb8;
	[tilespmem:$0xC080] =	vst v63  }
0x36: {  	_ =	swait.ge [sflag:s13], $0x4000  }
0x37: {  	[sflag:s13] =	ssyncset.done $0x0  }
0x38: {  	s20 =	sadd.s32 s19, s6;
	[sflag:s13] =	ssyncadd.s32 $0xFFFFC000  }
0x39: {  	[hbm4b:s20+s2] =	stream.linear.scatter [tilespmem:s12], [sflag:$0x2], $0x4000, $0x38;
	[tilespmem:$0xC080] =	vst v63  }
0x3a: {  	_ =	swait.ge [sflag:s11], $0x4000  }
0x3b: {  	[sflag:s11] =	ssyncset.done $0x0  }
0x3c: {  	s20 =	sadd.s32 s19, s7;
	[sflag:s11] =	ssyncadd.s32 $0xFFFFC000  }
0x3d: {  	[hbm4b:s20+s2] =	stream.linear.scatter [tilespmem:s14], [sflag:$0x2], $0x4000, $0x38;
	[tilespmem:$0xC080] =	vst v63  }
0x3e: {  	_ =	swait.ge [sflag:s11], $0x4000  }
.Ltmp0:
0x3f: {  	[sflag:s11] =	ssyncset.done $0x0;
	(pc) =	sbr.rel @p0 .LBB2_2-.Ltmp0, $4  }
0x40: {  	s19 =	sadd.s32 s19, s9;
	[sflag:s11] =	ssyncadd.s32 $0xFFFFC000  }
0x41: {  	[hbm4b:s19+s2] =	stream.linear.scatter [tilespmem:s15], [sflag:$0x2], $0x4000, $0x38;
	[tilespmem:$0xC080] =	vst v63  }
0x42: {  	_ =	swait.ge [sflag:s11], $0x4000  }
0x43: {  	[sflag:s11] =	ssyncset.done $0x0  }
0x44: {  	s16 =	sadd.s32 $0x1, s16  }
0x45: {  	p0 =	sne.s32 s16, s8  }
.Ltmp1:
0x46: {  	_ = 	snop;
	(pc) =	sbr.rel @p0 .LBB2_1-.Ltmp1, $2  }
0x47: {  	_ =	sdelay $0x2  }
0x48: {  	[sflag:s11] =	ssyncadd.s32 $0xFFFFC000  }
0x49: {  	_ =	sfence.sel $0x180000  }
0x4a: {  	[bflag:$0x0] =	sbarrier.arrive $0xFFFF  }
0x4b: {  	p0 =	sne.s32 s0, $0x0;
	_ =	strace $0x90000050  }
0x4c: {  	s0 =	sadd.s32 @!p0 $0x100000, s1;
	[bflag:$0x2] =	sbarrier.arrive $0xFFFF  }
0x4d: {  	[sflag:s0] =	ssyncadd.tile.s32 @!p0 $0x1;
	_ =	shalt  }
.Lfunc_end2:
_tile_overlayer_lowered:
.L_overlay_start_2:
0x4e: {  	(tag) =	ssettag $0x2  }
0x4f: {  	s0 =	rddreg [dreg:$0x0];
	s2 =	stileid.u32  }
0x50: {  	s1 =	rddreg [dreg:$0x1];
	p0 =	sne.s32 s2, $0x0  }
0x51: {  	s3 =	rddreg [dreg:$0x2];
	[bflag:$0x3] =	sbarrier.arrive $0xFFFF;
	s2 =	simm.s32 @!p0 $0x1C02  }
0x52: {  	[timem:s3], [sflag:s2] =	dma.local @!p0 [hbm:s0], s1  }
0x53: {  	s0 =	simm.s32 @!p0 $0x2  }
0x54: {  	_ =	swait.ge @!p0 [sflag:s0], s1  }
0x55: {  	s1 =	ssub.s32 @!p0 $0x0, s1;
	[sflag:s0] =	ssyncset.done @!p0 $0x0  }
0x56: {  	[sflag:s0] =	ssyncadd.s32 @!p0 s1  }
0x57: {  	[bflag:$0x3] =	sbarrier.arrive $0xFFFF  }
0x58: {  	_ =	shalt  }

</sc_bundles>
